<compile_context>
chip_gen: v7x
topology: tpu7x:2x2x1
jax: 0.10.2.dev20260603
libtpu: 0.0.44.dev20260713+nightly
codegen_flags: <defaults>
</compile_context>

<pallas_src>
import functools

import jax
import jax.numpy as jnp
from jax import lax
from jax.experimental import pallas as pl
from jax.experimental.pallas import tpu as pltpu
from jax.experimental.pallas import tpu_sc as plsc

N = 10000
C = 128
E = 320000

NC = 2
NS = 16
NW = NC * NS

CHUNK = 128
EPT = 10240
NCHUNK = EPT // CHUNK
E_PAD = NW * EPT
N_PAD = 10240
ROWS_ACC = N_PAD // NS

N_HALF = 2
CH_HALF = NCHUNK // N_HALF

_MESH = dict(core_axis_name="c", subcore_axis_name="s", num_cores=NC,
             num_subcores=NS)


def _wid():
    return lax.axis_index("c") * NS + lax.axis_index("s")


def _deg_body(dst_hbm, deg_out, dstv, onesv, zbuf, acc):
    cid = lax.axis_index("c")
    sid = lax.axis_index("s")

    @pl.loop(0, CHUNK)
    def _init(i):
        for cc in range(C // 16):
            onesv[i, pl.ds(cc * 16, 16)] = jnp.ones((16,), jnp.float32)
            zbuf[i, pl.ds(cc * 16, 16)] = jnp.zeros((16,), jnp.float32)

    base = sid * ROWS_ACC
    for k in range(ROWS_ACC // CHUNK):
        pltpu.sync_copy(zbuf, acc.at[pl.ds(base + k * CHUNK, CHUNK)])
    pltpu.sync_copy(dst_hbm.at[_wid()], dstv)
    plsc.subcore_barrier()

    @pl.loop(0, NCHUNK)
    def _scatter(j):
        pltpu.sync_copy(onesv, acc.at[dstv.at[j]], add=True)

    plsc.subcore_barrier()
    sl = pl.ds(base, ROWS_ACC)
    pltpu.sync_copy(acc.at[sl], deg_out.at[cid, sl])


_deg_kernel = functools.partial(
    pl.kernel,
    out_type=jax.ShapeDtypeStruct((NC, N_PAD, C), jnp.float32),
    mesh=plsc.VectorSubcoreMesh(**_MESH),
    scratch_types=[
        pltpu.VMEM((NCHUNK, CHUNK), jnp.int32),
        pltpu.VMEM((CHUNK, C), jnp.float32),
        pltpu.VMEM((CHUNK, C), jnp.float32),
        pltpu.VMEM_SHARED((N_PAD, C), jnp.float32),
    ],
)(_deg_body)


def _prop_body(g_hbm, src_hbm, dst_hbm, out0, out1, srcv, dstv, rows0,
               rows1, sem0, sem1, acc):
    cid = lax.axis_index("c")
    sid = lax.axis_index("s")
    w = _wid()

    @pl.loop(0, CHUNK)
    def _zero_rows(i):
        for cc in range(C // 16):
            rows0[i, pl.ds(cc * 16, 16)] = jnp.zeros((16,), jnp.float32)

    base = sid * ROWS_ACC
    with jax.named_scope("acc_init"):
        for k in range(ROWS_ACC // CHUNK):
            pltpu.sync_copy(rows0, acc.at[pl.ds(base + k * CHUNK, CHUNK)])

        plsc.subcore_barrier()

    for h in range(N_HALF):
        with jax.named_scope(f"idx_load{h}"):
            pltpu.sync_copy(src_hbm.at[w, pl.ds(h * CH_HALF, CH_HALF)],
                            srcv)
            pltpu.sync_copy(dst_hbm.at[w, pl.ds(h * CH_HALF, CH_HALF)],
                            dstv)

        with jax.named_scope(f"edge_loop{h}"):
            pltpu.async_copy(g_hbm.at[srcv.at[0]], rows0, sem0)
            pltpu.async_copy(g_hbm.at[srcv.at[1]], rows1, sem1)

            @pl.loop(0, CH_HALF // 2)
            def _chunks(jj):
                j0 = 2 * jj
                j1 = j0 + 1
                pltpu.make_async_copy(g_hbm.at[srcv.at[j0]], rows0,
                                      sem0).wait()
                pltpu.sync_copy(rows0, acc.at[dstv.at[j0]], add=True)

                @pl.when(jj < CH_HALF // 2 - 1)
                def _():
                    pltpu.async_copy(g_hbm.at[srcv.at[j0 + 2]], rows0, sem0)

                pltpu.make_async_copy(g_hbm.at[srcv.at[j1]], rows1,
                                      sem1).wait()
                pltpu.sync_copy(rows1, acc.at[dstv.at[j1]], add=True)

                @pl.when(jj < CH_HALF // 2 - 1)
                def _():
                    pltpu.async_copy(g_hbm.at[srcv.at[j1 + 2]], rows1, sem1)

    with jax.named_scope("writeout"):
        plsc.subcore_barrier()
        for k in range(ROWS_ACC // CHUNK):
            sl = pl.ds(base + k * CHUNK, CHUNK)
            buf = rows0 if k % 2 == 0 else rows1
            pltpu.sync_copy(acc.at[sl], buf)

            @pl.when(cid == 0)
            def _():
                pltpu.sync_copy(buf, out1.at[sl])

            @pl.when(cid == 1)
            def _():
                pltpu.sync_copy(buf, out0.at[sl])


_prop_kernel = functools.partial(
    pl.kernel,
    out_type=[jax.ShapeDtypeStruct((N_PAD, C), jnp.float32),
              jax.ShapeDtypeStruct((N_PAD, C), jnp.float32)],
    mesh=plsc.VectorSubcoreMesh(**_MESH),
    scratch_types=[
        pltpu.VMEM((CH_HALF, CHUNK), jnp.int32),
        pltpu.VMEM((CH_HALF, CHUNK), jnp.int32),
        pltpu.VMEM((CHUNK, C), jnp.float32),
        pltpu.VMEM((CHUNK, C), jnp.float32),
        pltpu.SemaphoreType.DMA,
        pltpu.SemaphoreType.DMA,
        pltpu.VMEM_SHARED((N_PAD, C), jnp.float32),
    ],
)(_prop_body)


_R = 2560


def _dis_block(parts_ref):
    cnt = parts_ref[0, :, 0:1] + parts_ref[1, :, 0:1] + 1.0
    return lax.rsqrt(cnt)


def _pre_body(parts_ref, x_ref, w1_ref, g1_ref):
    dis = _dis_block(parts_ref)
    h = jnp.dot(x_ref[...], w1_ref[...], preferred_element_type=jnp.float32)
    g1_ref[...] = h * dis


def _mid_body(parts_ref, a0_ref, a1_ref, g1_ref, b1_ref, w2_ref, g2_ref):
    dis = _dis_block(parts_ref)
    s = dis * (a0_ref[...] + a1_ref[...] + g1_ref[...]) + b1_ref[...]
    r = jnp.maximum(s, 0.0)
    h2 = jnp.dot(r, w2_ref[...], preferred_element_type=jnp.float32)
    g2_ref[...] = h2 * dis


def _fin_body(parts_ref, a0_ref, a1_ref, g2_ref, b2_ref, out_ref):
    dis = _dis_block(parts_ref)
    out_ref[...] = dis * (a0_ref[...] + a1_ref[...] + g2_ref[...]) \
        + b2_ref[...]


_row_spec = pl.BlockSpec((_R, C), lambda i: (i, 0))
_acc_spec = pl.BlockSpec((2, _R, C), lambda i: (0, i, 0))
_full128 = pl.BlockSpec((1, C), lambda i: (0, 0))
_w_spec = pl.BlockSpec((C, C), lambda i: (0, 0))
_row_out = jax.ShapeDtypeStruct((N_PAD, C), jnp.float32)


def _tc_pre(parts, x, W1):
    return pl.pallas_call(
        _pre_body,
        grid=(N_PAD // _R,),
        in_specs=[_acc_spec, _row_spec, _w_spec],
        out_specs=_row_spec,
        out_shape=_row_out,
    )(parts, x, W1)


def _tc_mid(parts, a0, a1, g1, b1, W2):
    return pl.pallas_call(
        _mid_body,
        grid=(N_PAD // _R,),
        in_specs=[_acc_spec, _row_spec, _row_spec, _row_spec, _full128,
                  _w_spec],
        out_specs=_row_spec,
        out_shape=_row_out,
    )(parts, a0, a1, g1, b1, W2)


def _tc_fin(parts, a0, a1, g2, b2):
    return pl.pallas_call(
        _fin_body,
        grid=(N_PAD // _R,),
        in_specs=[_acc_spec, _row_spec, _row_spec, _row_spec, _full128],
        out_specs=_row_spec,
        out_shape=_row_out,
    )(parts, a0, a1, g2, b2)


def kernel(x, edge_index, W1, b1, W2, b2):
    src = edge_index[0].astype(jnp.int32)
    dst = edge_index[1].astype(jnp.int32)
    npad = E_PAD - E
    src = jnp.concatenate([src, jnp.zeros((npad,), jnp.int32)])
    dst = jnp.concatenate(
        [dst, N + (jnp.arange(npad, dtype=jnp.int32) % (N_PAD - N))])
    src = src.reshape(NCHUNK, NW, CHUNK).transpose(1, 0, 2)
    dst = dst.reshape(NCHUNK, NW, CHUNK).transpose(1, 0, 2)
    x_pad = jnp.concatenate(
        [x, jnp.zeros((N_PAD - N, C), jnp.float32)], axis=0)

    parts = _deg_kernel(dst)

    g1 = _tc_pre(parts, x_pad, W1)
    a10, a11 = _prop_kernel(g1, src, dst)
    g2 = _tc_mid(parts, a10, a11, g1, b1.reshape(1, C), W2)
    a20, a21 = _prop_kernel(g2, src, dst)
    out = _tc_fin(parts, a20, a21, g2, b2.reshape(1, C))
    return out[:N]

# --- scband reference (transcript-rebuilt; emitter-appended) ---
"""Pipeline reference for scband-gnn-pde-1279900254338 (READ-ONLY COPY).

The authoritative reference and input builder live on the scoring server;
editing this copy changes nothing except your own understanding.
"""

import jax, jax.numpy as jnp
import numpy as np

N_NODES = 10000
N_EDGES = 320000
IN_CH = 128
HID_CH = 128
OUT_CH = 128


def setup_inputs(seed: int = 0) -> dict:
    key = jax.random.key(seed)
    k_x, k_ei, k_w1, k_b1, k_w2, k_b2 = jax.random.split(key, 6)
    x = jax.random.normal(k_x, (N_NODES, IN_CH), dtype=jnp.float32)
    edge_index = jax.random.randint(k_ei, (2, N_EDGES), 0, N_NODES, dtype=jnp.int64)
    W1 = jax.random.normal(k_w1, (IN_CH, HID_CH), dtype=jnp.float32) * (1.0 / np.sqrt(IN_CH))
    b1 = jnp.zeros((HID_CH,), dtype=jnp.float32)
    W2 = jax.random.normal(k_w2, (HID_CH, OUT_CH), dtype=jnp.float32) * (1.0 / np.sqrt(HID_CH))
    b2 = jnp.zeros((OUT_CH,), dtype=jnp.float32)
    return {"x": x, "edge_index": edge_index, "W1": W1, "b1": b1, "W2": W2, "b2": b2}


def gcn_conv(x, edge_index, W, b):
    # Faithful GCNConv: out = D^{-1/2} (A + I) D^{-1/2} (x W) + b
    N = x.shape[0]
    src = edge_index[0]
    dst = edge_index[1]
    loop = jnp.arange(N, dtype=src.dtype)
    src = jnp.concatenate([src, loop], axis=0)
    dst = jnp.concatenate([dst, loop], axis=0)
    h = x @ W
    deg = jax.ops.segment_sum(jnp.ones(dst.shape[0], dtype=jnp.float32), dst, num_segments=N)
    deg_inv_sqrt = jnp.where(deg > 0, jax.lax.rsqrt(jnp.maximum(deg, 1e-12)), 0.0)
    norm = deg_inv_sqrt[src] * deg_inv_sqrt[dst]
    msg = h[src] * norm[:, None]
    out = jax.ops.segment_sum(msg, dst, num_segments=N)
    return out + b


def reference(x, edge_index, W1, b1, W2, b2):
    h = jax.nn.relu(gcn_conv(x, edge_index, W1, b1))
    out = gcn_conv(h, edge_index, W2, b2)
    return out

if __name__ == "__main__":
    import jax
    _d = setup_inputs()
    print(jax.jit(kernel)(*tuple(_d.values())))

</pallas_src>

<mosaic_0001>
#map = affine_map<(d0, d1) -> (0, 0, 0)>
module attributes {stable_mosaic.version = 14 : i64} {
  func.func @_deg_body(%arg0: i32, %arg1: i32, %arg2: memref<32x80x128xi32, #tpu.memory_space<hbm>>, %arg3: memref<2x10240x128xf32, #tpu.memory_space<hbm>>, %arg4: memref<80x128xi32, #tpu.memory_space<vmem>>, %arg5: memref<128x128xf32, #tpu.memory_space<vmem>>, %arg6: memref<128x128xf32, #tpu.memory_space<vmem>>, %arg7: memref<10240x128xf32, #tpu.memory_space<vmem_shared>>) attributes {dimension_semantics = [#tpu.dimension_semantics<core_parallel>, #tpu.dimension_semantics<subcore_parallel>], iteration_bounds = array<i64: 2, 16>, scalar_prefetch = 0 : i64, scratch_operands = 4 : i64, tpu.core_type = #tpu.core_type<sc_vector_subcore>, window_params = [{transform_indices = #map}, {transform_indices = #map}]} {
    %scan3A = arith.constant 0 : i32
    %scan3A_0 = arith.constant 128 : i32
    %scan3A_1 = arith.addi %scan3A, %scan3A_0 : i32
    %scan3A_2 = arith.constant 1 : i32
    scf.for %scan3A_23 = %scan3A to %scan3A_1 step %scan3A_2  : i32 {
      %mul3A_24 = arith.constant 1 : i32
      %mul3A_25 = arith.muli %scan3A_23, %mul3A_24 : i32
      %add3A_26 = arith.constant 0 : i32
      %add3A_27 = arith.addi %add3A_26, %mul3A_25 : i32
      %broadcast_in_dim3A = arith.constant 1.000000e+00 : f32
      %broadcast_in_dim3A_28 = vector.broadcast %broadcast_in_dim3A : f32 to vector<16xf32>
      %swap3A = arith.index_cast %add3A_27 : i32 to index
      %swap3A_29 = arith.constant 0 : index
      %swap3A_30 = tpu.vector_load %arg5[%swap3A, %swap3A_29] {strides = array<i32>} : memref<128x128xf32, #tpu.memory_space<vmem>>, vector<1x16xf32>,
      %swap3A_31 = vector.shape_cast %swap3A_30 : vector<1x16xf32> to vector<16xf32>
      %swap3A_32 = vector.shape_cast %broadcast_in_dim3A_28 : vector<16xf32> to vector<1x16xf32>
      tpu.vector_store %arg5[%swap3A, %swap3A_29], %swap3A_32 {strides = array<i32>} : memref<128x128xf32, #tpu.memory_space<vmem>>, vector<1x16xf32>,
      %broadcast_in_dim3A_33 = arith.constant 0.000000e+00 : f32
      %broadcast_in_dim3A_34 = vector.broadcast %broadcast_in_dim3A_33 : f32 to vector<16xf32>
      %swap3A_35 = arith.index_cast %add3A_27 : i32 to index
      %swap3A_36 = arith.constant 0 : index
      %swap3A_37 = tpu.vector_load %arg6[%swap3A_35, %swap3A_36] {strides = array<i32>} : memref<128x128xf32, #tpu.memory_space<vmem>>, vector<1x16xf32>,
      %swap3A_38 = vector.shape_cast %swap3A_37 : vector<1x16xf32> to vector<16xf32>
      %swap3A_39 = vector.shape_cast %broadcast_in_dim3A_34 : vector<16xf32> to vector<1x16xf32>
      tpu.vector_store %arg6[%swap3A_35, %swap3A_36], %swap3A_39 {strides = array<i32>} : memref<128x128xf32, #tpu.memory_space<vmem>>, vector<1x16xf32>,
      %broadcast_in_dim3A_40 = arith.constant 1.000000e+00 : f32
      %broadcast_in_dim3A_41 = vector.broadcast %broadcast_in_dim3A_40 : f32 to vector<16xf32>
      %swap3A_42 = arith.index_cast %add3A_27 : i32 to index
      %swap3A_43 = arith.constant 16 : index
      %swap3A_44 = tpu.vector_load %arg5[%swap3A_42, %swap3A_43] {strides = array<i32>} : memref<128x128xf32, #tpu.memory_space<vmem>>, vector<1x16xf32>,
      %swap3A_45 = vector.shape_cast %swap3A_44 : vector<1x16xf32> to vector<16xf32>
      %swap3A_46 = vector.shape_cast %broadcast_in_dim3A_41 : vector<16xf32> to vector<1x16xf32>
      tpu.vector_store %arg5[%swap3A_42, %swap3A_43], %swap3A_46 {strides = array<i32>} : memref<128x128xf32, #tpu.memory_space<vmem>>, vector<1x16xf32>,
      %broadcast_in_dim3A_47 = arith.constant 0.000000e+00 : f32
      %broadcast_in_dim3A_48 = vector.broadcast %broadcast_in_dim3A_47 : f32 to vector<16xf32>
      %swap3A_49 = arith.index_cast %add3A_27 : i32 to index
      %swap3A_50 = arith.constant 16 : index
      %swap3A_51 = tpu.vector_load %arg6[%swap3A_49, %swap3A_50] {strides = array<i32>} : memref<128x128xf32, #tpu.memory_space<vmem>>, vector<1x16xf32>,
      %swap3A_52 = vector.shape_cast %swap3A_51 : vector<1x16xf32> to vector<16xf32>
      %swap3A_53 = vector.shape_cast %broadcast_in_dim3A_48 : vector<16xf32> to vector<1x16xf32>
      tpu.vector_store %arg6[%swap3A_49, %swap3A_50], %swap3A_53 {strides = array<i32>} : memref<128x128xf32, #tpu.memory_space<vmem>>, vector<1x16xf32>,
      %broadcast_in_dim3A_54 = arith.constant 1.000000e+00 : f32
      %broadcast_in_dim3A_55 = vector.broadcast %broadcast_in_dim3A_54 : f32 to vector<16xf32>
      %swap3A_56 = arith.index_cast %add3A_27 : i32 to index
      %swap3A_57 = arith.constant 32 : index
      %swap3A_58 = tpu.vector_load %arg5[%swap3A_56, %swap3A_57] {strides = array<i32>} : memref<128x128xf32, #tpu.memory_space<vmem>>, vector<1x16xf32>,
      %swap3A_59 = vector.shape_cast %swap3A_58 : vector<1x16xf32> to vector<16xf32>
      %swap3A_60 = vector.shape_cast %broadcast_in_dim3A_55 : vector<16xf32> to vector<1x16xf32>
      tpu.vector_store %arg5[%swap3A_56, %swap3A_57], %swap3A_60 {strides = array<i32>} : memref<128x128xf32, #tpu.memory_space<vmem>>, vector<1x16xf32>,
      %broadcast_in_dim3A_61 = arith.constant 0.000000e+00 : f32
      %broadcast_in_dim3A_62 = vector.broadcast %broadcast_in_dim3A_61 : f32 to vector<16xf32>
      %swap3A_63 = arith.index_cast %add3A_27 : i32 to index
      %swap3A_64 = arith.constant 32 : index
      %swap3A_65 = tpu.vector_load %arg6[%swap3A_63, %swap3A_64] {strides = array<i32>} : memref<128x128xf32, #tpu.memory_space<vmem>>, vector<1x16xf32>,
      %swap3A_66 = vector.shape_cast %swap3A_65 : vector<1x16xf32> to vector<16xf32>
      %swap3A_67 = vector.shape_cast %broadcast_in_dim3A_62 : vector<16xf32> to vector<1x16xf32>
      tpu.vector_store %arg6[%swap3A_63, %swap3A_64], %swap3A_67 {strides = array<i32>} : memref<128x128xf32, #tpu.memory_space<vmem>>, vector<1x16xf32>,
      %broadcast_in_dim3A_68 = arith.constant 1.000000e+00 : f32
      %broadcast_in_dim3A_69 = vector.broadcast %broadcast_in_dim3A_68 : f32 to vector<16xf32>
      %swap3A_70 = arith.index_cast %add3A_27 : i32 to index
      %swap3A_71 = arith.constant 48 : index
      %swap3A_72 = tpu.vector_load %arg5[%swap3A_70, %swap3A_71] {strides = array<i32>} : memref<128x128xf32, #tpu.memory_space<vmem>>, vector<1x16xf32>,
      %swap3A_73 = vector.shape_cast %swap3A_72 : vector<1x16xf32> to vector<16xf32>
      %swap3A_74 = vector.shape_cast %broadcast_in_dim3A_69 : vector<16xf32> to vector<1x16xf32>
      tpu.vector_store %arg5[%swap3A_70, %swap3A_71], %swap3A_74 {strides = array<i32>} : memref<128x128xf32, #tpu.memory_space<vmem>>, vector<1x16xf32>,
      %broadcast_in_dim3A_75 = arith.constant 0.000000e+00 : f32
      %broadcast_in_dim3A_76 = vector.broadcast %broadcast_in_dim3A_75 : f32 to vector<16xf32>
      %swap3A_77 = arith.index_cast %add3A_27 : i32 to index
      %swap3A_78 = arith.constant 48 : index
      %swap3A_79 = tpu.vector_load %arg6[%swap3A_77, %swap3A_78] {strides = array<i32>} : memref<128x128xf32, #tpu.memory_space<vmem>>, vector<1x16xf32>,
      %swap3A_80 = vector.shape_cast %swap3A_79 : vector<1x16xf32> to vector<16xf32>
      %swap3A_81 = vector.shape_cast %broadcast_in_dim3A_76 : vector<16xf32> to vector<1x16xf32>
      tpu.vector_store %arg6[%swap3A_77, %swap3A_78], %swap3A_81 {strides = array<i32>} : memref<128x128xf32, #tpu.memory_space<vmem>>, vector<1x16xf32>,
      %broadcast_in_dim3A_82 = arith.constant 1.000000e+00 : f32
      %broadcast_in_dim3A_83 = vector.broadcast %broadcast_in_dim3A_82 : f32 to vector<16xf32>
      %swap3A_84 = arith.index_cast %add3A_27 : i32 to index
      %swap3A_85 = arith.constant 64 : index
      %swap3A_86 = tpu.vector_load %arg5[%swap3A_84, %swap3A_85] {strides = array<i32>} : memref<128x128xf32, #tpu.memory_space<vmem>>, vector<1x16xf32>,
      %swap3A_87 = vector.shape_cast %swap3A_86 : vector<1x16xf32> to vector<16xf32>
      %swap3A_88 = vector.shape_cast %broadcast_in_dim3A_83 : vector<16xf32> to vector<1x16xf32>
      tpu.vector_store %arg5[%swap3A_84, %swap3A_85], %swap3A_88 {strides = array<i32>} : memref<128x128xf32, #tpu.memory_space<vmem>>, vector<1x16xf32>,
      %broadcast_in_dim3A_89 = arith.constant 0.000000e+00 : f32
      %broadcast_in_dim3A_90 = vector.broadcast %broadcast_in_dim3A_89 : f32 to vector<16xf32>
      %swap3A_91 = arith.index_cast %add3A_27 : i32 to index
      %swap3A_92 = arith.constant 64 : index
      %swap3A_93 = tpu.vector_load %arg6[%swap3A_91, %swap3A_92] {strides = array<i32>} : memref<128x128xf32, #tpu.memory_space<vmem>>, vector<1x16xf32>,
      %swap3A_94 = vector.shape_cast %swap3A_93 : vector<1x16xf32> to vector<16xf32>
      %swap3A_95 = vector.shape_cast %broadcast_in_dim3A_90 : vector<16xf32> to vector<1x16xf32>
      tpu.vector_store %arg6[%swap3A_91, %swap3A_92], %swap3A_95 {strides = array<i32>} : memref<128x128xf32, #tpu.memory_space<vmem>>, vector<1x16xf32>,
      %broadcast_in_dim3A_96 = arith.constant 1.000000e+00 : f32
      %broadcast_in_dim3A_97 = vector.broadcast %broadcast_in_dim3A_96 : f32 to vector<16xf32>
      %swap3A_98 = arith.index_cast %add3A_27 : i32 to index
      %swap3A_99 = arith.constant 80 : index
      %swap3A_100 = tpu.vector_load %arg5[%swap3A_98, %swap3A_99] {strides = array<i32>} : memref<128x128xf32, #tpu.memory_space<vmem>>, vector<1x16xf32>,
      %swap3A_101 = vector.shape_cast %swap3A_100 : vector<1x16xf32> to vector<16xf32>
      %swap3A_102 = vector.shape_cast %broadcast_in_dim3A_97 : vector<16xf32> to vector<1x16xf32>
      tpu.vector_store %arg5[%swap3A_98, %swap3A_99], %swap3A_102 {strides = array<i32>} : memref<128x128xf32, #tpu.memory_space<vmem>>, vector<1x16xf32>,
      %broadcast_in_dim3A_103 = arith.constant 0.000000e+00 : f32
      %broadcast_in_dim3A_104 = vector.broadcast %broadcast_in_dim3A_103 : f32 to vector<16xf32>
      %swap3A_105 = arith.index_cast %add3A_27 : i32 to index
      %swap3A_106 = arith.constant 80 : index
      %swap3A_107 = tpu.vector_load %arg6[%swap3A_105, %swap3A_106] {strides = array<i32>} : memref<128x128xf32, #tpu.memory_space<vmem>>, vector<1x16xf32>,
      %swap3A_108 = vector.shape_cast %swap3A_107 : vector<1x16xf32> to vector<16xf32>
      %swap3A_109 = vector.shape_cast %broadcast_in_dim3A_104 : vector<16xf32> to vector<1x16xf32>
      tpu.vector_store %arg6[%swap3A_105, %swap3A_106], %swap3A_109 {strides = array<i32>} : memref<128x128xf32, #tpu.memory_space<vmem>>, vector<1x16xf32>,
      %broadcast_in_dim3A_110 = arith.constant 1.000000e+00 : f32
      %broadcast_in_dim3A_111 = vector.broadcast %broadcast_in_dim3A_110 : f32 to vector<16xf32>
      %swap3A_112 = arith.index_cast %add3A_27 : i32 to index
      %swap3A_113 = arith.constant 96 : index
      %swap3A_114 = tpu.vector_load %arg5[%swap3A_112, %swap3A_113] {strides = array<i32>} : memref<128x128xf32, #tpu.memory_space<vmem>>, vector<1x16xf32>,
      %swap3A_115 = vector.shape_cast %swap3A_114 : vector<1x16xf32> to vector<16xf32>
      %swap3A_116 = vector.shape_cast %broadcast_in_dim3A_111 : vector<16xf32> to vector<1x16xf32>
      tpu.vector_store %arg5[%swap3A_112, %swap3A_113], %swap3A_116 {strides = array<i32>} : memref<128x128xf32, #tpu.memory_space<vmem>>, vector<1x16xf32>,
      %broadcast_in_dim3A_117 = arith.constant 0.000000e+00 : f32
      %broadcast_in_dim3A_118 = vector.broadcast %broadcast_in_dim3A_117 : f32 to vector<16xf32>
      %swap3A_119 = arith.index_cast %add3A_27 : i32 to index
      %swap3A_120 = arith.constant 96 : index
      %swap3A_121 = tpu.vector_load %arg6[%swap3A_119, %swap3A_120] {strides = array<i32>} : memref<128x128xf32, #tpu.memory_space<vmem>>, vector<1x16xf32>,
      %swap3A_122 = vector.shape_cast %swap3A_121 : vector<1x16xf32> to vector<16xf32>
      %swap3A_123 = vector.shape_cast %broadcast_in_dim3A_118 : vector<16xf32> to vector<1x16xf32>
      tpu.vector_store %arg6[%swap3A_119, %swap3A_120], %swap3A_123 {strides = array<i32>} : memref<128x128xf32, #tpu.memory_space<vmem>>, vector<1x16xf32>,
      %broadcast_in_dim3A_124 = arith.constant 1.000000e+00 : f32
      %broadcast_in_dim3A_125 = vector.broadcast %broadcast_in_dim3A_124 : f32 to vector<16xf32>
      %swap3A_126 = arith.index_cast %add3A_27 : i32 to index
      %swap3A_127 = arith.constant 112 : index
      %swap3A_128 = tpu.vector_load %arg5[%swap3A_126, %swap3A_127] {strides = array<i32>} : memref<128x128xf32, #tpu.memory_space<vmem>>, vector<1x16xf32>,
      %swap3A_129 = vector.shape_cast %swap3A_128 : vector<1x16xf32> to vector<16xf32>
      %swap3A_130 = vector.shape_cast %broadcast_in_dim3A_125 : vector<16xf32> to vector<1x16xf32>
      tpu.vector_store %arg5[%swap3A_126, %swap3A_127], %swap3A_130 {strides = array<i32>} : memref<128x128xf32, #tpu.memory_space<vmem>>, vector<1x16xf32>,
      %broadcast_in_dim3A_131 = arith.constant 0.000000e+00 : f32
      %broadcast_in_dim3A_132 = vector.broadcast %broadcast_in_dim3A_131 : f32 to vector<16xf32>
      %swap3A_133 = arith.index_cast %add3A_27 : i32 to index
      %swap3A_134 = arith.constant 112 : index
      %swap3A_135 = tpu.vector_load %arg6[%swap3A_133, %swap3A_134] {strides = array<i32>} : memref<128x128xf32, #tpu.memory_space<vmem>>, vector<1x16xf32>,
      %swap3A_136 = vector.shape_cast %swap3A_135 : vector<1x16xf32> to vector<16xf32>
      %swap3A_137 = vector.shape_cast %broadcast_in_dim3A_132 : vector<16xf32> to vector<1x16xf32>
      tpu.vector_store %arg6[%swap3A_133, %swap3A_134], %swap3A_137 {strides = array<i32>} : memref<128x128xf32, #tpu.memory_space<vmem>>, vector<1x16xf32>,
    }
    %scan3A_3 = arith.constant 128 : i32
    %mul3A = arith.constant 640 : i32
    %mul3A_4 = arith.muli %arg1, %mul3A : i32
    %add3A = arith.constant 0 : i32
    %add3A_5 = arith.addi %mul3A_4, %add3A : i32
    "tpu.region"() ({
      %run_scoped3A = tpu.sem_alloc : memref<!tpu.dma_semaphore, #tpu.memory_space<semaphore_mem>>
      %dma_start3A = arith.constant 0 : i32
      %dma_start3A_23 = tpu.memref_slice %arg7[%add3A_5, %dma_start3A] : memref<10240x128xf32, #tpu.memory_space<vmem_shared>> -> memref<128x128xf32, #tpu.memory_space<vmem_shared>>
      %dma_start3A_24 = arith.constant 0 : i32
      %dma_start3A_25 = tpu.memref_slice %arg7[%add3A_5, %dma_start3A_24] : memref<10240x128xf32, #tpu.memory_space<vmem_shared>> -> memref<128x128xf32, #tpu.memory_space<vmem_shared>>
      tpu.enqueue_dma source(%arg6 : memref<128x128xf32, #tpu.memory_space<vmem>>) target(%dma_start3A_25 : memref<128x128xf32, #tpu.memory_space<vmem_shared>>) target_semaphore(%run_scoped3A : memref<!tpu.dma_semaphore, #tpu.memory_space<semaphore_mem>>)
      %dma_wait3A = arith.constant 0 : i32
      %dma_wait3A_26 = tpu.memref_slice %arg7[%add3A_5, %dma_wait3A] : memref<10240x128xf32, #tpu.memory_space<vmem_shared>> -> memref<128x128xf32, #tpu.memory_space<vmem_shared>>
      %dma_wait3A_27 = arith.constant 0 : i32
      %dma_wait3A_28 = tpu.memref_slice %arg7[%add3A_5, %dma_wait3A_27] : memref<10240x128xf32, #tpu.memory_space<vmem_shared>> -> memref<128x128xf32, #tpu.memory_space<vmem_shared>>
      tpu.wait_dma2 semaphore(%run_scoped3A : memref<!tpu.dma_semaphore, #tpu.memory_space<semaphore_mem>>) src(%arg6 : memref<128x128xf32, #tpu.memory_space<vmem>>) dst(%dma_wait3A_28 : memref<128x128xf32, #tpu.memory_space<vmem_shared>>)
      tpu.yield
    }) : () -> ()
    %add3A_6 = arith.constant 128 : i32
    %add3A_7 = arith.addi %mul3A_4, %add3A_6 : i32
    "tpu.region"() ({
      %run_scoped3A = tpu.sem_alloc : memref<!tpu.dma_semaphore, #tpu.memory_space<semaphore_mem>>
      %dma_start3A = arith.constant 0 : i32
      %dma_start3A_23 = tpu.memref_slice %arg7[%add3A_7, %dma_start3A] : memref<10240x128xf32, #tpu.memory_space<vmem_shared>> -> memref<128x128xf32, #tpu.memory_space<vmem_shared>>
      %dma_start3A_24 = arith.constant 0 : i32
      %dma_start3A_25 = tpu.memref_slice %arg7[%add3A_7, %dma_start3A_24] : memref<10240x128xf32, #tpu.memory_space<vmem_shared>> -> memref<128x128xf32, #tpu.memory_space<vmem_shared>>
      tpu.enqueue_dma source(%arg6 : memref<128x128xf32, #tpu.memory_space<vmem>>) target(%dma_start3A_25 : memref<128x128xf32, #tpu.memory_space<vmem_shared>>) target_semaphore(%run_scoped3A : memref<!tpu.dma_semaphore, #tpu.memory_space<semaphore_mem>>)
      %dma_wait3A = arith.constant 0 : i32
      %dma_wait3A_26 = tpu.memref_slice %arg7[%add3A_7, %dma_wait3A] : memref<10240x128xf32, #tpu.memory_space<vmem_shared>> -> memref<128x128xf32, #tpu.memory_space<vmem_shared>>
      %dma_wait3A_27 = arith.constant 0 : i32
      %dma_wait3A_28 = tpu.memref_slice %arg7[%add3A_7, %dma_wait3A_27] : memref<10240x128xf32, #tpu.memory_space<vmem_shared>> -> memref<128x128xf32, #tpu.memory_space<vmem_shared>>
      tpu.wait_dma2 semaphore(%run_scoped3A : memref<!tpu.dma_semaphore, #tpu.memory_space<semaphore_mem>>) src(%arg6 : memref<128x128xf32, #tpu.memory_space<vmem>>) dst(%dma_wait3A_28 : memref<128x128xf32, #tpu.memory_space<vmem_shared>>)
      tpu.yield
    }) : () -> ()
    %add3A_8 = arith.constant 256 : i32
    %add3A_9 = arith.addi %mul3A_4, %add3A_8 : i32
    "tpu.region"() ({
      %run_scoped3A = tpu.sem_alloc : memref<!tpu.dma_semaphore, #tpu.memory_space<semaphore_mem>>
      %dma_start3A = arith.constant 0 : i32
      %dma_start3A_23 = tpu.memref_slice %arg7[%add3A_9, %dma_start3A] : memref<10240x128xf32, #tpu.memory_space<vmem_shared>> -> memref<128x128xf32, #tpu.memory_space<vmem_shared>>
      %dma_start3A_24 = arith.constant 0 : i32
      %dma_start3A_25 = tpu.memref_slice %arg7[%add3A_9, %dma_start3A_24] : memref<10240x128xf32, #tpu.memory_space<vmem_shared>> -> memref<128x128xf32, #tpu.memory_space<vmem_shared>>
      tpu.enqueue_dma source(%arg6 : memref<128x128xf32, #tpu.memory_space<vmem>>) target(%dma_start3A_25 : memref<128x128xf32, #tpu.memory_space<vmem_shared>>) target_semaphore(%run_scoped3A : memref<!tpu.dma_semaphore, #tpu.memory_space<semaphore_mem>>)
      %dma_wait3A = arith.constant 0 : i32
      %dma_wait3A_26 = tpu.memref_slice %arg7[%add3A_9, %dma_wait3A] : memref<10240x128xf32, #tpu.memory_space<vmem_shared>> -> memref<128x128xf32, #tpu.memory_space<vmem_shared>>
      %dma_wait3A_27 = arith.constant 0 : i32
      %dma_wait3A_28 = tpu.memref_slice %arg7[%add3A_9, %dma_wait3A_27] : memref<10240x128xf32, #tpu.memory_space<vmem_shared>> -> memref<128x128xf32, #tpu.memory_space<vmem_shared>>
      tpu.wait_dma2 semaphore(%run_scoped3A : memref<!tpu.dma_semaphore, #tpu.memory_space<semaphore_mem>>) src(%arg6 : memref<128x128xf32, #tpu.memory_space<vmem>>) dst(%dma_wait3A_28 : memref<128x128xf32, #tpu.memory_space<vmem_shared>>)
      tpu.yield
    }) : () -> ()
    %add3A_10 = arith.constant 384 : i32
    %add3A_11 = arith.addi %mul3A_4, %add3A_10 : i32
    "tpu.region"() ({
      %run_scoped3A = tpu.sem_alloc : memref<!tpu.dma_semaphore, #tpu.memory_space<semaphore_mem>>
      %dma_start3A = arith.constant 0 : i32
      %dma_start3A_23 = tpu.memref_slice %arg7[%add3A_11, %dma_start3A] : memref<10240x128xf32, #tpu.memory_space<vmem_shared>> -> memref<128x128xf32, #tpu.memory_space<vmem_shared>>
      %dma_start3A_24 = arith.constant 0 : i32
      %dma_start3A_25 = tpu.memref_slice %arg7[%add3A_11, %dma_start3A_24] : memref<10240x128xf32, #tpu.memory_space<vmem_shared>> -> memref<128x128xf32, #tpu.memory_space<vmem_shared>>
      tpu.enqueue_dma source(%arg6 : memref<128x128xf32, #tpu.memory_space<vmem>>) target(%dma_start3A_25 : memref<128x128xf32, #tpu.memory_space<vmem_shared>>) target_semaphore(%run_scoped3A : memref<!tpu.dma_semaphore, #tpu.memory_space<semaphore_mem>>)
      %dma_wait3A = arith.constant 0 : i32
      %dma_wait3A_26 = tpu.memref_slice %arg7[%add3A_11, %dma_wait3A] : memref<10240x128xf32, #tpu.memory_space<vmem_shared>> -> memref<128x128xf32, #tpu.memory_space<vmem_shared>>
      %dma_wait3A_27 = arith.constant 0 : i32
      %dma_wait3A_28 = tpu.memref_slice %arg7[%add3A_11, %dma_wait3A_27] : memref<10240x128xf32, #tpu.memory_space<vmem_shared>> -> memref<128x128xf32, #tpu.memory_space<vmem_shared>>
      tpu.wait_dma2 semaphore(%run_scoped3A : memref<!tpu.dma_semaphore, #tpu.memory_space<semaphore_mem>>) src(%arg6 : memref<128x128xf32, #tpu.memory_space<vmem>>) dst(%dma_wait3A_28 : memref<128x128xf32, #tpu.memory_space<vmem_shared>>)
      tpu.yield
    }) : () -> ()
    %add3A_12 = arith.constant 512 : i32
    %add3A_13 = arith.addi %mul3A_4, %add3A_12 : i32
    "tpu.region"() ({
      %run_scoped3A = tpu.sem_alloc : memref<!tpu.dma_semaphore, #tpu.memory_space<semaphore_mem>>
      %dma_start3A = arith.constant 0 : i32
      %dma_start3A_23 = tpu.memref_slice %arg7[%add3A_13, %dma_start3A] : memref<10240x128xf32, #tpu.memory_space<vmem_shared>> -> memref<128x128xf32, #tpu.memory_space<vmem_shared>>
      %dma_start3A_24 = arith.constant 0 : i32
      %dma_start3A_25 = tpu.memref_slice %arg7[%add3A_13, %dma_start3A_24] : memref<10240x128xf32, #tpu.memory_space<vmem_shared>> -> memref<128x128xf32, #tpu.memory_space<vmem_shared>>
      tpu.enqueue_dma source(%arg6 : memref<128x128xf32, #tpu.memory_space<vmem>>) target(%dma_start3A_25 : memref<128x128xf32, #tpu.memory_space<vmem_shared>>) target_semaphore(%run_scoped3A : memref<!tpu.dma_semaphore, #tpu.memory_space<semaphore_mem>>)
      %dma_wait3A = arith.constant 0 : i32
      %dma_wait3A_26 = tpu.memref_slice %arg7[%add3A_13, %dma_wait3A] : memref<10240x128xf32, #tpu.memory_space<vmem_shared>> -> memref<128x128xf32, #tpu.memory_space<vmem_shared>>
      %dma_wait3A_27 = arith.constant 0 : i32
      %dma_wait3A_28 = tpu.memref_slice %arg7[%add3A_13, %dma_wait3A_27] : memref<10240x128xf32, #tpu.memory_space<vmem_shared>> -> memref<128x128xf32, #tpu.memory_space<vmem_shared>>
      tpu.wait_dma2 semaphore(%run_scoped3A : memref<!tpu.dma_semaphore, #tpu.memory_space<semaphore_mem>>) src(%arg6 : memref<128x128xf32, #tpu.memory_space<vmem>>) dst(%dma_wait3A_28 : memref<128x128xf32, #tpu.memory_space<vmem_shared>>)
      tpu.yield
    }) : () -> ()
    %mul3A_14 = arith.constant 16 : i32
    %mul3A_15 = arith.muli %arg0, %mul3A_14 : i32
    %add3A_16 = arith.addi %mul3A_15, %arg1 : i32
    "tpu.region"() ({
      %run_scoped3A = tpu.sem_alloc : memref<!tpu.dma_semaphore, #tpu.memory_space<semaphore_mem>>
      %dma_start3A = arith.constant 0 : i32
      %dma_start3A_23 = arith.constant 0 : i32
      %dma_start3A_24 = tpu.memref_slice %arg2[%add3A_16, %dma_start3A, %dma_start3A_23] : memref<32x80x128xi32, #tpu.memory_space<hbm>> -> memref<1x80x128xi32, #tpu.memory_space<hbm>>
      %dma_start3A_25 = tpu.memref_squeeze %dma_start3A_24 : memref<1x80x128xi32, #tpu.memory_space<hbm>> -> memref<80x128xi32, #tpu.memory_space<hbm>>
      %dma_start3A_26 = arith.constant 0 : i32
      %dma_start3A_27 = arith.constant 0 : i32
      %dma_start3A_28 = tpu.memref_slice %arg2[%add3A_16, %dma_start3A_26, %dma_start3A_27] : memref<32x80x128xi32, #tpu.memory_space<hbm>> -> memref<1x80x128xi32, #tpu.memory_space<hbm>>
      %dma_start3A_29 = tpu.memref_squeeze %dma_start3A_28 : memref<1x80x128xi32, #tpu.memory_space<hbm>> -> memref<80x128xi32, #tpu.memory_space<hbm>>
      tpu.enqueue_dma source(%dma_start3A_29 : memref<80x128xi32, #tpu.memory_space<hbm>>) target(%arg4 : memref<80x128xi32, #tpu.memory_space<vmem>>) target_semaphore(%run_scoped3A : memref<!tpu.dma_semaphore, #tpu.memory_space<semaphore_mem>>)
      %dma_wait3A = arith.constant 0 : i32
      %dma_wait3A_30 = arith.constant 0 : i32
      %dma_wait3A_31 = tpu.memref_slice %arg2[%add3A_16, %dma_wait3A, %dma_wait3A_30] : memref<32x80x128xi32, #tpu.memory_space<hbm>> -> memref<1x80x128xi32, #tpu.memory_space<hbm>>
      %dma_wait3A_32 = tpu.memref_squeeze %dma_wait3A_31 : memref<1x80x128xi32, #tpu.memory_space<hbm>> -> memref<80x128xi32, #tpu.memory_space<hbm>>
      %dma_wait3A_33 = arith.constant 0 : i32
      %dma_wait3A_34 = arith.constant 0 : i32
      %dma_wait3A_35 = tpu.memref_slice %arg2[%add3A_16, %dma_wait3A_33, %dma_wait3A_34] : memref<32x80x128xi32, #tpu.memory_space<hbm>> -> memref<1x80x128xi32, #tpu.memory_space<hbm>>
      %dma_wait3A_36 = tpu.memref_squeeze %dma_wait3A_35 : memref<1x80x128xi32, #tpu.memory_space<hbm>> -> memref<80x128xi32, #tpu.memory_space<hbm>>
      tpu.wait_dma2 semaphore(%run_scoped3A : memref<!tpu.dma_semaphore, #tpu.memory_space<semaphore_mem>>) src(%dma_wait3A_36 : memref<80x128xi32, #tpu.memory_space<hbm>>) dst(%arg4 : memref<80x128xi32, #tpu.memory_space<vmem>>)
      tpu.yield
    }) : () -> ()
    %barrier3A = arith.constant 0 : index
    tpu.barrier barrier_id(%barrier3A)
    %scan3A_17 = arith.constant 0 : i32
    %scan3A_18 = arith.constant 80 : i32
    %scan3A_19 = arith.addi %scan3A_17, %scan3A_18 : i32
    %scan3A_20 = arith.constant 1 : i32
    scf.for %scan3A_23 = %scan3A_17 to %scan3A_19 step %scan3A_20  : i32 {
      %mul3A_24 = arith.constant 1 : i32
      %mul3A_25 = arith.muli %scan3A_23, %mul3A_24 : i32
      %add3A_26 = arith.constant 0 : i32
      %add3A_27 = arith.addi %add3A_26, %mul3A_25 : i32
      "tpu.region"() ({
        %run_scoped3A = tpu.sem_alloc : memref<!tpu.dma_semaphore, #tpu.memory_space<semaphore_mem>>
        %dma_start3A = arith.constant 0 : i32
        %dma_start3A_28 = tpu.memref_slice %arg4[%add3A_27, %dma_start3A] : memref<80x128xi32, #tpu.memory_space<vmem>> -> memref<1x128xi32, #tpu.memory_space<vmem>>
        %dma_start3A_29 = tpu.memref_squeeze %dma_start3A_28 : memref<1x128xi32, #tpu.memory_space<vmem>> -> memref<128xi32, #tpu.memory_space<vmem>>
        %dma_start3A_30 = arith.constant 0 : i32
        %dma_start3A_31 = arith.constant 0 : i32
        %dma_start3A_32 = tpu.memref_slice %arg7[%dma_start3A_30, %dma_start3A_31] : memref<10240x128xf32, #tpu.memory_space<vmem_shared>> -> memref<10240x128xf32, #tpu.memory_space<vmem_shared>>
        tpu.enqueue_indirect_dma source(%arg5 : memref<128x128xf32, #tpu.memory_space<vmem>>) target(%dma_start3A_32 : memref<10240x128xf32, #tpu.memory_space<vmem_shared>>) offsets(%dma_start3A_29 : memref<128xi32, #tpu.memory_space<vmem>>) semaphore(%run_scoped3A : memref<!tpu.dma_semaphore, #tpu.memory_space<semaphore_mem>>) {add = true}
        %dma_wait3A = arith.constant 0 : i32
        %dma_wait3A_33 = tpu.memref_slice %arg4[%add3A_27, %dma_wait3A] : memref<80x128xi32, #tpu.memory_space<vmem>> -> memref<1x128xi32, #tpu.memory_space<vmem>>
        %dma_wait3A_34 = tpu.memref_squeeze %dma_wait3A_33 : memref<1x128xi32, #tpu.memory_space<vmem>> -> memref<128xi32, #tpu.memory_space<vmem>>
        %dma_wait3A_35 = arith.constant 0 : i32
        %dma_wait3A_36 = arith.constant 0 : i32
        %dma_wait3A_37 = tpu.memref_slice %arg7[%dma_wait3A_35, %dma_wait3A_36] : memref<10240x128xf32, #tpu.memory_space<vmem_shared>> -> memref<10240x128xf32, #tpu.memory_space<vmem_shared>>
        tpu.wait_indirect_dma semaphore(%run_scoped3A : memref<!tpu.dma_semaphore, #tpu.memory_space<semaphore_mem>>) src(%arg5 : memref<128x128xf32, #tpu.memory_space<vmem>>) dst(%dma_wait3A_37 : memref<10240x128xf32, #tpu.memory_space<vmem_shared>>)
        tpu.yield
      }) : () -> ()
    }
    %scan3A_21 = arith.constant 80 : i32
    %barrier3A_22 = arith.constant 0 : index
    tpu.barrier barrier_id(%barrier3A_22)
    "tpu.region"() ({
      %run_scoped3A = tpu.sem_alloc : memref<!tpu.dma_semaphore, #tpu.memory_space<semaphore_mem>>
      %dma_start3A = arith.constant 0 : i32
      %dma_start3A_23 = tpu.memref_slice %arg3[%arg0, %mul3A_4, %dma_start3A] : memref<2x10240x128xf32, #tpu.memory_space<hbm>> -> memref<1x640x128xf32, #tpu.memory_space<hbm>>
      %dma_start3A_24 = tpu.memref_squeeze %dma_start3A_23 : memref<1x640x128xf32, #tpu.memory_space<hbm>> -> memref<640x128xf32, #tpu.memory_space<hbm>>
      %dma_start3A_25 = arith.constant 0 : i32
      %dma_start3A_26 = tpu.memref_slice %arg7[%mul3A_4, %dma_start3A_25] : memref<10240x128xf32, #tpu.memory_space<vmem_shared>> -> memref<640x128xf32, #tpu.memory_space<vmem_shared>>
      tpu.enqueue_dma source(%dma_start3A_26 : memref<640x128xf32, #tpu.memory_space<vmem_shared>>) target(%dma_start3A_24 : memref<640x128xf32, #tpu.memory_space<hbm>>) target_semaphore(%run_scoped3A : memref<!tpu.dma_semaphore, #tpu.memory_space<semaphore_mem>>)
      %dma_wait3A = arith.constant 0 : i32
      %dma_wait3A_27 = tpu.memref_slice %arg3[%arg0, %mul3A_4, %dma_wait3A] : memref<2x10240x128xf32, #tpu.memory_space<hbm>> -> memref<1x640x128xf32, #tpu.memory_space<hbm>>
      %dma_wait3A_28 = tpu.memref_squeeze %dma_wait3A_27 : memref<1x640x128xf32, #tpu.memory_space<hbm>> -> memref<640x128xf32, #tpu.memory_space<hbm>>
      %dma_wait3A_29 = arith.constant 0 : i32
      %dma_wait3A_30 = tpu.memref_slice %arg7[%mul3A_4, %dma_wait3A_29] : memref<10240x128xf32, #tpu.memory_space<vmem_shared>> -> memref<640x128xf32, #tpu.memory_space<vmem_shared>>
      tpu.wait_dma2 semaphore(%run_scoped3A : memref<!tpu.dma_semaphore, #tpu.memory_space<semaphore_mem>>) src(%dma_wait3A_30 : memref<640x128xf32, #tpu.memory_space<vmem_shared>>) dst(%dma_wait3A_28 : memref<640x128xf32, #tpu.memory_space<hbm>>)
      tpu.yield
    }) : () -> ()
    return
  }
}

#map = affine_map<(d0, d1) -> (0, 0)>
#map1 = affine_map<(d0, d1) -> (0, 0, 0)>
module attributes {stable_mosaic.version = 14 : i64} {
  func.func @_prop_body(%arg0: i32, %arg1: i32, %arg2: memref<10240x128xf32, #tpu.memory_space<hbm>>, %arg3: memref<32x80x128xi32, #tpu.memory_space<hbm>>, %arg4: memref<32x80x128xi32, #tpu.memory_space<hbm>>, %arg5: memref<10240x128xf32, #tpu.memory_space<hbm>>, %arg6: memref<10240x128xf32, #tpu.memory_space<hbm>>, %arg7: memref<40x128xi32, #tpu.memory_space<vmem>>, %arg8: memref<40x128xi32, #tpu.memory_space<vmem>>, %arg9: memref<128x128xf32, #tpu.memory_space<vmem>>, %arg10: memref<128x128xf32, #tpu.memory_space<vmem>>, %arg11: memref<!tpu.dma_semaphore, #tpu.memory_space<semaphore_mem>>, %arg12: memref<!tpu.dma_semaphore, #tpu.memory_space<semaphore_mem>>, %arg13: memref<10240x128xf32, #tpu.memory_space<vmem_shared>>) attributes {dimension_semantics = [#tpu.dimension_semantics<core_parallel>, #tpu.dimension_semantics<subcore_parallel>], iteration_bounds = array<i64: 2, 16>, scalar_prefetch = 0 : i64, scratch_operands = 7 : i64, tpu.core_type = #tpu.core_type<sc_vector_subcore>, window_params = [{transform_indices = #map}, {transform_indices = #map1}, {transform_indices = #map1}, {transform_indices = #map}, {transform_indices = #map}]} {
    %mul3A = arith.constant 16 : i32
    %mul3A_0 = arith.muli %arg0, %mul3A : i32
    %add3A = arith.addi %mul3A_0, %arg1 : i32
    %scan3A = arith.constant 0 : i32
    %scan3A_1 = arith.constant 128 : i32
    %scan3A_2 = arith.addi %scan3A, %scan3A_1 : i32
    %scan3A_3 = arith.constant 1 : i32
    scf.for %scan3A_112 = %scan3A to %scan3A_2 step %scan3A_3  : i32 {
      %mul3A_113 = arith.constant 1 : i32
      %mul3A_114 = arith.muli %scan3A_112, %mul3A_113 : i32
      %add3A_115 = arith.constant 0 : i32
      %add3A_116 = arith.addi %add3A_115, %mul3A_114 : i32
      %broadcast_in_dim3A = arith.constant 0.000000e+00 : f32
      %broadcast_in_dim3A_117 = vector.broadcast %broadcast_in_dim3A : f32 to vector<16xf32>
      %swap3A = arith.index_cast %add3A_116 : i32 to index
      %swap3A_118 = arith.constant 0 : index
      %swap3A_119 = tpu.vector_load %arg9[%swap3A, %swap3A_118] {strides = array<i32>} : memref<128x128xf32, #tpu.memory_space<vmem>>, vector<1x16xf32>,
      %swap3A_120 = vector.shape_cast %swap3A_119 : vector<1x16xf32> to vector<16xf32>
      %swap3A_121 = vector.shape_cast %broadcast_in_dim3A_117 : vector<16xf32> to vector<1x16xf32>
      tpu.vector_store %arg9[%swap3A, %swap3A_118], %swap3A_121 {strides = array<i32>} : memref<128x128xf32, #tpu.memory_space<vmem>>, vector<1x16xf32>,
      %broadcast_in_dim3A_122 = arith.constant 0.000000e+00 : f32
      %broadcast_in_dim3A_123 = vector.broadcast %broadcast_in_dim3A_122 : f32 to vector<16xf32>
      %swap3A_124 = arith.index_cast %add3A_116 : i32 to index
      %swap3A_125 = arith.constant 16 : index
      %swap3A_126 = tpu.vector_load %arg9[%swap3A_124, %swap3A_125] {strides = array<i32>} : memref<128x128xf32, #tpu.memory_space<vmem>>, vector<1x16xf32>,
      %swap3A_127 = vector.shape_cast %swap3A_126 : vector<1x16xf32> to vector<16xf32>
      %swap3A_128 = vector.shape_cast %broadcast_in_dim3A_123 : vector<16xf32> to vector<1x16xf32>
      tpu.vector_store %arg9[%swap3A_124, %swap3A_125], %swap3A_128 {strides = array<i32>} : memref<128x128xf32, #tpu.memory_space<vmem>>, vector<1x16xf32>,
      %broadcast_in_dim3A_129 = arith.constant 0.000000e+00 : f32
      %broadcast_in_dim3A_130 = vector.broadcast %broadcast_in_dim3A_129 : f32 to vector<16xf32>
      %swap3A_131 = arith.index_cast %add3A_116 : i32 to index
      %swap3A_132 = arith.constant 32 : index
      %swap3A_133 = tpu.vector_load %arg9[%swap3A_131, %swap3A_132] {strides = array<i32>} : memref<128x128xf32, #tpu.memory_space<vmem>>, vector<1x16xf32>,
      %swap3A_134 = vector.shape_cast %swap3A_133 : vector<1x16xf32> to vector<16xf32>
      %swap3A_135 = vector.shape_cast %broadcast_in_dim3A_130 : vector<16xf32> to vector<1x16xf32>
      tpu.vector_store %arg9[%swap3A_131, %swap3A_132], %swap3A_135 {strides = array<i32>} : memref<128x128xf32, #tpu.memory_space<vmem>>, vector<1x16xf32>,
      %broadcast_in_dim3A_136 = arith.constant 0.000000e+00 : f32
      %broadcast_in_dim3A_137 = vector.broadcast %broadcast_in_dim3A_136 : f32 to vector<16xf32>
      %swap3A_138 = arith.index_cast %add3A_116 : i32 to index
      %swap3A_139 = arith.constant 48 : index
      %swap3A_140 = tpu.vector_load %arg9[%swap3A_138, %swap3A_139] {strides = array<i32>} : memref<128x128xf32, #tpu.memory_space<vmem>>, vector<1x16xf32>,
      %swap3A_141 = vector.shape_cast %swap3A_140 : vector<1x16xf32> to vector<16xf32>
      %swap3A_142 = vector.shape_cast %broadcast_in_dim3A_137 : vector<16xf32> to vector<1x16xf32>
      tpu.vector_store %arg9[%swap3A_138, %swap3A_139], %swap3A_142 {strides = array<i32>} : memref<128x128xf32, #tpu.memory_space<vmem>>, vector<1x16xf32>,
      %broadcast_in_dim3A_143 = arith.constant 0.000000e+00 : f32
      %broadcast_in_dim3A_144 = vector.broadcast %broadcast_in_dim3A_143 : f32 to vector<16xf32>
      %swap3A_145 = arith.index_cast %add3A_116 : i32 to index
      %swap3A_146 = arith.constant 64 : index
      %swap3A_147 = tpu.vector_load %arg9[%swap3A_145, %swap3A_146] {strides = array<i32>} : memref<128x128xf32, #tpu.memory_space<vmem>>, vector<1x16xf32>,
      %swap3A_148 = vector.shape_cast %swap3A_147 : vector<1x16xf32> to vector<16xf32>
      %swap3A_149 = vector.shape_cast %broadcast_in_dim3A_144 : vector<16xf32> to vector<1x16xf32>
      tpu.vector_store %arg9[%swap3A_145, %swap3A_146], %swap3A_149 {strides = array<i32>} : memref<128x128xf32, #tpu.memory_space<vmem>>, vector<1x16xf32>,
      %broadcast_in_dim3A_150 = arith.constant 0.000000e+00 : f32
      %broadcast_in_dim3A_151 = vector.broadcast %broadcast_in_dim3A_150 : f32 to vector<16xf32>
      %swap3A_152 = arith.index_cast %add3A_116 : i32 to index
      %swap3A_153 = arith.constant 80 : index
      %swap3A_154 = tpu.vector_load %arg9[%swap3A_152, %swap3A_153] {strides = array<i32>} : memref<128x128xf32, #tpu.memory_space<vmem>>, vector<1x16xf32>,
      %swap3A_155 = vector.shape_cast %swap3A_154 : vector<1x16xf32> to vector<16xf32>
      %swap3A_156 = vector.shape_cast %broadcast_in_dim3A_151 : vector<16xf32> to vector<1x16xf32>
      tpu.vector_store %arg9[%swap3A_152, %swap3A_153], %swap3A_156 {strides = array<i32>} : memref<128x128xf32, #tpu.memory_space<vmem>>, vector<1x16xf32>,
      %broadcast_in_dim3A_157 = arith.constant 0.000000e+00 : f32
      %broadcast_in_dim3A_158 = vector.broadcast %broadcast_in_dim3A_157 : f32 to vector<16xf32>
      %swap3A_159 = arith.index_cast %add3A_116 : i32 to index
      %swap3A_160 = arith.constant 96 : index
      %swap3A_161 = tpu.vector_load %arg9[%swap3A_159, %swap3A_160] {strides = array<i32>} : memref<128x128xf32, #tpu.memory_space<vmem>>, vector<1x16xf32>,
      %swap3A_162 = vector.shape_cast %swap3A_161 : vector<1x16xf32> to vector<16xf32>
      %swap3A_163 = vector.shape_cast %broadcast_in_dim3A_158 : vector<16xf32> to vector<1x16xf32>
      tpu.vector_store %arg9[%swap3A_159, %swap3A_160], %swap3A_163 {strides = array<i32>} : memref<128x128xf32, #tpu.memory_space<vmem>>, vector<1x16xf32>,
      %broadcast_in_dim3A_164 = arith.constant 0.000000e+00 : f32
      %broadcast_in_dim3A_165 = vector.broadcast %broadcast_in_dim3A_164 : f32 to vector<16xf32>
      %swap3A_166 = arith.index_cast %add3A_116 : i32 to index
      %swap3A_167 = arith.constant 112 : index
      %swap3A_168 = tpu.vector_load %arg9[%swap3A_166, %swap3A_167] {strides = array<i32>} : memref<128x128xf32, #tpu.memory_space<vmem>>, vector<1x16xf32>,
      %swap3A_169 = vector.shape_cast %swap3A_168 : vector<1x16xf32> to vector<16xf32>
      %swap3A_170 = vector.shape_cast %broadcast_in_dim3A_165 : vector<16xf32> to vector<1x16xf32>
      tpu.vector_store %arg9[%swap3A_166, %swap3A_167], %swap3A_170 {strides = array<i32>} : memref<128x128xf32, #tpu.memory_space<vmem>>, vector<1x16xf32>,
    }
    %scan3A_4 = arith.constant 128 : i32
    %mul3A_5 = arith.constant 640 : i32
    %mul3A_6 = arith.muli %arg1, %mul3A_5 : i32
    "tpu.trace_start"() <{level = 10 : i32, message = "acc_init"}> : () -> ()
    %add3A_7 = arith.constant 0 : i32
    %add3A_8 = arith.addi %mul3A_6, %add3A_7 : i32
    "tpu.region"() ({
      %run_scoped3A = tpu.sem_alloc : memref<!tpu.dma_semaphore, #tpu.memory_space<semaphore_mem>>
      %dma_start3A_112 = arith.constant 0 : i32
      %dma_start3A_113 = tpu.memref_slice %arg13[%add3A_8, %dma_start3A_112] : memref<10240x128xf32, #tpu.memory_space<vmem_shared>> -> memref<128x128xf32, #tpu.memory_space<vmem_shared>>
      %dma_start3A_114 = arith.constant 0 : i32
      %dma_start3A_115 = tpu.memref_slice %arg13[%add3A_8, %dma_start3A_114] : memref<10240x128xf32, #tpu.memory_space<vmem_shared>> -> memref<128x128xf32, #tpu.memory_space<vmem_shared>>
      tpu.enqueue_dma source(%arg9 : memref<128x128xf32, #tpu.memory_space<vmem>>) target(%dma_start3A_115 : memref<128x128xf32, #tpu.memory_space<vmem_shared>>) target_semaphore(%run_scoped3A : memref<!tpu.dma_semaphore, #tpu.memory_space<semaphore_mem>>)
      %dma_wait3A = arith.constant 0 : i32
      %dma_wait3A_116 = tpu.memref_slice %arg13[%add3A_8, %dma_wait3A] : memref<10240x128xf32, #tpu.memory_space<vmem_shared>> -> memref<128x128xf32, #tpu.memory_space<vmem_shared>>
      %dma_wait3A_117 = arith.constant 0 : i32
      %dma_wait3A_118 = tpu.memref_slice %arg13[%add3A_8, %dma_wait3A_117] : memref<10240x128xf32, #tpu.memory_space<vmem_shared>> -> memref<128x128xf32, #tpu.memory_space<vmem_shared>>
      tpu.wait_dma2 semaphore(%run_scoped3A : memref<!tpu.dma_semaphore, #tpu.memory_space<semaphore_mem>>) src(%arg9 : memref<128x128xf32, #tpu.memory_space<vmem>>) dst(%dma_wait3A_118 : memref<128x128xf32, #tpu.memory_space<vmem_shared>>)
      tpu.yield
    }) : () -> ()
    %add3A_9 = arith.constant 128 : i32
    %add3A_10 = arith.addi %mul3A_6, %add3A_9 : i32
    "tpu.region"() ({
      %run_scoped3A = tpu.sem_alloc : memref<!tpu.dma_semaphore, #tpu.memory_space<semaphore_mem>>
      %dma_start3A_112 = arith.constant 0 : i32
      %dma_start3A_113 = tpu.memref_slice %arg13[%add3A_10, %dma_start3A_112] : memref<10240x128xf32, #tpu.memory_space<vmem_shared>> -> memref<128x128xf32, #tpu.memory_space<vmem_shared>>
      %dma_start3A_114 = arith.constant 0 : i32
      %dma_start3A_115 = tpu.memref_slice %arg13[%add3A_10, %dma_start3A_114] : memref<10240x128xf32, #tpu.memory_space<vmem_shared>> -> memref<128x128xf32, #tpu.memory_space<vmem_shared>>
      tpu.enqueue_dma source(%arg9 : memref<128x128xf32, #tpu.memory_space<vmem>>) target(%dma_start3A_115 : memref<128x128xf32, #tpu.memory_space<vmem_shared>>) target_semaphore(%run_scoped3A : memref<!tpu.dma_semaphore, #tpu.memory_space<semaphore_mem>>)
      %dma_wait3A = arith.constant 0 : i32
      %dma_wait3A_116 = tpu.memref_slice %arg13[%add3A_10, %dma_wait3A] : memref<10240x128xf32, #tpu.memory_space<vmem_shared>> -> memref<128x128xf32, #tpu.memory_space<vmem_shared>>
      %dma_wait3A_117 = arith.constant 0 : i32
      %dma_wait3A_118 = tpu.memref_slice %arg13[%add3A_10, %dma_wait3A_117] : memref<10240x128xf32, #tpu.memory_space<vmem_shared>> -> memref<128x128xf32, #tpu.memory_space<vmem_shared>>
      tpu.wait_dma2 semaphore(%run_scoped3A : memref<!tpu.dma_semaphore, #tpu.memory_space<semaphore_mem>>) src(%arg9 : memref<128x128xf32, #tpu.memory_space<vmem>>) dst(%dma_wait3A_118 : memref<128x128xf32, #tpu.memory_space<vmem_shared>>)
      tpu.yield
    }) : () -> ()
    %add3A_11 = arith.constant 256 : i32
    %add3A_12 = arith.addi %mul3A_6, %add3A_11 : i32
    "tpu.region"() ({
      %run_scoped3A = tpu.sem_alloc : memref<!tpu.dma_semaphore, #tpu.memory_space<semaphore_mem>>
      %dma_start3A_112 = arith.constant 0 : i32
      %dma_start3A_113 = tpu.memref_slice %arg13[%add3A_12, %dma_start3A_112] : memref<10240x128xf32, #tpu.memory_space<vmem_shared>> -> memref<128x128xf32, #tpu.memory_space<vmem_shared>>
      %dma_start3A_114 = arith.constant 0 : i32
      %dma_start3A_115 = tpu.memref_slice %arg13[%add3A_12, %dma_start3A_114] : memref<10240x128xf32, #tpu.memory_space<vmem_shared>> -> memref<128x128xf32, #tpu.memory_space<vmem_shared>>
      tpu.enqueue_dma source(%arg9 : memref<128x128xf32, #tpu.memory_space<vmem>>) target(%dma_start3A_115 : memref<128x128xf32, #tpu.memory_space<vmem_shared>>) target_semaphore(%run_scoped3A : memref<!tpu.dma_semaphore, #tpu.memory_space<semaphore_mem>>)
      %dma_wait3A = arith.constant 0 : i32
      %dma_wait3A_116 = tpu.memref_slice %arg13[%add3A_12, %dma_wait3A] : memref<10240x128xf32, #tpu.memory_space<vmem_shared>> -> memref<128x128xf32, #tpu.memory_space<vmem_shared>>
      %dma_wait3A_117 = arith.constant 0 : i32
      %dma_wait3A_118 = tpu.memref_slice %arg13[%add3A_12, %dma_wait3A_117] : memref<10240x128xf32, #tpu.memory_space<vmem_shared>> -> memref<128x128xf32, #tpu.memory_space<vmem_shared>>
      tpu.wait_dma2 semaphore(%run_scoped3A : memref<!tpu.dma_semaphore, #tpu.memory_space<semaphore_mem>>) src(%arg9 : memref<128x128xf32, #tpu.memory_space<vmem>>) dst(%dma_wait3A_118 : memref<128x128xf32, #tpu.memory_space<vmem_shared>>)
      tpu.yield
    }) : () -> ()
    %add3A_13 = arith.constant 384 : i32
    %add3A_14 = arith.addi %mul3A_6, %add3A_13 : i32
    "tpu.region"() ({
      %run_scoped3A = tpu.sem_alloc : memref<!tpu.dma_semaphore, #tpu.memory_space<semaphore_mem>>
      %dma_start3A_112 = arith.constant 0 : i32
      %dma_start3A_113 = tpu.memref_slice %arg13[%add3A_14, %dma_start3A_112] : memref<10240x128xf32, #tpu.memory_space<vmem_shared>> -> memref<128x128xf32, #tpu.memory_space<vmem_shared>>
      %dma_start3A_114 = arith.constant 0 : i32
      %dma_start3A_115 = tpu.memref_slice %arg13[%add3A_14, %dma_start3A_114] : memref<10240x128xf32, #tpu.memory_space<vmem_shared>> -> memref<128x128xf32, #tpu.memory_space<vmem_shared>>
      tpu.enqueue_dma source(%arg9 : memref<128x128xf32, #tpu.memory_space<vmem>>) target(%dma_start3A_115 : memref<128x128xf32, #tpu.memory_space<vmem_shared>>) target_semaphore(%run_scoped3A : memref<!tpu.dma_semaphore, #tpu.memory_space<semaphore_mem>>)
      %dma_wait3A = arith.constant 0 : i32
      %dma_wait3A_116 = tpu.memref_slice %arg13[%add3A_14, %dma_wait3A] : memref<10240x128xf32, #tpu.memory_space<vmem_shared>> -> memref<128x128xf32, #tpu.memory_space<vmem_shared>>
      %dma_wait3A_117 = arith.constant 0 : i32
      %dma_wait3A_118 = tpu.memref_slice %arg13[%add3A_14, %dma_wait3A_117] : memref<10240x128xf32, #tpu.memory_space<vmem_shared>> -> memref<128x128xf32, #tpu.memory_space<vmem_shared>>
      tpu.wait_dma2 semaphore(%run_scoped3A : memref<!tpu.dma_semaphore, #tpu.memory_space<semaphore_mem>>) src(%arg9 : memref<128x128xf32, #tpu.memory_space<vmem>>) dst(%dma_wait3A_118 : memref<128x128xf32, #tpu.memory_space<vmem_shared>>)
      tpu.yield
    }) : () -> ()
    %add3A_15 = arith.constant 512 : i32
    %add3A_16 = arith.addi %mul3A_6, %add3A_15 : i32
    "tpu.region"() ({
      %run_scoped3A = tpu.sem_alloc : memref<!tpu.dma_semaphore, #tpu.memory_space<semaphore_mem>>
      %dma_start3A_112 = arith.constant 0 : i32
      %dma_start3A_113 = tpu.memref_slice %arg13[%add3A_16, %dma_start3A_112] : memref<10240x128xf32, #tpu.memory_space<vmem_shared>> -> memref<128x128xf32, #tpu.memory_space<vmem_shared>>
      %dma_start3A_114 = arith.constant 0 : i32
      %dma_start3A_115 = tpu.memref_slice %arg13[%add3A_16, %dma_start3A_114] : memref<10240x128xf32, #tpu.memory_space<vmem_shared>> -> memref<128x128xf32, #tpu.memory_space<vmem_shared>>
      tpu.enqueue_dma source(%arg9 : memref<128x128xf32, #tpu.memory_space<vmem>>) target(%dma_start3A_115 : memref<128x128xf32, #tpu.memory_space<vmem_shared>>) target_semaphore(%run_scoped3A : memref<!tpu.dma_semaphore, #tpu.memory_space<semaphore_mem>>)
      %dma_wait3A = arith.constant 0 : i32
      %dma_wait3A_116 = tpu.memref_slice %arg13[%add3A_16, %dma_wait3A] : memref<10240x128xf32, #tpu.memory_space<vmem_shared>> -> memref<128x128xf32, #tpu.memory_space<vmem_shared>>
      %dma_wait3A_117 = arith.constant 0 : i32
      %dma_wait3A_118 = tpu.memref_slice %arg13[%add3A_16, %dma_wait3A_117] : memref<10240x128xf32, #tpu.memory_space<vmem_shared>> -> memref<128x128xf32, #tpu.memory_space<vmem_shared>>
      tpu.wait_dma2 semaphore(%run_scoped3A : memref<!tpu.dma_semaphore, #tpu.memory_space<semaphore_mem>>) src(%arg9 : memref<128x128xf32, #tpu.memory_space<vmem>>) dst(%dma_wait3A_118 : memref<128x128xf32, #tpu.memory_space<vmem_shared>>)
      tpu.yield
    }) : () -> ()
    %barrier3A = arith.constant 0 : index
    tpu.barrier barrier_id(%barrier3A)
    "tpu.trace_stop"() : () -> ()
    "tpu.trace_start"() <{level = 10 : i32, message = "idx_load0"}> : () -> ()
    "tpu.region"() ({
      %run_scoped3A = tpu.sem_alloc : memref<!tpu.dma_semaphore, #tpu.memory_space<semaphore_mem>>
      %dma_start3A_112 = arith.constant 0 : i32
      %dma_start3A_113 = arith.constant 0 : i32
      %dma_start3A_114 = tpu.memref_slice %arg3[%add3A, %dma_start3A_112, %dma_start3A_113] : memref<32x80x128xi32, #tpu.memory_space<hbm>> -> memref<1x40x128xi32, #tpu.memory_space<hbm>>
      %dma_start3A_115 = tpu.memref_squeeze %dma_start3A_114 : memref<1x40x128xi32, #tpu.memory_space<hbm>> -> memref<40x128xi32, #tpu.memory_space<hbm>>
      %dma_start3A_116 = arith.constant 0 : i32
      %dma_start3A_117 = arith.constant 0 : i32
      %dma_start3A_118 = tpu.memref_slice %arg3[%add3A, %dma_start3A_116, %dma_start3A_117] : memref<32x80x128xi32, #tpu.memory_space<hbm>> -> memref<1x40x128xi32, #tpu.memory_space<hbm>>
      %dma_start3A_119 = tpu.memref_squeeze %dma_start3A_118 : memref<1x40x128xi32, #tpu.memory_space<hbm>> -> memref<40x128xi32, #tpu.memory_space<hbm>>
      tpu.enqueue_dma source(%dma_start3A_119 : memref<40x128xi32, #tpu.memory_space<hbm>>) target(%arg7 : memref<40x128xi32, #tpu.memory_space<vmem>>) target_semaphore(%run_scoped3A : memref<!tpu.dma_semaphore, #tpu.memory_space<semaphore_mem>>)
      %dma_wait3A = arith.constant 0 : i32
      %dma_wait3A_120 = arith.constant 0 : i32
      %dma_wait3A_121 = tpu.memref_slice %arg3[%add3A, %dma_wait3A, %dma_wait3A_120] : memref<32x80x128xi32, #tpu.memory_space<hbm>> -> memref<1x40x128xi32, #tpu.memory_space<hbm>>
      %dma_wait3A_122 = tpu.memref_squeeze %dma_wait3A_121 : memref<1x40x128xi32, #tpu.memory_space<hbm>> -> memref<40x128xi32, #tpu.memory_space<hbm>>
      %dma_wait3A_123 = arith.constant 0 : i32
      %dma_wait3A_124 = arith.constant 0 : i32
      %dma_wait3A_125 = tpu.memref_slice %arg3[%add3A, %dma_wait3A_123, %dma_wait3A_124] : memref<32x80x128xi32, #tpu.memory_space<hbm>> -> memref<1x40x128xi32, #tpu.memory_space<hbm>>
      %dma_wait3A_126 = tpu.memref_squeeze %dma_wait3A_125 : memref<1x40x128xi32, #tpu.memory_space<hbm>> -> memref<40x128xi32, #tpu.memory_space<hbm>>
      tpu.wait_dma2 semaphore(%run_scoped3A : memref<!tpu.dma_semaphore, #tpu.memory_space<semaphore_mem>>) src(%dma_wait3A_126 : memref<40x128xi32, #tpu.memory_space<hbm>>) dst(%arg7 : memref<40x128xi32, #tpu.memory_space<vmem>>)
      tpu.yield
    }) : () -> ()
    "tpu.region"() ({
      %run_scoped3A = tpu.sem_alloc : memref<!tpu.dma_semaphore, #tpu.memory_space<semaphore_mem>>
      %dma_start3A_112 = arith.constant 0 : i32
      %dma_start3A_113 = arith.constant 0 : i32
      %dma_start3A_114 = tpu.memref_slice %arg4[%add3A, %dma_start3A_112, %dma_start3A_113] : memref<32x80x128xi32, #tpu.memory_space<hbm>> -> memref<1x40x128xi32, #tpu.memory_space<hbm>>
      %dma_start3A_115 = tpu.memref_squeeze %dma_start3A_114 : memref<1x40x128xi32, #tpu.memory_space<hbm>> -> memref<40x128xi32, #tpu.memory_space<hbm>>
      %dma_start3A_116 = arith.constant 0 : i32
      %dma_start3A_117 = arith.constant 0 : i32
      %dma_start3A_118 = tpu.memref_slice %arg4[%add3A, %dma_start3A_116, %dma_start3A_117] : memref<32x80x128xi32, #tpu.memory_space<hbm>> -> memref<1x40x128xi32, #tpu.memory_space<hbm>>
      %dma_start3A_119 = tpu.memref_squeeze %dma_start3A_118 : memref<1x40x128xi32, #tpu.memory_space<hbm>> -> memref<40x128xi32, #tpu.memory_space<hbm>>
      tpu.enqueue_dma source(%dma_start3A_119 : memref<40x128xi32, #tpu.memory_space<hbm>>) target(%arg8 : memref<40x128xi32, #tpu.memory_space<vmem>>) target_semaphore(%run_scoped3A : memref<!tpu.dma_semaphore, #tpu.memory_space<semaphore_mem>>)
      %dma_wait3A = arith.constant 0 : i32
      %dma_wait3A_120 = arith.constant 0 : i32
      %dma_wait3A_121 = tpu.memref_slice %arg4[%add3A, %dma_wait3A, %dma_wait3A_120] : memref<32x80x128xi32, #tpu.memory_space<hbm>> -> memref<1x40x128xi32, #tpu.memory_space<hbm>>
      %dma_wait3A_122 = tpu.memref_squeeze %dma_wait3A_121 : memref<1x40x128xi32, #tpu.memory_space<hbm>> -> memref<40x128xi32, #tpu.memory_space<hbm>>
      %dma_wait3A_123 = arith.constant 0 : i32
      %dma_wait3A_124 = arith.constant 0 : i32
      %dma_wait3A_125 = tpu.memref_slice %arg4[%add3A, %dma_wait3A_123, %dma_wait3A_124] : memref<32x80x128xi32, #tpu.memory_space<hbm>> -> memref<1x40x128xi32, #tpu.memory_space<hbm>>
      %dma_wait3A_126 = tpu.memref_squeeze %dma_wait3A_125 : memref<1x40x128xi32, #tpu.memory_space<hbm>> -> memref<40x128xi32, #tpu.memory_space<hbm>>
      tpu.wait_dma2 semaphore(%run_scoped3A : memref<!tpu.dma_semaphore, #tpu.memory_space<semaphore_mem>>) src(%dma_wait3A_126 : memref<40x128xi32, #tpu.memory_space<hbm>>) dst(%arg8 : memref<40x128xi32, #tpu.memory_space<vmem>>)
      tpu.yield
    }) : () -> ()
    %dma_start3A = arith.constant 0 : i32
    "tpu.trace_stop"() : () -> ()
    "tpu.trace_start"() <{level = 10 : i32, message = "edge_loop0"}> : () -> ()
    %dma_start3A_17 = arith.constant 0 : i32
    %dma_start3A_18 = tpu.memref_slice %arg7[%dma_start3A, %dma_start3A_17] : memref<40x128xi32, #tpu.memory_space<vmem>> -> memref<1x128xi32, #tpu.memory_space<vmem>>
    %dma_start3A_19 = tpu.memref_squeeze %dma_start3A_18 : memref<1x128xi32, #tpu.memory_space<vmem>> -> memref<128xi32, #tpu.memory_space<vmem>>
    %dma_start3A_20 = arith.constant 0 : i32
    %dma_start3A_21 = arith.constant 0 : i32
    %dma_start3A_22 = tpu.memref_slice %arg2[%dma_start3A_20, %dma_start3A_21] : memref<10240x128xf32, #tpu.memory_space<hbm>> -> memref<10240x128xf32, #tpu.memory_space<hbm>>
    tpu.enqueue_indirect_dma source(%dma_start3A_22 : memref<10240x128xf32, #tpu.memory_space<hbm>>) target(%arg9 : memref<128x128xf32, #tpu.memory_space<vmem>>) offsets(%dma_start3A_19 : memref<128xi32, #tpu.memory_space<vmem>>) semaphore(%arg11 : memref<!tpu.dma_semaphore, #tpu.memory_space<semaphore_mem>>)
    %dma_start3A_23 = arith.constant 1 : i32
    %dma_start3A_24 = arith.constant 0 : i32
    %dma_start3A_25 = tpu.memref_slice %arg7[%dma_start3A_23, %dma_start3A_24] : memref<40x128xi32, #tpu.memory_space<vmem>> -> memref<1x128xi32, #tpu.memory_space<vmem>>
    %dma_start3A_26 = tpu.memref_squeeze %dma_start3A_25 : memref<1x128xi32, #tpu.memory_space<vmem>> -> memref<128xi32, #tpu.memory_space<vmem>>
    %dma_start3A_27 = arith.constant 0 : i32
    %dma_start3A_28 = arith.constant 0 : i32
    %dma_start3A_29 = tpu.memref_slice %arg2[%dma_start3A_27, %dma_start3A_28] : memref<10240x128xf32, #tpu.memory_space<hbm>> -> memref<10240x128xf32, #tpu.memory_space<hbm>>
    tpu.enqueue_indirect_dma source(%dma_start3A_29 : memref<10240x128xf32, #tpu.memory_space<hbm>>) target(%arg10 : memref<128x128xf32, #tpu.memory_space<vmem>>) offsets(%dma_start3A_26 : memref<128xi32, #tpu.memory_space<vmem>>) semaphore(%arg12 : memref<!tpu.dma_semaphore, #tpu.memory_space<semaphore_mem>>)
    %scan3A_30 = arith.constant 0 : i32
    %scan3A_31 = arith.constant 20 : i32
    %scan3A_32 = arith.addi %scan3A_30, %scan3A_31 : i32
    %scan3A_33 = arith.constant 1 : i32
    scf.for %scan3A_112 = %scan3A_30 to %scan3A_32 step %scan3A_33  : i32 {
      %mul3A_113 = arith.constant 1 : i32
      %mul3A_114 = arith.muli %scan3A_112, %mul3A_113 : i32
      %add3A_115 = arith.constant 0 : i32
      %add3A_116 = arith.addi %add3A_115, %mul3A_114 : i32
      %mul3A_117 = arith.constant 2 : i32
      %mul3A_118 = arith.muli %mul3A_117, %add3A_116 : i32
      %add3A_119 = arith.constant 1 : i32
      %add3A_120 = arith.addi %mul3A_118, %add3A_119 : i32
      %dma_wait3A = arith.constant 0 : i32
      %dma_wait3A_121 = tpu.memref_slice %arg7[%mul3A_118, %dma_wait3A] : memref<40x128xi32, #tpu.memory_space<vmem>> -> memref<1x128xi32, #tpu.memory_space<vmem>>
      %dma_wait3A_122 = tpu.memref_squeeze %dma_wait3A_121 : memref<1x128xi32, #tpu.memory_space<vmem>> -> memref<128xi32, #tpu.memory_space<vmem>>
      %dma_wait3A_123 = arith.constant 0 : i32
      %dma_wait3A_124 = arith.constant 0 : i32
      %dma_wait3A_125 = tpu.memref_slice %arg2[%dma_wait3A_123, %dma_wait3A_124] : memref<10240x128xf32, #tpu.memory_space<hbm>> -> memref<10240x128xf32, #tpu.memory_space<hbm>>
      tpu.wait_indirect_dma semaphore(%arg11 : memref<!tpu.dma_semaphore, #tpu.memory_space<semaphore_mem>>) src(%dma_wait3A_125 : memref<10240x128xf32, #tpu.memory_space<hbm>>) dst(%arg9 : memref<128x128xf32, #tpu.memory_space<vmem>>)
      "tpu.region"() ({
        %run_scoped3A = tpu.sem_alloc : memref<!tpu.dma_semaphore, #tpu.memory_space<semaphore_mem>>
        %dma_start3A_141 = arith.constant 0 : i32
        %dma_start3A_142 = tpu.memref_slice %arg8[%mul3A_118, %dma_start3A_141] : memref<40x128xi32, #tpu.memory_space<vmem>> -> memref<1x128xi32, #tpu.memory_space<vmem>>
        %dma_start3A_143 = tpu.memref_squeeze %dma_start3A_142 : memref<1x128xi32, #tpu.memory_space<vmem>> -> memref<128xi32, #tpu.memory_space<vmem>>
        %dma_start3A_144 = arith.constant 0 : i32
        %dma_start3A_145 = arith.constant 0 : i32
        %dma_start3A_146 = tpu.memref_slice %arg13[%dma_start3A_144, %dma_start3A_145] : memref<10240x128xf32, #tpu.memory_space<vmem_shared>> -> memref<10240x128xf32, #tpu.memory_space<vmem_shared>>
        tpu.enqueue_indirect_dma source(%arg9 : memref<128x128xf32, #tpu.memory_space<vmem>>) target(%dma_start3A_146 : memref<10240x128xf32, #tpu.memory_space<vmem_shared>>) offsets(%dma_start3A_143 : memref<128xi32, #tpu.memory_space<vmem>>) semaphore(%run_scoped3A : memref<!tpu.dma_semaphore, #tpu.memory_space<semaphore_mem>>) {add = true}
        %dma_wait3A_147 = arith.constant 0 : i32
        %dma_wait3A_148 = tpu.memref_slice %arg8[%mul3A_118, %dma_wait3A_147] : memref<40x128xi32, #tpu.memory_space<vmem>> -> memref<1x128xi32, #tpu.memory_space<vmem>>
        %dma_wait3A_149 = tpu.memref_squeeze %dma_wait3A_148 : memref<1x128xi32, #tpu.memory_space<vmem>> -> memref<128xi32, #tpu.memory_space<vmem>>
        %dma_wait3A_150 = arith.constant 0 : i32
        %dma_wait3A_151 = arith.constant 0 : i32
        %dma_wait3A_152 = tpu.memref_slice %arg13[%dma_wait3A_150, %dma_wait3A_151] : memref<10240x128xf32, #tpu.memory_space<vmem_shared>> -> memref<10240x128xf32, #tpu.memory_space<vmem_shared>>
        tpu.wait_indirect_dma semaphore(%run_scoped3A : memref<!tpu.dma_semaphore, #tpu.memory_space<semaphore_mem>>) src(%arg9 : memref<128x128xf32, #tpu.memory_space<vmem>>) dst(%dma_wait3A_152 : memref<10240x128xf32, #tpu.memory_space<vmem_shared>>)
        tpu.yield
      }) : () -> ()
      %lt3A = arith.constant 19 : i32
      %lt3A_126 = arith.cmpi slt, %add3A_116, %lt3A : i32
      %convert_element_type3A_127 = arith.extui %lt3A_126 : i1 to i32
      %cond3A_128 = arith.constant 0 : i32
      %cond3A_129 = arith.cmpi ne, %convert_element_type3A_127, %cond3A_128 : i32
      scf.if %cond3A_129 {
        %add3A_141 = arith.constant 2 : i32
        %add3A_142 = arith.addi %mul3A_118, %add3A_141 : i32
        %dma_start3A_143 = arith.constant 0 : i32
        %dma_start3A_144 = tpu.memref_slice %arg7[%add3A_142, %dma_start3A_143] : memref<40x128xi32, #tpu.memory_space<vmem>> -> memref<1x128xi32, #tpu.memory_space<vmem>>
        %dma_start3A_145 = tpu.memref_squeeze %dma_start3A_144 : memref<1x128xi32, #tpu.memory_space<vmem>> -> memref<128xi32, #tpu.memory_space<vmem>>
        %dma_start3A_146 = arith.constant 0 : i32
        %dma_start3A_147 = arith.constant 0 : i32
        %dma_start3A_148 = tpu.memref_slice %arg2[%dma_start3A_146, %dma_start3A_147] : memref<10240x128xf32, #tpu.memory_space<hbm>> -> memref<10240x128xf32, #tpu.memory_space<hbm>>
        tpu.enqueue_indirect_dma source(%dma_start3A_148 : memref<10240x128xf32, #tpu.memory_space<hbm>>) target(%arg9 : memref<128x128xf32, #tpu.memory_space<vmem>>) offsets(%dma_start3A_145 : memref<128xi32, #tpu.memory_space<vmem>>) semaphore(%arg11 : memref<!tpu.dma_semaphore, #tpu.memory_space<semaphore_mem>>)
      } else {
      }
      %dma_wait3A_130 = arith.constant 0 : i32
      %dma_wait3A_131 = tpu.memref_slice %arg7[%add3A_120, %dma_wait3A_130] : memref<40x128xi32, #tpu.memory_space<vmem>> -> memref<1x128xi32, #tpu.memory_space<vmem>>
      %dma_wait3A_132 = tpu.memref_squeeze %dma_wait3A_131 : memref<1x128xi32, #tpu.memory_space<vmem>> -> memref<128xi32, #tpu.memory_space<vmem>>
      %dma_wait3A_133 = arith.constant 0 : i32
      %dma_wait3A_134 = arith.constant 0 : i32
      %dma_wait3A_135 = tpu.memref_slice %arg2[%dma_wait3A_133, %dma_wait3A_134] : memref<10240x128xf32, #tpu.memory_space<hbm>> -> memref<10240x128xf32, #tpu.memory_space<hbm>>
      tpu.wait_indirect_dma semaphore(%arg12 : memref<!tpu.dma_semaphore, #tpu.memory_space<semaphore_mem>>) src(%dma_wait3A_135 : memref<10240x128xf32, #tpu.memory_space<hbm>>) dst(%arg10 : memref<128x128xf32, #tpu.memory_space<vmem>>)
      "tpu.region"() ({
        %run_scoped3A = tpu.sem_alloc : memref<!tpu.dma_semaphore, #tpu.memory_space<semaphore_mem>>
        %dma_start3A_141 = arith.constant 0 : i32
        %dma_start3A_142 = tpu.memref_slice %arg8[%add3A_120, %dma_start3A_141] : memref<40x128xi32, #tpu.memory_space<vmem>> -> memref<1x128xi32, #tpu.memory_space<vmem>>
        %dma_start3A_143 = tpu.memref_squeeze %dma_start3A_142 : memref<1x128xi32, #tpu.memory_space<vmem>> -> memref<128xi32, #tpu.memory_space<vmem>>
        %dma_start3A_144 = arith.constant 0 : i32
        %dma_start3A_145 = arith.constant 0 : i32
        %dma_start3A_146 = tpu.memref_slice %arg13[%dma_start3A_144, %dma_start3A_145] : memref<10240x128xf32, #tpu.memory_space<vmem_shared>> -> memref<10240x128xf32, #tpu.memory_space<vmem_shared>>
        tpu.enqueue_indirect_dma source(%arg10 : memref<128x128xf32, #tpu.memory_space<vmem>>) target(%dma_start3A_146 : memref<10240x128xf32, #tpu.memory_space<vmem_shared>>) offsets(%dma_start3A_143 : memref<128xi32, #tpu.memory_space<vmem>>) semaphore(%run_scoped3A : memref<!tpu.dma_semaphore, #tpu.memory_space<semaphore_mem>>) {add = true}
        %dma_wait3A_147 = arith.constant 0 : i32
        %dma_wait3A_148 = tpu.memref_slice %arg8[%add3A_120, %dma_wait3A_147] : memref<40x128xi32, #tpu.memory_space<vmem>> -> memref<1x128xi32, #tpu.memory_space<vmem>>
        %dma_wait3A_149 = tpu.memref_squeeze %dma_wait3A_148 : memref<1x128xi32, #tpu.memory_space<vmem>> -> memref<128xi32, #tpu.memory_space<vmem>>
        %dma_wait3A_150 = arith.constant 0 : i32
        %dma_wait3A_151 = arith.constant 0 : i32
        %dma_wait3A_152 = tpu.memref_slice %arg13[%dma_wait3A_150, %dma_wait3A_151] : memref<10240x128xf32, #tpu.memory_space<vmem_shared>> -> memref<10240x128xf32, #tpu.memory_space<vmem_shared>>
        tpu.wait_indirect_dma semaphore(%run_scoped3A : memref<!tpu.dma_semaphore, #tpu.memory_space<semaphore_mem>>) src(%arg10 : memref<128x128xf32, #tpu.memory_space<vmem>>) dst(%dma_wait3A_152 : memref<10240x128xf32, #tpu.memory_space<vmem_shared>>)
        tpu.yield
      }) : () -> ()
      %lt3A_136 = arith.constant 19 : i32
      %lt3A_137 = arith.cmpi slt, %add3A_116, %lt3A_136 : i32
      %convert_element_type3A_138 = arith.extui %lt3A_137 : i1 to i32
      %cond3A_139 = arith.constant 0 : i32
      %cond3A_140 = arith.cmpi ne, %convert_element_type3A_138, %cond3A_139 : i32
      scf.if %cond3A_140 {
        %add3A_141 = arith.constant 2 : i32
        %add3A_142 = arith.addi %add3A_120, %add3A_141 : i32
        %dma_start3A_143 = arith.constant 0 : i32
        %dma_start3A_144 = tpu.memref_slice %arg7[%add3A_142, %dma_start3A_143] : memref<40x128xi32, #tpu.memory_space<vmem>> -> memref<1x128xi32, #tpu.memory_space<vmem>>
        %dma_start3A_145 = tpu.memref_squeeze %dma_start3A_144 : memref<1x128xi32, #tpu.memory_space<vmem>> -> memref<128xi32, #tpu.memory_space<vmem>>
        %dma_start3A_146 = arith.constant 0 : i32
        %dma_start3A_147 = arith.constant 0 : i32
        %dma_start3A_148 = tpu.memref_slice %arg2[%dma_start3A_146, %dma_start3A_147] : memref<10240x128xf32, #tpu.memory_space<hbm>> -> memref<10240x128xf32, #tpu.memory_space<hbm>>
        tpu.enqueue_indirect_dma source(%dma_start3A_148 : memref<10240x128xf32, #tpu.memory_space<hbm>>) target(%arg10 : memref<128x128xf32, #tpu.memory_space<vmem>>) offsets(%dma_start3A_145 : memref<128xi32, #tpu.memory_space<vmem>>) semaphore(%arg12 : memref<!tpu.dma_semaphore, #tpu.memory_space<semaphore_mem>>)
      } else {
      }
    }
    %scan3A_34 = arith.constant 20 : i32
    "tpu.trace_stop"() : () -> ()
    "tpu.trace_start"() <{level = 10 : i32, message = "idx_load1"}> : () -> ()
    "tpu.region"() ({
      %run_scoped3A = tpu.sem_alloc : memref<!tpu.dma_semaphore, #tpu.memory_space<semaphore_mem>>
      %dma_start3A_112 = arith.constant 40 : i32
      %dma_start3A_113 = arith.constant 0 : i32
      %dma_start3A_114 = tpu.memref_slice %arg3[%add3A, %dma_start3A_112, %dma_start3A_113] : memref<32x80x128xi32, #tpu.memory_space<hbm>> -> memref<1x40x128xi32, #tpu.memory_space<hbm>>
      %dma_start3A_115 = tpu.memref_squeeze %dma_start3A_114 : memref<1x40x128xi32, #tpu.memory_space<hbm>> -> memref<40x128xi32, #tpu.memory_space<hbm>>
      %dma_start3A_116 = arith.constant 40 : i32
      %dma_start3A_117 = arith.constant 0 : i32
      %dma_start3A_118 = tpu.memref_slice %arg3[%add3A, %dma_start3A_116, %dma_start3A_117] : memref<32x80x128xi32, #tpu.memory_space<hbm>> -> memref<1x40x128xi32, #tpu.memory_space<hbm>>
      %dma_start3A_119 = tpu.memref_squeeze %dma_start3A_118 : memref<1x40x128xi32, #tpu.memory_space<hbm>> -> memref<40x128xi32, #tpu.memory_space<hbm>>
      tpu.enqueue_dma source(%dma_start3A_119 : memref<40x128xi32, #tpu.memory_space<hbm>>) target(%arg7 : memref<40x128xi32, #tpu.memory_space<vmem>>) target_semaphore(%run_scoped3A : memref<!tpu.dma_semaphore, #tpu.memory_space<semaphore_mem>>)
      %dma_wait3A = arith.constant 40 : i32
      %dma_wait3A_120 = arith.constant 0 : i32
      %dma_wait3A_121 = tpu.memref_slice %arg3[%add3A, %dma_wait3A, %dma_wait3A_120] : memref<32x80x128xi32, #tpu.memory_space<hbm>> -> memref<1x40x128xi32, #tpu.memory_space<hbm>>
      %dma_wait3A_122 = tpu.memref_squeeze %dma_wait3A_121 : memref<1x40x128xi32, #tpu.memory_space<hbm>> -> memref<40x128xi32, #tpu.memory_space<hbm>>
      %dma_wait3A_123 = arith.constant 40 : i32
      %dma_wait3A_124 = arith.constant 0 : i32
      %dma_wait3A_125 = tpu.memref_slice %arg3[%add3A, %dma_wait3A_123, %dma_wait3A_124] : memref<32x80x128xi32, #tpu.memory_space<hbm>> -> memref<1x40x128xi32, #tpu.memory_space<hbm>>
      %dma_wait3A_126 = tpu.memref_squeeze %dma_wait3A_125 : memref<1x40x128xi32, #tpu.memory_space<hbm>> -> memref<40x128xi32, #tpu.memory_space<hbm>>
      tpu.wait_dma2 semaphore(%run_scoped3A : memref<!tpu.dma_semaphore, #tpu.memory_space<semaphore_mem>>) src(%dma_wait3A_126 : memref<40x128xi32, #tpu.memory_space<hbm>>) dst(%arg7 : memref<40x128xi32, #tpu.memory_space<vmem>>)
      tpu.yield
    }) : () -> ()
    "tpu.region"() ({
      %run_scoped3A = tpu.sem_alloc : memref<!tpu.dma_semaphore, #tpu.memory_space<semaphore_mem>>
      %dma_start3A_112 = arith.constant 40 : i32
      %dma_start3A_113 = arith.constant 0 : i32
      %dma_start3A_114 = tpu.memref_slice %arg4[%add3A, %dma_start3A_112, %dma_start3A_113] : memref<32x80x128xi32, #tpu.memory_space<hbm>> -> memref<1x40x128xi32, #tpu.memory_space<hbm>>
      %dma_start3A_115 = tpu.memref_squeeze %dma_start3A_114 : memref<1x40x128xi32, #tpu.memory_space<hbm>> -> memref<40x128xi32, #tpu.memory_space<hbm>>
      %dma_start3A_116 = arith.constant 40 : i32
      %dma_start3A_117 = arith.constant 0 : i32
      %dma_start3A_118 = tpu.memref_slice %arg4[%add3A, %dma_start3A_116, %dma_start3A_117] : memref<32x80x128xi32, #tpu.memory_space<hbm>> -> memref<1x40x128xi32, #tpu.memory_space<hbm>>
      %dma_start3A_119 = tpu.memref_squeeze %dma_start3A_118 : memref<1x40x128xi32, #tpu.memory_space<hbm>> -> memref<40x128xi32, #tpu.memory_space<hbm>>
      tpu.enqueue_dma source(%dma_start3A_119 : memref<40x128xi32, #tpu.memory_space<hbm>>) target(%arg8 : memref<40x128xi32, #tpu.memory_space<vmem>>) target_semaphore(%run_scoped3A : memref<!tpu.dma_semaphore, #tpu.memory_space<semaphore_mem>>)
      %dma_wait3A = arith.constant 40 : i32
      %dma_wait3A_120 = arith.constant 0 : i32
      %dma_wait3A_121 = tpu.memref_slice %arg4[%add3A, %dma_wait3A, %dma_wait3A_120] : memref<32x80x128xi32, #tpu.memory_space<hbm>> -> memref<1x40x128xi32, #tpu.memory_space<hbm>>
      %dma_wait3A_122 = tpu.memref_squeeze %dma_wait3A_121 : memref<1x40x128xi32, #tpu.memory_space<hbm>> -> memref<40x128xi32, #tpu.memory_space<hbm>>
      %dma_wait3A_123 = arith.constant 40 : i32
      %dma_wait3A_124 = arith.constant 0 : i32
      %dma_wait3A_125 = tpu.memref_slice %arg4[%add3A, %dma_wait3A_123, %dma_wait3A_124] : memref<32x80x128xi32, #tpu.memory_space<hbm>> -> memref<1x40x128xi32, #tpu.memory_space<hbm>>
      %dma_wait3A_126 = tpu.memref_squeeze %dma_wait3A_125 : memref<1x40x128xi32, #tpu.memory_space<hbm>> -> memref<40x128xi32, #tpu.memory_space<hbm>>
      tpu.wait_dma2 semaphore(%run_scoped3A : memref<!tpu.dma_semaphore, #tpu.memory_space<semaphore_mem>>) src(%dma_wait3A_126 : memref<40x128xi32, #tpu.memory_space<hbm>>) dst(%arg8 : memref<40x128xi32, #tpu.memory_space<vmem>>)
      tpu.yield
    }) : () -> ()
    %dma_start3A_35 = arith.constant 0 : i32
    "tpu.trace_stop"() : () -> ()
    "tpu.trace_start"() <{level = 10 : i32, message = "edge_loop1"}> : () -> ()
    %dma_start3A_36 = arith.constant 0 : i32
    %dma_start3A_37 = tpu.memref_slice %arg7[%dma_start3A_35, %dma_start3A_36] : memref<40x128xi32, #tpu.memory_space<vmem>> -> memref<1x128xi32, #tpu.memory_space<vmem>>
    %dma_start3A_38 = tpu.memref_squeeze %dma_start3A_37 : memref<1x128xi32, #tpu.memory_space<vmem>> -> memref<128xi32, #tpu.memory_space<vmem>>
    %dma_start3A_39 = arith.constant 0 : i32
    %dma_start3A_40 = arith.constant 0 : i32
    %dma_start3A_41 = tpu.memref_slice %arg2[%dma_start3A_39, %dma_start3A_40] : memref<10240x128xf32, #tpu.memory_space<hbm>> -> memref<10240x128xf32, #tpu.memory_space<hbm>>
    tpu.enqueue_indirect_dma source(%dma_start3A_41 : memref<10240x128xf32, #tpu.memory_space<hbm>>) target(%arg9 : memref<128x128xf32, #tpu.memory_space<vmem>>) offsets(%dma_start3A_38 : memref<128xi32, #tpu.memory_space<vmem>>) semaphore(%arg11 : memref<!tpu.dma_semaphore, #tpu.memory_space<semaphore_mem>>)
    %dma_start3A_42 = arith.constant 1 : i32
    %dma_start3A_43 = arith.constant 0 : i32
    %dma_start3A_44 = tpu.memref_slice %arg7[%dma_start3A_42, %dma_start3A_43] : memref<40x128xi32, #tpu.memory_space<vmem>> -> memref<1x128xi32, #tpu.memory_space<vmem>>
    %dma_start3A_45 = tpu.memref_squeeze %dma_start3A_44 : memref<1x128xi32, #tpu.memory_space<vmem>> -> memref<128xi32, #tpu.memory_space<vmem>>
    %dma_start3A_46 = arith.constant 0 : i32
    %dma_start3A_47 = arith.constant 0 : i32
    %dma_start3A_48 = tpu.memref_slice %arg2[%dma_start3A_46, %dma_start3A_47] : memref<10240x128xf32, #tpu.memory_space<hbm>> -> memref<10240x128xf32, #tpu.memory_space<hbm>>
    tpu.enqueue_indirect_dma source(%dma_start3A_48 : memref<10240x128xf32, #tpu.memory_space<hbm>>) target(%arg10 : memref<128x128xf32, #tpu.memory_space<vmem>>) offsets(%dma_start3A_45 : memref<128xi32, #tpu.memory_space<vmem>>) semaphore(%arg12 : memref<!tpu.dma_semaphore, #tpu.memory_space<semaphore_mem>>)
    %scan3A_49 = arith.constant 0 : i32
    %scan3A_50 = arith.constant 20 : i32
    %scan3A_51 = arith.addi %scan3A_49, %scan3A_50 : i32
    %scan3A_52 = arith.constant 1 : i32
    scf.for %scan3A_112 = %scan3A_49 to %scan3A_51 step %scan3A_52  : i32 {
      %mul3A_113 = arith.constant 1 : i32
      %mul3A_114 = arith.muli %scan3A_112, %mul3A_113 : i32
      %add3A_115 = arith.constant 0 : i32
      %add3A_116 = arith.addi %add3A_115, %mul3A_114 : i32
      %mul3A_117 = arith.constant 2 : i32
      %mul3A_118 = arith.muli %mul3A_117, %add3A_116 : i32
      %add3A_119 = arith.constant 1 : i32
      %add3A_120 = arith.addi %mul3A_118, %add3A_119 : i32
      %dma_wait3A = arith.constant 0 : i32
      %dma_wait3A_121 = tpu.memref_slice %arg7[%mul3A_118, %dma_wait3A] : memref<40x128xi32, #tpu.memory_space<vmem>> -> memref<1x128xi32, #tpu.memory_space<vmem>>
      %dma_wait3A_122 = tpu.memref_squeeze %dma_wait3A_121 : memref<1x128xi32, #tpu.memory_space<vmem>> -> memref<128xi32, #tpu.memory_space<vmem>>
      %dma_wait3A_123 = arith.constant 0 : i32
      %dma_wait3A_124 = arith.constant 0 : i32
      %dma_wait3A_125 = tpu.memref_slice %arg2[%dma_wait3A_123, %dma_wait3A_124] : memref<10240x128xf32, #tpu.memory_space<hbm>> -> memref<10240x128xf32, #tpu.memory_space<hbm>>
      tpu.wait_indirect_dma semaphore(%arg11 : memref<!tpu.dma_semaphore, #tpu.memory_space<semaphore_mem>>) src(%dma_wait3A_125 : memref<10240x128xf32, #tpu.memory_space<hbm>>) dst(%arg9 : memref<128x128xf32, #tpu.memory_space<vmem>>)
      "tpu.region"() ({
        %run_scoped3A = tpu.sem_alloc : memref<!tpu.dma_semaphore, #tpu.memory_space<semaphore_mem>>
        %dma_start3A_141 = arith.constant 0 : i32
        %dma_start3A_142 = tpu.memref_slice %arg8[%mul3A_118, %dma_start3A_141] : memref<40x128xi32, #tpu.memory_space<vmem>> -> memref<1x128xi32, #tpu.memory_space<vmem>>
        %dma_start3A_143 = tpu.memref_squeeze %dma_start3A_142 : memref<1x128xi32, #tpu.memory_space<vmem>> -> memref<128xi32, #tpu.memory_space<vmem>>
        %dma_start3A_144 = arith.constant 0 : i32
        %dma_start3A_145 = arith.constant 0 : i32
        %dma_start3A_146 = tpu.memref_slice %arg13[%dma_start3A_144, %dma_start3A_145] : memref<10240x128xf32, #tpu.memory_space<vmem_shared>> -> memref<10240x128xf32, #tpu.memory_space<vmem_shared>>
        tpu.enqueue_indirect_dma source(%arg9 : memref<128x128xf32, #tpu.memory_space<vmem>>) target(%dma_start3A_146 : memref<10240x128xf32, #tpu.memory_space<vmem_shared>>) offsets(%dma_start3A_143 : memref<128xi32, #tpu.memory_space<vmem>>) semaphore(%run_scoped3A : memref<!tpu.dma_semaphore, #tpu.memory_space<semaphore_mem>>) {add = true}
        %dma_wait3A_147 = arith.constant 0 : i32
        %dma_wait3A_148 = tpu.memref_slice %arg8[%mul3A_118, %dma_wait3A_147] : memref<40x128xi32, #tpu.memory_space<vmem>> -> memref<1x128xi32, #tpu.memory_space<vmem>>
        %dma_wait3A_149 = tpu.memref_squeeze %dma_wait3A_148 : memref<1x128xi32, #tpu.memory_space<vmem>> -> memref<128xi32, #tpu.memory_space<vmem>>
        %dma_wait3A_150 = arith.constant 0 : i32
        %dma_wait3A_151 = arith.constant 0 : i32
        %dma_wait3A_152 = tpu.memref_slice %arg13[%dma_wait3A_150, %dma_wait3A_151] : memref<10240x128xf32, #tpu.memory_space<vmem_shared>> -> memref<10240x128xf32, #tpu.memory_space<vmem_shared>>
        tpu.wait_indirect_dma semaphore(%run_scoped3A : memref<!tpu.dma_semaphore, #tpu.memory_space<semaphore_mem>>) src(%arg9 : memref<128x128xf32, #tpu.memory_space<vmem>>) dst(%dma_wait3A_152 : memref<10240x128xf32, #tpu.memory_space<vmem_shared>>)
        tpu.yield
      }) : () -> ()
      %lt3A = arith.constant 19 : i32
      %lt3A_126 = arith.cmpi slt, %add3A_116, %lt3A : i32
      %convert_element_type3A_127 = arith.extui %lt3A_126 : i1 to i32
      %cond3A_128 = arith.constant 0 : i32
      %cond3A_129 = arith.cmpi ne, %convert_element_type3A_127, %cond3A_128 : i32
      scf.if %cond3A_129 {
        %add3A_141 = arith.constant 2 : i32
        %add3A_142 = arith.addi %mul3A_118, %add3A_141 : i32
        %dma_start3A_143 = arith.constant 0 : i32
        %dma_start3A_144 = tpu.memref_slice %arg7[%add3A_142, %dma_start3A_143] : memref<40x128xi32, #tpu.memory_space<vmem>> -> memref<1x128xi32, #tpu.memory_space<vmem>>
        %dma_start3A_145 = tpu.memref_squeeze %dma_start3A_144 : memref<1x128xi32, #tpu.memory_space<vmem>> -> memref<128xi32, #tpu.memory_space<vmem>>
        %dma_start3A_146 = arith.constant 0 : i32
        %dma_start3A_147 = arith.constant 0 : i32
        %dma_start3A_148 = tpu.memref_slice %arg2[%dma_start3A_146, %dma_start3A_147] : memref<10240x128xf32, #tpu.memory_space<hbm>> -> memref<10240x128xf32, #tpu.memory_space<hbm>>
        tpu.enqueue_indirect_dma source(%dma_start3A_148 : memref<10240x128xf32, #tpu.memory_space<hbm>>) target(%arg9 : memref<128x128xf32, #tpu.memory_space<vmem>>) offsets(%dma_start3A_145 : memref<128xi32, #tpu.memory_space<vmem>>) semaphore(%arg11 : memref<!tpu.dma_semaphore, #tpu.memory_space<semaphore_mem>>)
      } else {
      }
      %dma_wait3A_130 = arith.constant 0 : i32
      %dma_wait3A_131 = tpu.memref_slice %arg7[%add3A_120, %dma_wait3A_130] : memref<40x128xi32, #tpu.memory_space<vmem>> -> memref<1x128xi32, #tpu.memory_space<vmem>>
      %dma_wait3A_132 = tpu.memref_squeeze %dma_wait3A_131 : memref<1x128xi32, #tpu.memory_space<vmem>> -> memref<128xi32, #tpu.memory_space<vmem>>
      %dma_wait3A_133 = arith.constant 0 : i32
      %dma_wait3A_134 = arith.constant 0 : i32
      %dma_wait3A_135 = tpu.memref_slice %arg2[%dma_wait3A_133, %dma_wait3A_134] : memref<10240x128xf32, #tpu.memory_space<hbm>> -> memref<10240x128xf32, #tpu.memory_space<hbm>>
      tpu.wait_indirect_dma semaphore(%arg12 : memref<!tpu.dma_semaphore, #tpu.memory_space<semaphore_mem>>) src(%dma_wait3A_135 : memref<10240x128xf32, #tpu.memory_space<hbm>>) dst(%arg10 : memref<128x128xf32, #tpu.memory_space<vmem>>)
      "tpu.region"() ({
        %run_scoped3A = tpu.sem_alloc : memref<!tpu.dma_semaphore, #tpu.memory_space<semaphore_mem>>
        %dma_start3A_141 = arith.constant 0 : i32
        %dma_start3A_142 = tpu.memref_slice %arg8[%add3A_120, %dma_start3A_141] : memref<40x128xi32, #tpu.memory_space<vmem>> -> memref<1x128xi32, #tpu.memory_space<vmem>>
        %dma_start3A_143 = tpu.memref_squeeze %dma_start3A_142 : memref<1x128xi32, #tpu.memory_space<vmem>> -> memref<128xi32, #tpu.memory_space<vmem>>
        %dma_start3A_144 = arith.constant 0 : i32
        %dma_start3A_145 = arith.constant 0 : i32
        %dma_start3A_146 = tpu.memref_slice %arg13[%dma_start3A_144, %dma_start3A_145] : memref<10240x128xf32, #tpu.memory_space<vmem_shared>> -> memref<10240x128xf32, #tpu.memory_space<vmem_shared>>
        tpu.enqueue_indirect_dma source(%arg10 : memref<128x128xf32, #tpu.memory_space<vmem>>) target(%dma_start3A_146 : memref<10240x128xf32, #tpu.memory_space<vmem_shared>>) offsets(%dma_start3A_143 : memref<128xi32, #tpu.memory_space<vmem>>) semaphore(%run_scoped3A : memref<!tpu.dma_semaphore, #tpu.memory_space<semaphore_mem>>) {add = true}
        %dma_wait3A_147 = arith.constant 0 : i32
        %dma_wait3A_148 = tpu.memref_slice %arg8[%add3A_120, %dma_wait3A_147] : memref<40x128xi32, #tpu.memory_space<vmem>> -> memref<1x128xi32, #tpu.memory_space<vmem>>
        %dma_wait3A_149 = tpu.memref_squeeze %dma_wait3A_148 : memref<1x128xi32, #tpu.memory_space<vmem>> -> memref<128xi32, #tpu.memory_space<vmem>>
        %dma_wait3A_150 = arith.constant 0 : i32
        %dma_wait3A_151 = arith.constant 0 : i32
        %dma_wait3A_152 = tpu.memref_slice %arg13[%dma_wait3A_150, %dma_wait3A_151] : memref<10240x128xf32, #tpu.memory_space<vmem_shared>> -> memref<10240x128xf32, #tpu.memory_space<vmem_shared>>
        tpu.wait_indirect_dma semaphore(%run_scoped3A : memref<!tpu.dma_semaphore, #tpu.memory_space<semaphore_mem>>) src(%arg10 : memref<128x128xf32, #tpu.memory_space<vmem>>) dst(%dma_wait3A_152 : memref<10240x128xf32, #tpu.memory_space<vmem_shared>>)
        tpu.yield
      }) : () -> ()
      %lt3A_136 = arith.constant 19 : i32
      %lt3A_137 = arith.cmpi slt, %add3A_116, %lt3A_136 : i32
      %convert_element_type3A_138 = arith.extui %lt3A_137 : i1 to i32
      %cond3A_139 = arith.constant 0 : i32
      %cond3A_140 = arith.cmpi ne, %convert_element_type3A_138, %cond3A_139 : i32
      scf.if %cond3A_140 {
        %add3A_141 = arith.constant 2 : i32
        %add3A_142 = arith.addi %add3A_120, %add3A_141 : i32
        %dma_start3A_143 = arith.constant 0 : i32
        %dma_start3A_144 = tpu.memref_slice %arg7[%add3A_142, %dma_start3A_143] : memref<40x128xi32, #tpu.memory_space<vmem>> -> memref<1x128xi32, #tpu.memory_space<vmem>>
        %dma_start3A_145 = tpu.memref_squeeze %dma_start3A_144 : memref<1x128xi32, #tpu.memory_space<vmem>> -> memref<128xi32, #tpu.memory_space<vmem>>
        %dma_start3A_146 = arith.constant 0 : i32
        %dma_start3A_147 = arith.constant 0 : i32
        %dma_start3A_148 = tpu.memref_slice %arg2[%dma_start3A_146, %dma_start3A_147] : memref<10240x128xf32, #tpu.memory_space<hbm>> -> memref<10240x128xf32, #tpu.memory_space<hbm>>
        tpu.enqueue_indirect_dma source(%dma_start3A_148 : memref<10240x128xf32, #tpu.memory_space<hbm>>) target(%arg10 : memref<128x128xf32, #tpu.memory_space<vmem>>) offsets(%dma_start3A_145 : memref<128xi32, #tpu.memory_space<vmem>>) semaphore(%arg12 : memref<!tpu.dma_semaphore, #tpu.memory_space<semaphore_mem>>)
      } else {
      }
    }
    %scan3A_53 = arith.constant 20 : i32
    "tpu.trace_stop"() : () -> ()
    "tpu.trace_start"() <{level = 10 : i32, message = "writeout"}> : () -> ()
    %barrier3A_54 = arith.constant 0 : index
    tpu.barrier barrier_id(%barrier3A_54)
    %add3A_55 = arith.constant 0 : i32
    %add3A_56 = arith.addi %mul3A_6, %add3A_55 : i32
    "tpu.region"() ({
      %run_scoped3A = tpu.sem_alloc : memref<!tpu.dma_semaphore, #tpu.memory_space<semaphore_mem>>
      %dma_start3A_112 = arith.constant 0 : i32
      %dma_start3A_113 = tpu.memref_slice %arg13[%add3A_56, %dma_start3A_112] : memref<10240x128xf32, #tpu.memory_space<vmem_shared>> -> memref<128x128xf32, #tpu.memory_space<vmem_shared>>
      %dma_start3A_114 = arith.constant 0 : i32
      %dma_start3A_115 = tpu.memref_slice %arg13[%add3A_56, %dma_start3A_114] : memref<10240x128xf32, #tpu.memory_space<vmem_shared>> -> memref<128x128xf32, #tpu.memory_space<vmem_shared>>
      tpu.enqueue_dma source(%dma_start3A_115 : memref<128x128xf32, #tpu.memory_space<vmem_shared>>) target(%arg9 : memref<128x128xf32, #tpu.memory_space<vmem>>) target_semaphore(%run_scoped3A : memref<!tpu.dma_semaphore, #tpu.memory_space<semaphore_mem>>)
      %dma_wait3A = arith.constant 0 : i32
      %dma_wait3A_116 = tpu.memref_slice %arg13[%add3A_56, %dma_wait3A] : memref<10240x128xf32, #tpu.memory_space<vmem_shared>> -> memref<128x128xf32, #tpu.memory_space<vmem_shared>>
      %dma_wait3A_117 = arith.constant 0 : i32
      %dma_wait3A_118 = tpu.memref_slice %arg13[%add3A_56, %dma_wait3A_117] : memref<10240x128xf32, #tpu.memory_space<vmem_shared>> -> memref<128x128xf32, #tpu.memory_space<vmem_shared>>
      tpu.wait_dma2 semaphore(%run_scoped3A : memref<!tpu.dma_semaphore, #tpu.memory_space<semaphore_mem>>) src(%dma_wait3A_118 : memref<128x128xf32, #tpu.memory_space<vmem_shared>>) dst(%arg9 : memref<128x128xf32, #tpu.memory_space<vmem>>)
      tpu.yield
    }) : () -> ()
    %eq3A = arith.constant 0 : i32
    %eq3A_57 = arith.cmpi eq, %arg0, %eq3A : i32
    %convert_element_type3A = arith.extui %eq3A_57 : i1 to i32
    %cond3A = arith.constant 0 : i32
    %cond3A_58 = arith.cmpi ne, %convert_element_type3A, %cond3A : i32
    scf.if %cond3A_58 {
      "tpu.region"() ({
        %run_scoped3A = tpu.sem_alloc : memref<!tpu.dma_semaphore, #tpu.memory_space<semaphore_mem>>
        %dma_start3A_112 = arith.constant 0 : i32
        %dma_start3A_113 = tpu.memref_slice %arg6[%add3A_56, %dma_start3A_112] : memref<10240x128xf32, #tpu.memory_space<hbm>> -> memref<128x128xf32, #tpu.memory_space<hbm>>
        %dma_start3A_114 = arith.constant 0 : i32
        %dma_start3A_115 = tpu.memref_slice %arg6[%add3A_56, %dma_start3A_114] : memref<10240x128xf32, #tpu.memory_space<hbm>> -> memref<128x128xf32, #tpu.memory_space<hbm>>
        tpu.enqueue_dma source(%arg9 : memref<128x128xf32, #tpu.memory_space<vmem>>) target(%dma_start3A_115 : memref<128x128xf32, #tpu.memory_space<hbm>>) target_semaphore(%run_scoped3A : memref<!tpu.dma_semaphore, #tpu.memory_space<semaphore_mem>>)
        %dma_wait3A = arith.constant 0 : i32
        %dma_wait3A_116 = tpu.memref_slice %arg6[%add3A_56, %dma_wait3A] : memref<10240x128xf32, #tpu.memory_space<hbm>> -> memref<128x128xf32, #tpu.memory_space<hbm>>
        %dma_wait3A_117 = arith.constant 0 : i32
        %dma_wait3A_118 = tpu.memref_slice %arg6[%add3A_56, %dma_wait3A_117] : memref<10240x128xf32, #tpu.memory_space<hbm>> -> memref<128x128xf32, #tpu.memory_space<hbm>>
        tpu.wait_dma2 semaphore(%run_scoped3A : memref<!tpu.dma_semaphore, #tpu.memory_space<semaphore_mem>>) src(%arg9 : memref<128x128xf32, #tpu.memory_space<vmem>>) dst(%dma_wait3A_118 : memref<128x128xf32, #tpu.memory_space<hbm>>)
        tpu.yield
      }) : () -> ()
    } else {
    }
    %eq3A_59 = arith.constant 1 : i32
    %eq3A_60 = arith.cmpi eq, %arg0, %eq3A_59 : i32
    %convert_element_type3A_61 = arith.extui %eq3A_60 : i1 to i32
    %cond3A_62 = arith.constant 0 : i32
    %cond3A_63 = arith.cmpi ne, %convert_element_type3A_61, %cond3A_62 : i32
    scf.if %cond3A_63 {
      "tpu.region"() ({
        %run_scoped3A = tpu.sem_alloc : memref<!tpu.dma_semaphore, #tpu.memory_space<semaphore_mem>>
        %dma_start3A_112 = arith.constant 0 : i32
        %dma_start3A_113 = tpu.memref_slice %arg5[%add3A_56, %dma_start3A_112] : memref<10240x128xf32, #tpu.memory_space<hbm>> -> memref<128x128xf32, #tpu.memory_space<hbm>>
        %dma_start3A_114 = arith.constant 0 : i32
        %dma_start3A_115 = tpu.memref_slice %arg5[%add3A_56, %dma_start3A_114] : memref<10240x128xf32, #tpu.memory_space<hbm>> -> memref<128x128xf32, #tpu.memory_space<hbm>>
        tpu.enqueue_dma source(%arg9 : memref<128x128xf32, #tpu.memory_space<vmem>>) target(%dma_start3A_115 : memref<128x128xf32, #tpu.memory_space<hbm>>) target_semaphore(%run_scoped3A : memref<!tpu.dma_semaphore, #tpu.memory_space<semaphore_mem>>)
        %dma_wait3A = arith.constant 0 : i32
        %dma_wait3A_116 = tpu.memref_slice %arg5[%add3A_56, %dma_wait3A] : memref<10240x128xf32, #tpu.memory_space<hbm>> -> memref<128x128xf32, #tpu.memory_space<hbm>>
        %dma_wait3A_117 = arith.constant 0 : i32
        %dma_wait3A_118 = tpu.memref_slice %arg5[%add3A_56, %dma_wait3A_117] : memref<10240x128xf32, #tpu.memory_space<hbm>> -> memref<128x128xf32, #tpu.memory_space<hbm>>
        tpu.wait_dma2 semaphore(%run_scoped3A : memref<!tpu.dma_semaphore, #tpu.memory_space<semaphore_mem>>) src(%arg9 : memref<128x128xf32, #tpu.memory_space<vmem>>) dst(%dma_wait3A_118 : memref<128x128xf32, #tpu.memory_space<hbm>>)
        tpu.yield
      }) : () -> ()
    } else {
    }
    %add3A_64 = arith.constant 128 : i32
    %add3A_65 = arith.addi %mul3A_6, %add3A_64 : i32
    "tpu.region"() ({
      %run_scoped3A = tpu.sem_alloc : memref<!tpu.dma_semaphore, #tpu.memory_space<semaphore_mem>>
      %dma_start3A_112 = arith.constant 0 : i32
      %dma_start3A_113 = tpu.memref_slice %arg13[%add3A_65, %dma_start3A_112] : memref<10240x128xf32, #tpu.memory_space<vmem_shared>> -> memref<128x128xf32, #tpu.memory_space<vmem_shared>>
      %dma_start3A_114 = arith.constant 0 : i32
      %dma_start3A_115 = tpu.memref_slice %arg13[%add3A_65, %dma_start3A_114] : memref<10240x128xf32, #tpu.memory_space<vmem_shared>> -> memref<128x128xf32, #tpu.memory_space<vmem_shared>>
      tpu.enqueue_dma source(%dma_start3A_115 : memref<128x128xf32, #tpu.memory_space<vmem_shared>>) target(%arg10 : memref<128x128xf32, #tpu.memory_space<vmem>>) target_semaphore(%run_scoped3A : memref<!tpu.dma_semaphore, #tpu.memory_space<semaphore_mem>>)
      %dma_wait3A = arith.constant 0 : i32
      %dma_wait3A_116 = tpu.memref_slice %arg13[%add3A_65, %dma_wait3A] : memref<10240x128xf32, #tpu.memory_space<vmem_shared>> -> memref<128x128xf32, #tpu.memory_space<vmem_shared>>
      %dma_wait3A_117 = arith.constant 0 : i32
      %dma_wait3A_118 = tpu.memref_slice %arg13[%add3A_65, %dma_wait3A_117] : memref<10240x128xf32, #tpu.memory_space<vmem_shared>> -> memref<128x128xf32, #tpu.memory_space<vmem_shared>>
      tpu.wait_dma2 semaphore(%run_scoped3A : memref<!tpu.dma_semaphore, #tpu.memory_space<semaphore_mem>>) src(%dma_wait3A_118 : memref<128x128xf32, #tpu.memory_space<vmem_shared>>) dst(%arg10 : memref<128x128xf32, #tpu.memory_space<vmem>>)
      tpu.yield
    }) : () -> ()
    %eq3A_66 = arith.constant 0 : i32
    %eq3A_67 = arith.cmpi eq, %arg0, %eq3A_66 : i32
    %convert_element_type3A_68 = arith.extui %eq3A_67 : i1 to i32
    %cond3A_69 = arith.constant 0 : i32
    %cond3A_70 = arith.cmpi ne, %convert_element_type3A_68, %cond3A_69 : i32
    scf.if %cond3A_70 {
      "tpu.region"() ({
        %run_scoped3A = tpu.sem_alloc : memref<!tpu.dma_semaphore, #tpu.memory_space<semaphore_mem>>
        %dma_start3A_112 = arith.constant 0 : i32
        %dma_start3A_113 = tpu.memref_slice %arg6[%add3A_65, %dma_start3A_112] : memref<10240x128xf32, #tpu.memory_space<hbm>> -> memref<128x128xf32, #tpu.memory_space<hbm>>
        %dma_start3A_114 = arith.constant 0 : i32
        %dma_start3A_115 = tpu.memref_slice %arg6[%add3A_65, %dma_start3A_114] : memref<10240x128xf32, #tpu.memory_space<hbm>> -> memref<128x128xf32, #tpu.memory_space<hbm>>
        tpu.enqueue_dma source(%arg10 : memref<128x128xf32, #tpu.memory_space<vmem>>) target(%dma_start3A_115 : memref<128x128xf32, #tpu.memory_space<hbm>>) target_semaphore(%run_scoped3A : memref<!tpu.dma_semaphore, #tpu.memory_space<semaphore_mem>>)
        %dma_wait3A = arith.constant 0 : i32
        %dma_wait3A_116 = tpu.memref_slice %arg6[%add3A_65, %dma_wait3A] : memref<10240x128xf32, #tpu.memory_space<hbm>> -> memref<128x128xf32, #tpu.memory_space<hbm>>
        %dma_wait3A_117 = arith.constant 0 : i32
        %dma_wait3A_118 = tpu.memref_slice %arg6[%add3A_65, %dma_wait3A_117] : memref<10240x128xf32, #tpu.memory_space<hbm>> -> memref<128x128xf32, #tpu.memory_space<hbm>>
        tpu.wait_dma2 semaphore(%run_scoped3A : memref<!tpu.dma_semaphore, #tpu.memory_space<semaphore_mem>>) src(%arg10 : memref<128x128xf32, #tpu.memory_space<vmem>>) dst(%dma_wait3A_118 : memref<128x128xf32, #tpu.memory_space<hbm>>)
        tpu.yield
      }) : () -> ()
    } else {
    }
    %eq3A_71 = arith.constant 1 : i32
    %eq3A_72 = arith.cmpi eq, %arg0, %eq3A_71 : i32
    %convert_element_type3A_73 = arith.extui %eq3A_72 : i1 to i32
    %cond3A_74 = arith.constant 0 : i32
    %cond3A_75 = arith.cmpi ne, %convert_element_type3A_73, %cond3A_74 : i32
    scf.if %cond3A_75 {
      "tpu.region"() ({
        %run_scoped3A = tpu.sem_alloc : memref<!tpu.dma_semaphore, #tpu.memory_space<semaphore_mem>>
        %dma_start3A_112 = arith.constant 0 : i32
        %dma_start3A_113 = tpu.memref_slice %arg5[%add3A_65, %dma_start3A_112] : memref<10240x128xf32, #tpu.memory_space<hbm>> -> memref<128x128xf32, #tpu.memory_space<hbm>>
        %dma_start3A_114 = arith.constant 0 : i32
        %dma_start3A_115 = tpu.memref_slice %arg5[%add3A_65, %dma_start3A_114] : memref<10240x128xf32, #tpu.memory_space<hbm>> -> memref<128x128xf32, #tpu.memory_space<hbm>>
        tpu.enqueue_dma source(%arg10 : memref<128x128xf32, #tpu.memory_space<vmem>>) target(%dma_start3A_115 : memref<128x128xf32, #tpu.memory_space<hbm>>) target_semaphore(%run_scoped3A : memref<!tpu.dma_semaphore, #tpu.memory_space<semaphore_mem>>)
        %dma_wait3A = arith.constant 0 : i32
        %dma_wait3A_116 = tpu.memref_slice %arg5[%add3A_65, %dma_wait3A] : memref<10240x128xf32, #tpu.memory_space<hbm>> -> memref<128x128xf32, #tpu.memory_space<hbm>>
        %dma_wait3A_117 = arith.constant 0 : i32
        %dma_wait3A_118 = tpu.memref_slice %arg5[%add3A_65, %dma_wait3A_117] : memref<10240x128xf32, #tpu.memory_space<hbm>> -> memref<128x128xf32, #tpu.memory_space<hbm>>
        tpu.wait_dma2 semaphore(%run_scoped3A : memref<!tpu.dma_semaphore, #tpu.memory_space<semaphore_mem>>) src(%arg10 : memref<128x128xf32, #tpu.memory_space<vmem>>) dst(%dma_wait3A_118 : memref<128x128xf32, #tpu.memory_space<hbm>>)
        tpu.yield
      }) : () -> ()
    } else {
    }
    %add3A_76 = arith.constant 256 : i32
    %add3A_77 = arith.addi %mul3A_6, %add3A_76 : i32
    "tpu.region"() ({
      %run_scoped3A = tpu.sem_alloc : memref<!tpu.dma_semaphore, #tpu.memory_space<semaphore_mem>>
      %dma_start3A_112 = arith.constant 0 : i32
      %dma_start3A_113 = tpu.memref_slice %arg13[%add3A_77, %dma_start3A_112] : memref<10240x128xf32, #tpu.memory_space<vmem_shared>> -> memref<128x128xf32, #tpu.memory_space<vmem_shared>>
      %dma_start3A_114 = arith.constant 0 : i32
      %dma_start3A_115 = tpu.memref_slice %arg13[%add3A_77, %dma_start3A_114] : memref<10240x128xf32, #tpu.memory_space<vmem_shared>> -> memref<128x128xf32, #tpu.memory_space<vmem_shared>>
      tpu.enqueue_dma source(%dma_start3A_115 : memref<128x128xf32, #tpu.memory_space<vmem_shared>>) target(%arg9 : memref<128x128xf32, #tpu.memory_space<vmem>>) target_semaphore(%run_scoped3A : memref<!tpu.dma_semaphore, #tpu.memory_space<semaphore_mem>>)
      %dma_wait3A = arith.constant 0 : i32
      %dma_wait3A_116 = tpu.memref_slice %arg13[%add3A_77, %dma_wait3A] : memref<10240x128xf32, #tpu.memory_space<vmem_shared>> -> memref<128x128xf32, #tpu.memory_space<vmem_shared>>
      %dma_wait3A_117 = arith.constant 0 : i32
      %dma_wait3A_118 = tpu.memref_slice %arg13[%add3A_77, %dma_wait3A_117] : memref<10240x128xf32, #tpu.memory_space<vmem_shared>> -> memref<128x128xf32, #tpu.memory_space<vmem_shared>>
      tpu.wait_dma2 semaphore(%run_scoped3A : memref<!tpu.dma_semaphore, #tpu.memory_space<semaphore_mem>>) src(%dma_wait3A_118 : memref<128x128xf32, #tpu.memory_space<vmem_shared>>) dst(%arg9 : memref<128x128xf32, #tpu.memory_space<vmem>>)
      tpu.yield
    }) : () -> ()
    %eq3A_78 = arith.constant 0 : i32
    %eq3A_79 = arith.cmpi eq, %arg0, %eq3A_78 : i32
    %convert_element_type3A_80 = arith.extui %eq3A_79 : i1 to i32
    %cond3A_81 = arith.constant 0 : i32
    %cond3A_82 = arith.cmpi ne, %convert_element_type3A_80, %cond3A_81 : i32
    scf.if %cond3A_82 {
      "tpu.region"() ({
        %run_scoped3A = tpu.sem_alloc : memref<!tpu.dma_semaphore, #tpu.memory_space<semaphore_mem>>
        %dma_start3A_112 = arith.constant 0 : i32
        %dma_start3A_113 = tpu.memref_slice %arg6[%add3A_77, %dma_start3A_112] : memref<10240x128xf32, #tpu.memory_space<hbm>> -> memref<128x128xf32, #tpu.memory_space<hbm>>
        %dma_start3A_114 = arith.constant 0 : i32
        %dma_start3A_115 = tpu.memref_slice %arg6[%add3A_77, %dma_start3A_114] : memref<10240x128xf32, #tpu.memory_space<hbm>> -> memref<128x128xf32, #tpu.memory_space<hbm>>
        tpu.enqueue_dma source(%arg9 : memref<128x128xf32, #tpu.memory_space<vmem>>) target(%dma_start3A_115 : memref<128x128xf32, #tpu.memory_space<hbm>>) target_semaphore(%run_scoped3A : memref<!tpu.dma_semaphore, #tpu.memory_space<semaphore_mem>>)
        %dma_wait3A = arith.constant 0 : i32
        %dma_wait3A_116 = tpu.memref_slice %arg6[%add3A_77, %dma_wait3A] : memref<10240x128xf32, #tpu.memory_space<hbm>> -> memref<128x128xf32, #tpu.memory_space<hbm>>
        %dma_wait3A_117 = arith.constant 0 : i32
        %dma_wait3A_118 = tpu.memref_slice %arg6[%add3A_77, %dma_wait3A_117] : memref<10240x128xf32, #tpu.memory_space<hbm>> -> memref<128x128xf32, #tpu.memory_space<hbm>>
        tpu.wait_dma2 semaphore(%run_scoped3A : memref<!tpu.dma_semaphore, #tpu.memory_space<semaphore_mem>>) src(%arg9 : memref<128x128xf32, #tpu.memory_space<vmem>>) dst(%dma_wait3A_118 : memref<128x128xf32, #tpu.memory_space<hbm>>)
        tpu.yield
      }) : () -> ()
    } else {
    }
    %eq3A_83 = arith.constant 1 : i32
    %eq3A_84 = arith.cmpi eq, %arg0, %eq3A_83 : i32
    %convert_element_type3A_85 = arith.extui %eq3A_84 : i1 to i32
    %cond3A_86 = arith.constant 0 : i32
    %cond3A_87 = arith.cmpi ne, %convert_element_type3A_85, %cond3A_86 : i32
    scf.if %cond3A_87 {
      "tpu.region"() ({
        %run_scoped3A = tpu.sem_alloc : memref<!tpu.dma_semaphore, #tpu.memory_space<semaphore_mem>>
        %dma_start3A_112 = arith.constant 0 : i32
        %dma_start3A_113 = tpu.memref_slice %arg5[%add3A_77, %dma_start3A_112] : memref<10240x128xf32, #tpu.memory_space<hbm>> -> memref<128x128xf32, #tpu.memory_space<hbm>>
        %dma_start3A_114 = arith.constant 0 : i32
        %dma_start3A_115 = tpu.memref_slice %arg5[%add3A_77, %dma_start3A_114] : memref<10240x128xf32, #tpu.memory_space<hbm>> -> memref<128x128xf32, #tpu.memory_space<hbm>>
        tpu.enqueue_dma source(%arg9 : memref<128x128xf32, #tpu.memory_space<vmem>>) target(%dma_start3A_115 : memref<128x128xf32, #tpu.memory_space<hbm>>) target_semaphore(%run_scoped3A : memref<!tpu.dma_semaphore, #tpu.memory_space<semaphore_mem>>)
        %dma_wait3A = arith.constant 0 : i32
        %dma_wait3A_116 = tpu.memref_slice %arg5[%add3A_77, %dma_wait3A] : memref<10240x128xf32, #tpu.memory_space<hbm>> -> memref<128x128xf32, #tpu.memory_space<hbm>>
        %dma_wait3A_117 = arith.constant 0 : i32
        %dma_wait3A_118 = tpu.memref_slice %arg5[%add3A_77, %dma_wait3A_117] : memref<10240x128xf32, #tpu.memory_space<hbm>> -> memref<128x128xf32, #tpu.memory_space<hbm>>
        tpu.wait_dma2 semaphore(%run_scoped3A : memref<!tpu.dma_semaphore, #tpu.memory_space<semaphore_mem>>) src(%arg9 : memref<128x128xf32, #tpu.memory_space<vmem>>) dst(%dma_wait3A_118 : memref<128x128xf32, #tpu.memory_space<hbm>>)
        tpu.yield
      }) : () -> ()
    } else {
    }
    %add3A_88 = arith.constant 384 : i32
    %add3A_89 = arith.addi %mul3A_6, %add3A_88 : i32
    "tpu.region"() ({
      %run_scoped3A = tpu.sem_alloc : memref<!tpu.dma_semaphore, #tpu.memory_space<semaphore_mem>>
      %dma_start3A_112 = arith.constant 0 : i32
      %dma_start3A_113 = tpu.memref_slice %arg13[%add3A_89, %dma_start3A_112] : memref<10240x128xf32, #tpu.memory_space<vmem_shared>> -> memref<128x128xf32, #tpu.memory_space<vmem_shared>>
      %dma_start3A_114 = arith.constant 0 : i32
      %dma_start3A_115 = tpu.memref_slice %arg13[%add3A_89, %dma_start3A_114] : memref<10240x128xf32, #tpu.memory_space<vmem_shared>> -> memref<128x128xf32, #tpu.memory_space<vmem_shared>>
      tpu.enqueue_dma source(%dma_start3A_115 : memref<128x128xf32, #tpu.memory_space<vmem_shared>>) target(%arg10 : memref<128x128xf32, #tpu.memory_space<vmem>>) target_semaphore(%run_scoped3A : memref<!tpu.dma_semaphore, #tpu.memory_space<semaphore_mem>>)
      %dma_wait3A = arith.constant 0 : i32
      %dma_wait3A_116 = tpu.memref_slice %arg13[%add3A_89, %dma_wait3A] : memref<10240x128xf32, #tpu.memory_space<vmem_shared>> -> memref<128x128xf32, #tpu.memory_space<vmem_shared>>
      %dma_wait3A_117 = arith.constant 0 : i32
      %dma_wait3A_118 = tpu.memref_slice %arg13[%add3A_89, %dma_wait3A_117] : memref<10240x128xf32, #tpu.memory_space<vmem_shared>> -> memref<128x128xf32, #tpu.memory_space<vmem_shared>>
      tpu.wait_dma2 semaphore(%run_scoped3A : memref<!tpu.dma_semaphore, #tpu.memory_space<semaphore_mem>>) src(%dma_wait3A_118 : memref<128x128xf32, #tpu.memory_space<vmem_shared>>) dst(%arg10 : memref<128x128xf32, #tpu.memory_space<vmem>>)
      tpu.yield
    }) : () -> ()
    %eq3A_90 = arith.constant 0 : i32
    %eq3A_91 = arith.cmpi eq, %arg0, %eq3A_90 : i32
    %convert_element_type3A_92 = arith.extui %eq3A_91 : i1 to i32
    %cond3A_93 = arith.constant 0 : i32
    %cond3A_94 = arith.cmpi ne, %convert_element_type3A_92, %cond3A_93 : i32
    scf.if %cond3A_94 {
      "tpu.region"() ({
        %run_scoped3A = tpu.sem_alloc : memref<!tpu.dma_semaphore, #tpu.memory_space<semaphore_mem>>
        %dma_start3A_112 = arith.constant 0 : i32
        %dma_start3A_113 = tpu.memref_slice %arg6[%add3A_89, %dma_start3A_112] : memref<10240x128xf32, #tpu.memory_space<hbm>> -> memref<128x128xf32, #tpu.memory_space<hbm>>
        %dma_start3A_114 = arith.constant 0 : i32
        %dma_start3A_115 = tpu.memref_slice %arg6[%add3A_89, %dma_start3A_114] : memref<10240x128xf32, #tpu.memory_space<hbm>> -> memref<128x128xf32, #tpu.memory_space<hbm>>
        tpu.enqueue_dma source(%arg10 : memref<128x128xf32, #tpu.memory_space<vmem>>) target(%dma_start3A_115 : memref<128x128xf32, #tpu.memory_space<hbm>>) target_semaphore(%run_scoped3A : memref<!tpu.dma_semaphore, #tpu.memory_space<semaphore_mem>>)
        %dma_wait3A = arith.constant 0 : i32
        %dma_wait3A_116 = tpu.memref_slice %arg6[%add3A_89, %dma_wait3A] : memref<10240x128xf32, #tpu.memory_space<hbm>> -> memref<128x128xf32, #tpu.memory_space<hbm>>
        %dma_wait3A_117 = arith.constant 0 : i32
        %dma_wait3A_118 = tpu.memref_slice %arg6[%add3A_89, %dma_wait3A_117] : memref<10240x128xf32, #tpu.memory_space<hbm>> -> memref<128x128xf32, #tpu.memory_space<hbm>>
        tpu.wait_dma2 semaphore(%run_scoped3A : memref<!tpu.dma_semaphore, #tpu.memory_space<semaphore_mem>>) src(%arg10 : memref<128x128xf32, #tpu.memory_space<vmem>>) dst(%dma_wait3A_118 : memref<128x128xf32, #tpu.memory_space<hbm>>)
        tpu.yield
      }) : () -> ()
    } else {
    }
    %eq3A_95 = arith.constant 1 : i32
    %eq3A_96 = arith.cmpi eq, %arg0, %eq3A_95 : i32
    %convert_element_type3A_97 = arith.extui %eq3A_96 : i1 to i32
    %cond3A_98 = arith.constant 0 : i32
    %cond3A_99 = arith.cmpi ne, %convert_element_type3A_97, %cond3A_98 : i32
    scf.if %cond3A_99 {
      "tpu.region"() ({
        %run_scoped3A = tpu.sem_alloc : memref<!tpu.dma_semaphore, #tpu.memory_space<semaphore_mem>>
        %dma_start3A_112 = arith.constant 0 : i32
        %dma_start3A_113 = tpu.memref_slice %arg5[%add3A_89, %dma_start3A_112] : memref<10240x128xf32, #tpu.memory_space<hbm>> -> memref<128x128xf32, #tpu.memory_space<hbm>>
        %dma_start3A_114 = arith.constant 0 : i32
        %dma_start3A_115 = tpu.memref_slice %arg5[%add3A_89, %dma_start3A_114] : memref<10240x128xf32, #tpu.memory_space<hbm>> -> memref<128x128xf32, #tpu.memory_space<hbm>>
        tpu.enqueue_dma source(%arg10 : memref<128x128xf32, #tpu.memory_space<vmem>>) target(%dma_start3A_115 : memref<128x128xf32, #tpu.memory_space<hbm>>) target_semaphore(%run_scoped3A : memref<!tpu.dma_semaphore, #tpu.memory_space<semaphore_mem>>)
        %dma_wait3A = arith.constant 0 : i32
        %dma_wait3A_116 = tpu.memref_slice %arg5[%add3A_89, %dma_wait3A] : memref<10240x128xf32, #tpu.memory_space<hbm>> -> memref<128x128xf32, #tpu.memory_space<hbm>>
        %dma_wait3A_117 = arith.constant 0 : i32
        %dma_wait3A_118 = tpu.memref_slice %arg5[%add3A_89, %dma_wait3A_117] : memref<10240x128xf32, #tpu.memory_space<hbm>> -> memref<128x128xf32, #tpu.memory_space<hbm>>
        tpu.wait_dma2 semaphore(%run_scoped3A : memref<!tpu.dma_semaphore, #tpu.memory_space<semaphore_mem>>) src(%arg10 : memref<128x128xf32, #tpu.memory_space<vmem>>) dst(%dma_wait3A_118 : memref<128x128xf32, #tpu.memory_space<hbm>>)
        tpu.yield
      }) : () -> ()
    } else {
    }
    %add3A_100 = arith.constant 512 : i32
    %add3A_101 = arith.addi %mul3A_6, %add3A_100 : i32
    "tpu.region"() ({
      %run_scoped3A = tpu.sem_alloc : memref<!tpu.dma_semaphore, #tpu.memory_space<semaphore_mem>>
      %dma_start3A_112 = arith.constant 0 : i32
      %dma_start3A_113 = tpu.memref_slice %arg13[%add3A_101, %dma_start3A_112] : memref<10240x128xf32, #tpu.memory_space<vmem_shared>> -> memref<128x128xf32, #tpu.memory_space<vmem_shared>>
      %dma_start3A_114 = arith.constant 0 : i32
      %dma_start3A_115 = tpu.memref_slice %arg13[%add3A_101, %dma_start3A_114] : memref<10240x128xf32, #tpu.memory_space<vmem_shared>> -> memref<128x128xf32, #tpu.memory_space<vmem_shared>>
      tpu.enqueue_dma source(%dma_start3A_115 : memref<128x128xf32, #tpu.memory_space<vmem_shared>>) target(%arg9 : memref<128x128xf32, #tpu.memory_space<vmem>>) target_semaphore(%run_scoped3A : memref<!tpu.dma_semaphore, #tpu.memory_space<semaphore_mem>>)
      %dma_wait3A = arith.constant 0 : i32
      %dma_wait3A_116 = tpu.memref_slice %arg13[%add3A_101, %dma_wait3A] : memref<10240x128xf32, #tpu.memory_space<vmem_shared>> -> memref<128x128xf32, #tpu.memory_space<vmem_shared>>
      %dma_wait3A_117 = arith.constant 0 : i32
      %dma_wait3A_118 = tpu.memref_slice %arg13[%add3A_101, %dma_wait3A_117] : memref<10240x128xf32, #tpu.memory_space<vmem_shared>> -> memref<128x128xf32, #tpu.memory_space<vmem_shared>>
      tpu.wait_dma2 semaphore(%run_scoped3A : memref<!tpu.dma_semaphore, #tpu.memory_space<semaphore_mem>>) src(%dma_wait3A_118 : memref<128x128xf32, #tpu.memory_space<vmem_shared>>) dst(%arg9 : memref<128x128xf32, #tpu.memory_space<vmem>>)
      tpu.yield
    }) : () -> ()
    %eq3A_102 = arith.constant 0 : i32
    %eq3A_103 = arith.cmpi eq, %arg0, %eq3A_102 : i32
    %convert_element_type3A_104 = arith.extui %eq3A_103 : i1 to i32
    %cond3A_105 = arith.constant 0 : i32
    %cond3A_106 = arith.cmpi ne, %convert_element_type3A_104, %cond3A_105 : i32
    scf.if %cond3A_106 {
      "tpu.region"() ({
        %run_scoped3A = tpu.sem_alloc : memref<!tpu.dma_semaphore, #tpu.memory_space<semaphore_mem>>
        %dma_start3A_112 = arith.constant 0 : i32
        %dma_start3A_113 = tpu.memref_slice %arg6[%add3A_101, %dma_start3A_112] : memref<10240x128xf32, #tpu.memory_space<hbm>> -> memref<128x128xf32, #tpu.memory_space<hbm>>
        %dma_start3A_114 = arith.constant 0 : i32
        %dma_start3A_115 = tpu.memref_slice %arg6[%add3A_101, %dma_start3A_114] : memref<10240x128xf32, #tpu.memory_space<hbm>> -> memref<128x128xf32, #tpu.memory_space<hbm>>
        tpu.enqueue_dma source(%arg9 : memref<128x128xf32, #tpu.memory_space<vmem>>) target(%dma_start3A_115 : memref<128x128xf32, #tpu.memory_space<hbm>>) target_semaphore(%run_scoped3A : memref<!tpu.dma_semaphore, #tpu.memory_space<semaphore_mem>>)
        %dma_wait3A = arith.constant 0 : i32
        %dma_wait3A_116 = tpu.memref_slice %arg6[%add3A_101, %dma_wait3A] : memref<10240x128xf32, #tpu.memory_space<hbm>> -> memref<128x128xf32, #tpu.memory_space<hbm>>
        %dma_wait3A_117 = arith.constant 0 : i32
        %dma_wait3A_118 = tpu.memref_slice %arg6[%add3A_101, %dma_wait3A_117] : memref<10240x128xf32, #tpu.memory_space<hbm>> -> memref<128x128xf32, #tpu.memory_space<hbm>>
        tpu.wait_dma2 semaphore(%run_scoped3A : memref<!tpu.dma_semaphore, #tpu.memory_space<semaphore_mem>>) src(%arg9 : memref<128x128xf32, #tpu.memory_space<vmem>>) dst(%dma_wait3A_118 : memref<128x128xf32, #tpu.memory_space<hbm>>)
        tpu.yield
      }) : () -> ()
    } else {
    }
    %eq3A_107 = arith.constant 1 : i32
    %eq3A_108 = arith.cmpi eq, %arg0, %eq3A_107 : i32
    %convert_element_type3A_109 = arith.extui %eq3A_108 : i1 to i32
    %cond3A_110 = arith.constant 0 : i32
    %cond3A_111 = arith.cmpi ne, %convert_element_type3A_109, %cond3A_110 : i32
    scf.if %cond3A_111 {
      "tpu.region"() ({
        %run_scoped3A = tpu.sem_alloc : memref<!tpu.dma_semaphore, #tpu.memory_space<semaphore_mem>>
        %dma_start3A_112 = arith.constant 0 : i32
        %dma_start3A_113 = tpu.memref_slice %arg5[%add3A_101, %dma_start3A_112] : memref<10240x128xf32, #tpu.memory_space<hbm>> -> memref<128x128xf32, #tpu.memory_space<hbm>>
        %dma_start3A_114 = arith.constant 0 : i32
        %dma_start3A_115 = tpu.memref_slice %arg5[%add3A_101, %dma_start3A_114] : memref<10240x128xf32, #tpu.memory_space<hbm>> -> memref<128x128xf32, #tpu.memory_space<hbm>>
        tpu.enqueue_dma source(%arg9 : memref<128x128xf32, #tpu.memory_space<vmem>>) target(%dma_start3A_115 : memref<128x128xf32, #tpu.memory_space<hbm>>) target_semaphore(%run_scoped3A : memref<!tpu.dma_semaphore, #tpu.memory_space<semaphore_mem>>)
        %dma_wait3A = arith.constant 0 : i32
        %dma_wait3A_116 = tpu.memref_slice %arg5[%add3A_101, %dma_wait3A] : memref<10240x128xf32, #tpu.memory_space<hbm>> -> memref<128x128xf32, #tpu.memory_space<hbm>>
        %dma_wait3A_117 = arith.constant 0 : i32
        %dma_wait3A_118 = tpu.memref_slice %arg5[%add3A_101, %dma_wait3A_117] : memref<10240x128xf32, #tpu.memory_space<hbm>> -> memref<128x128xf32, #tpu.memory_space<hbm>>
        tpu.wait_dma2 semaphore(%run_scoped3A : memref<!tpu.dma_semaphore, #tpu.memory_space<semaphore_mem>>) src(%arg9 : memref<128x128xf32, #tpu.memory_space<vmem>>) dst(%dma_wait3A_118 : memref<128x128xf32, #tpu.memory_space<hbm>>)
        tpu.yield
      }) : () -> ()
    } else {
    }
    "tpu.trace_stop"() : () -> ()
    return
  }
}

#map = affine_map<(d0, d1) -> (0, 0)>
#map1 = affine_map<(d0, d1) -> (0, 0, 0)>
module attributes {stable_mosaic.version = 14 : i64} {
  func.func @_prop_body(%arg0: i32, %arg1: i32, %arg2: memref<10240x128xf32, #tpu.memory_space<hbm>>, %arg3: memref<32x80x128xi32, #tpu.memory_space<hbm>>, %arg4: memref<32x80x128xi32, #tpu.memory_space<hbm>>, %arg5: memref<10240x128xf32, #tpu.memory_space<hbm>>, %arg6: memref<10240x128xf32, #tpu.memory_space<hbm>>, %arg7: memref<40x128xi32, #tpu.memory_space<vmem>>, %arg8: memref<40x128xi32, #tpu.memory_space<vmem>>, %arg9: memref<128x128xf32, #tpu.memory_space<vmem>>, %arg10: memref<128x128xf32, #tpu.memory_space<vmem>>, %arg11: memref<!tpu.dma_semaphore, #tpu.memory_space<semaphore_mem>>, %arg12: memref<!tpu.dma_semaphore, #tpu.memory_space<semaphore_mem>>, %arg13: memref<10240x128xf32, #tpu.memory_space<vmem_shared>>) attributes {dimension_semantics = [#tpu.dimension_semantics<core_parallel>, #tpu.dimension_semantics<subcore_parallel>], iteration_bounds = array<i64: 2, 16>, scalar_prefetch = 0 : i64, scratch_operands = 7 : i64, tpu.core_type = #tpu.core_type<sc_vector_subcore>, window_params = [{transform_indices = #map}, {transform_indices = #map1}, {transform_indices = #map1}, {transform_indices = #map}, {transform_indices = #map}]} {
    %mul3A = arith.constant 16 : i32
    %mul3A_0 = arith.muli %arg0, %mul3A : i32
    %add3A = arith.addi %mul3A_0, %arg1 : i32
    %scan3A = arith.constant 0 : i32
    %scan3A_1 = arith.constant 128 : i32
    %scan3A_2 = arith.addi %scan3A, %scan3A_1 : i32
    %scan3A_3 = arith.constant 1 : i32
    scf.for %scan3A_112 = %scan3A to %scan3A_2 step %scan3A_3  : i32 {
      %mul3A_113 = arith.constant 1 : i32
      %mul3A_114 = arith.muli %scan3A_112, %mul3A_113 : i32
      %add3A_115 = arith.constant 0 : i32
      %add3A_116 = arith.addi %add3A_115, %mul3A_114 : i32
      %broadcast_in_dim3A = arith.constant 0.000000e+00 : f32
      %broadcast_in_dim3A_117 = vector.broadcast %broadcast_in_dim3A : f32 to vector<16xf32>
      %swap3A = arith.index_cast %add3A_116 : i32 to index
      %swap3A_118 = arith.constant 0 : index
      %swap3A_119 = tpu.vector_load %arg9[%swap3A, %swap3A_118] {strides = array<i32>} : memref<128x128xf32, #tpu.memory_space<vmem>>, vector<1x16xf32>,
      %swap3A_120 = vector.shape_cast %swap3A_119 : vector<1x16xf32> to vector<16xf32>
      %swap3A_121 = vector.shape_cast %broadcast_in_dim3A_117 : vector<16xf32> to vector<1x16xf32>
      tpu.vector_store %arg9[%swap3A, %swap3A_118], %swap3A_121 {strides = array<i32>} : memref<128x128xf32, #tpu.memory_space<vmem>>, vector<1x16xf32>,
      %broadcast_in_dim3A_122 = arith.constant 0.000000e+00 : f32
      %broadcast_in_dim3A_123 = vector.broadcast %broadcast_in_dim3A_122 : f32 to vector<16xf32>
      %swap3A_124 = arith.index_cast %add3A_116 : i32 to index
      %swap3A_125 = arith.constant 16 : index
      %swap3A_126 = tpu.vector_load %arg9[%swap3A_124, %swap3A_125] {strides = array<i32>} : memref<128x128xf32, #tpu.memory_space<vmem>>, vector<1x16xf32>,
      %swap3A_127 = vector.shape_cast %swap3A_126 : vector<1x16xf32> to vector<16xf32>
      %swap3A_128 = vector.shape_cast %broadcast_in_dim3A_123 : vector<16xf32> to vector<1x16xf32>
      tpu.vector_store %arg9[%swap3A_124, %swap3A_125], %swap3A_128 {strides = array<i32>} : memref<128x128xf32, #tpu.memory_space<vmem>>, vector<1x16xf32>,
      %broadcast_in_dim3A_129 = arith.constant 0.000000e+00 : f32
      %broadcast_in_dim3A_130 = vector.broadcast %broadcast_in_dim3A_129 : f32 to vector<16xf32>
      %swap3A_131 = arith.index_cast %add3A_116 : i32 to index
      %swap3A_132 = arith.constant 32 : index
      %swap3A_133 = tpu.vector_load %arg9[%swap3A_131, %swap3A_132] {strides = array<i32>} : memref<128x128xf32, #tpu.memory_space<vmem>>, vector<1x16xf32>,
      %swap3A_134 = vector.shape_cast %swap3A_133 : vector<1x16xf32> to vector<16xf32>
      %swap3A_135 = vector.shape_cast %broadcast_in_dim3A_130 : vector<16xf32> to vector<1x16xf32>
      tpu.vector_store %arg9[%swap3A_131, %swap3A_132], %swap3A_135 {strides = array<i32>} : memref<128x128xf32, #tpu.memory_space<vmem>>, vector<1x16xf32>,
      %broadcast_in_dim3A_136 = arith.constant 0.000000e+00 : f32
      %broadcast_in_dim3A_137 = vector.broadcast %broadcast_in_dim3A_136 : f32 to vector<16xf32>
      %swap3A_138 = arith.index_cast %add3A_116 : i32 to index
      %swap3A_139 = arith.constant 48 : index
      %swap3A_140 = tpu.vector_load %arg9[%swap3A_138, %swap3A_139] {strides = array<i32>} : memref<128x128xf32, #tpu.memory_space<vmem>>, vector<1x16xf32>,
      %swap3A_141 = vector.shape_cast %swap3A_140 : vector<1x16xf32> to vector<16xf32>
      %swap3A_142 = vector.shape_cast %broadcast_in_dim3A_137 : vector<16xf32> to vector<1x16xf32>
      tpu.vector_store %arg9[%swap3A_138, %swap3A_139], %swap3A_142 {strides = array<i32>} : memref<128x128xf32, #tpu.memory_space<vmem>>, vector<1x16xf32>,
      %broadcast_in_dim3A_143 = arith.constant 0.000000e+00 : f32
      %broadcast_in_dim3A_144 = vector.broadcast %broadcast_in_dim3A_143 : f32 to vector<16xf32>
      %swap3A_145 = arith.index_cast %add3A_116 : i32 to index
      %swap3A_146 = arith.constant 64 : index
      %swap3A_147 = tpu.vector_load %arg9[%swap3A_145, %swap3A_146] {strides = array<i32>} : memref<128x128xf32, #tpu.memory_space<vmem>>, vector<1x16xf32>,
      %swap3A_148 = vector.shape_cast %swap3A_147 : vector<1x16xf32> to vector<16xf32>
      %swap3A_149 = vector.shape_cast %broadcast_in_dim3A_144 : vector<16xf32> to vector<1x16xf32>
      tpu.vector_store %arg9[%swap3A_145, %swap3A_146], %swap3A_149 {strides = array<i32>} : memref<128x128xf32, #tpu.memory_space<vmem>>, vector<1x16xf32>,
      %broadcast_in_dim3A_150 = arith.constant 0.000000e+00 : f32
      %broadcast_in_dim3A_151 = vector.broadcast %broadcast_in_dim3A_150 : f32 to vector<16xf32>
      %swap3A_152 = arith.index_cast %add3A_116 : i32 to index
      %swap3A_153 = arith.constant 80 : index
      %swap3A_154 = tpu.vector_load %arg9[%swap3A_152, %swap3A_153] {strides = array<i32>} : memref<128x128xf32, #tpu.memory_space<vmem>>, vector<1x16xf32>,
      %swap3A_155 = vector.shape_cast %swap3A_154 : vector<1x16xf32> to vector<16xf32>
      %swap3A_156 = vector.shape_cast %broadcast_in_dim3A_151 : vector<16xf32> to vector<1x16xf32>
      tpu.vector_store %arg9[%swap3A_152, %swap3A_153], %swap3A_156 {strides = array<i32>} : memref<128x128xf32, #tpu.memory_space<vmem>>, vector<1x16xf32>,
      %broadcast_in_dim3A_157 = arith.constant 0.000000e+00 : f32
      %broadcast_in_dim3A_158 = vector.broadcast %broadcast_in_dim3A_157 : f32 to vector<16xf32>
      %swap3A_159 = arith.index_cast %add3A_116 : i32 to index
      %swap3A_160 = arith.constant 96 : index
      %swap3A_161 = tpu.vector_load %arg9[%swap3A_159, %swap3A_160] {strides = array<i32>} : memref<128x128xf32, #tpu.memory_space<vmem>>, vector<1x16xf32>,
      %swap3A_162 = vector.shape_cast %swap3A_161 : vector<1x16xf32> to vector<16xf32>
      %swap3A_163 = vector.shape_cast %broadcast_in_dim3A_158 : vector<16xf32> to vector<1x16xf32>
      tpu.vector_store %arg9[%swap3A_159, %swap3A_160], %swap3A_163 {strides = array<i32>} : memref<128x128xf32, #tpu.memory_space<vmem>>, vector<1x16xf32>,
      %broadcast_in_dim3A_164 = arith.constant 0.000000e+00 : f32
      %broadcast_in_dim3A_165 = vector.broadcast %broadcast_in_dim3A_164 : f32 to vector<16xf32>
      %swap3A_166 = arith.index_cast %add3A_116 : i32 to index
      %swap3A_167 = arith.constant 112 : index
      %swap3A_168 = tpu.vector_load %arg9[%swap3A_166, %swap3A_167] {strides = array<i32>} : memref<128x128xf32, #tpu.memory_space<vmem>>, vector<1x16xf32>,
      %swap3A_169 = vector.shape_cast %swap3A_168 : vector<1x16xf32> to vector<16xf32>
      %swap3A_170 = vector.shape_cast %broadcast_in_dim3A_165 : vector<16xf32> to vector<1x16xf32>
      tpu.vector_store %arg9[%swap3A_166, %swap3A_167], %swap3A_170 {strides = array<i32>} : memref<128x128xf32, #tpu.memory_space<vmem>>, vector<1x16xf32>,
    }
    %scan3A_4 = arith.constant 128 : i32
    %mul3A_5 = arith.constant 640 : i32
    %mul3A_6 = arith.muli %arg1, %mul3A_5 : i32
    "tpu.trace_start"() <{level = 10 : i32, message = "acc_init"}> : () -> ()
    %add3A_7 = arith.constant 0 : i32
    %add3A_8 = arith.addi %mul3A_6, %add3A_7 : i32
    "tpu.region"() ({
      %run_scoped3A = tpu.sem_alloc : memref<!tpu.dma_semaphore, #tpu.memory_space<semaphore_mem>>
      %dma_start3A_112 = arith.constant 0 : i32
      %dma_start3A_113 = tpu.memref_slice %arg13[%add3A_8, %dma_start3A_112] : memref<10240x128xf32, #tpu.memory_space<vmem_shared>> -> memref<128x128xf32, #tpu.memory_space<vmem_shared>>
      %dma_start3A_114 = arith.constant 0 : i32
      %dma_start3A_115 = tpu.memref_slice %arg13[%add3A_8, %dma_start3A_114] : memref<10240x128xf32, #tpu.memory_space<vmem_shared>> -> memref<128x128xf32, #tpu.memory_space<vmem_shared>>
      tpu.enqueue_dma source(%arg9 : memref<128x128xf32, #tpu.memory_space<vmem>>) target(%dma_start3A_115 : memref<128x128xf32, #tpu.memory_space<vmem_shared>>) target_semaphore(%run_scoped3A : memref<!tpu.dma_semaphore, #tpu.memory_space<semaphore_mem>>)
      %dma_wait3A = arith.constant 0 : i32
      %dma_wait3A_116 = tpu.memref_slice %arg13[%add3A_8, %dma_wait3A] : memref<10240x128xf32, #tpu.memory_space<vmem_shared>> -> memref<128x128xf32, #tpu.memory_space<vmem_shared>>
      %dma_wait3A_117 = arith.constant 0 : i32
      %dma_wait3A_118 = tpu.memref_slice %arg13[%add3A_8, %dma_wait3A_117] : memref<10240x128xf32, #tpu.memory_space<vmem_shared>> -> memref<128x128xf32, #tpu.memory_space<vmem_shared>>
      tpu.wait_dma2 semaphore(%run_scoped3A : memref<!tpu.dma_semaphore, #tpu.memory_space<semaphore_mem>>) src(%arg9 : memref<128x128xf32, #tpu.memory_space<vmem>>) dst(%dma_wait3A_118 : memref<128x128xf32, #tpu.memory_space<vmem_shared>>)
      tpu.yield
    }) : () -> ()
    %add3A_9 = arith.constant 128 : i32
    %add3A_10 = arith.addi %mul3A_6, %add3A_9 : i32
    "tpu.region"() ({
      %run_scoped3A = tpu.sem_alloc : memref<!tpu.dma_semaphore, #tpu.memory_space<semaphore_mem>>
      %dma_start3A_112 = arith.constant 0 : i32
      %dma_start3A_113 = tpu.memref_slice %arg13[%add3A_10, %dma_start3A_112] : memref<10240x128xf32, #tpu.memory_space<vmem_shared>> -> memref<128x128xf32, #tpu.memory_space<vmem_shared>>
      %dma_start3A_114 = arith.constant 0 : i32
      %dma_start3A_115 = tpu.memref_slice %arg13[%add3A_10, %dma_start3A_114] : memref<10240x128xf32, #tpu.memory_space<vmem_shared>> -> memref<128x128xf32, #tpu.memory_space<vmem_shared>>
      tpu.enqueue_dma source(%arg9 : memref<128x128xf32, #tpu.memory_space<vmem>>) target(%dma_start3A_115 : memref<128x128xf32, #tpu.memory_space<vmem_shared>>) target_semaphore(%run_scoped3A : memref<!tpu.dma_semaphore, #tpu.memory_space<semaphore_mem>>)
      %dma_wait3A = arith.constant 0 : i32
      %dma_wait3A_116 = tpu.memref_slice %arg13[%add3A_10, %dma_wait3A] : memref<10240x128xf32, #tpu.memory_space<vmem_shared>> -> memref<128x128xf32, #tpu.memory_space<vmem_shared>>
      %dma_wait3A_117 = arith.constant 0 : i32
      %dma_wait3A_118 = tpu.memref_slice %arg13[%add3A_10, %dma_wait3A_117] : memref<10240x128xf32, #tpu.memory_space<vmem_shared>> -> memref<128x128xf32, #tpu.memory_space<vmem_shared>>
      tpu.wait_dma2 semaphore(%run_scoped3A : memref<!tpu.dma_semaphore, #tpu.memory_space<semaphore_mem>>) src(%arg9 : memref<128x128xf32, #tpu.memory_space<vmem>>) dst(%dma_wait3A_118 : memref<128x128xf32, #tpu.memory_space<vmem_shared>>)
      tpu.yield
    }) : () -> ()
    %add3A_11 = arith.constant 256 : i32
    %add3A_12 = arith.addi %mul3A_6, %add3A_11 : i32
    "tpu.region"() ({
      %run_scoped3A = tpu.sem_alloc : memref<!tpu.dma_semaphore, #tpu.memory_space<semaphore_mem>>
      %dma_start3A_112 = arith.constant 0 : i32
      %dma_start3A_113 = tpu.memref_slice %arg13[%add3A_12, %dma_start3A_112] : memref<10240x128xf32, #tpu.memory_space<vmem_shared>> -> memref<128x128xf32, #tpu.memory_space<vmem_shared>>
      %dma_start3A_114 = arith.constant 0 : i32
      %dma_start3A_115 = tpu.memref_slice %arg13[%add3A_12, %dma_start3A_114] : memref<10240x128xf32, #tpu.memory_space<vmem_shared>> -> memref<128x128xf32, #tpu.memory_space<vmem_shared>>
      tpu.enqueue_dma source(%arg9 : memref<128x128xf32, #tpu.memory_space<vmem>>) target(%dma_start3A_115 : memref<128x128xf32, #tpu.memory_space<vmem_shared>>) target_semaphore(%run_scoped3A : memref<!tpu.dma_semaphore, #tpu.memory_space<semaphore_mem>>)
      %dma_wait3A = arith.constant 0 : i32
      %dma_wait3A_116 = tpu.memref_slice %arg13[%add3A_12, %dma_wait3A] : memref<10240x128xf32, #tpu.memory_space<vmem_shared>> -> memref<128x128xf32, #tpu.memory_space<vmem_shared>>
      %dma_wait3A_117 = arith.constant 0 : i32
      %dma_wait3A_118 = tpu.memref_slice %arg13[%add3A_12, %dma_wait3A_117] : memref<10240x128xf32, #tpu.memory_space<vmem_shared>> -> memref<128x128xf32, #tpu.memory_space<vmem_shared>>
      tpu.wait_dma2 semaphore(%run_scoped3A : memref<!tpu.dma_semaphore, #tpu.memory_space<semaphore_mem>>) src(%arg9 : memref<128x128xf32, #tpu.memory_space<vmem>>) dst(%dma_wait3A_118 : memref<128x128xf32, #tpu.memory_space<vmem_shared>>)
      tpu.yield
    }) : () -> ()
    %add3A_13 = arith.constant 384 : i32
    %add3A_14 = arith.addi %mul3A_6, %add3A_13 : i32
    "tpu.region"() ({
      %run_scoped3A = tpu.sem_alloc : memref<!tpu.dma_semaphore, #tpu.memory_space<semaphore_mem>>
      %dma_start3A_112 = arith.constant 0 : i32
      %dma_start3A_113 = tpu.memref_slice %arg13[%add3A_14, %dma_start3A_112] : memref<10240x128xf32, #tpu.memory_space<vmem_shared>> -> memref<128x128xf32, #tpu.memory_space<vmem_shared>>
      %dma_start3A_114 = arith.constant 0 : i32
      %dma_start3A_115 = tpu.memref_slice %arg13[%add3A_14, %dma_start3A_114] : memref<10240x128xf32, #tpu.memory_space<vmem_shared>> -> memref<128x128xf32, #tpu.memory_space<vmem_shared>>
      tpu.enqueue_dma source(%arg9 : memref<128x128xf32, #tpu.memory_space<vmem>>) target(%dma_start3A_115 : memref<128x128xf32, #tpu.memory_space<vmem_shared>>) target_semaphore(%run_scoped3A : memref<!tpu.dma_semaphore, #tpu.memory_space<semaphore_mem>>)
      %dma_wait3A = arith.constant 0 : i32
      %dma_wait3A_116 = tpu.memref_slice %arg13[%add3A_14, %dma_wait3A] : memref<10240x128xf32, #tpu.memory_space<vmem_shared>> -> memref<128x128xf32, #tpu.memory_space<vmem_shared>>
      %dma_wait3A_117 = arith.constant 0 : i32
      %dma_wait3A_118 = tpu.memref_slice %arg13[%add3A_14, %dma_wait3A_117] : memref<10240x128xf32, #tpu.memory_space<vmem_shared>> -> memref<128x128xf32, #tpu.memory_space<vmem_shared>>
      tpu.wait_dma2 semaphore(%run_scoped3A : memref<!tpu.dma_semaphore, #tpu.memory_space<semaphore_mem>>) src(%arg9 : memref<128x128xf32, #tpu.memory_space<vmem>>) dst(%dma_wait3A_118 : memref<128x128xf32, #tpu.memory_space<vmem_shared>>)
      tpu.yield
    }) : () -> ()
    %add3A_15 = arith.constant 512 : i32
    %add3A_16 = arith.addi %mul3A_6, %add3A_15 : i32
    "tpu.region"() ({
      %run_scoped3A = tpu.sem_alloc : memref<!tpu.dma_semaphore, #tpu.memory_space<semaphore_mem>>
      %dma_start3A_112 = arith.constant 0 : i32
      %dma_start3A_113 = tpu.memref_slice %arg13[%add3A_16, %dma_start3A_112] : memref<10240x128xf32, #tpu.memory_space<vmem_shared>> -> memref<128x128xf32, #tpu.memory_space<vmem_shared>>
      %dma_start3A_114 = arith.constant 0 : i32
      %dma_start3A_115 = tpu.memref_slice %arg13[%add3A_16, %dma_start3A_114] : memref<10240x128xf32, #tpu.memory_space<vmem_shared>> -> memref<128x128xf32, #tpu.memory_space<vmem_shared>>
      tpu.enqueue_dma source(%arg9 : memref<128x128xf32, #tpu.memory_space<vmem>>) target(%dma_start3A_115 : memref<128x128xf32, #tpu.memory_space<vmem_shared>>) target_semaphore(%run_scoped3A : memref<!tpu.dma_semaphore, #tpu.memory_space<semaphore_mem>>)
      %dma_wait3A = arith.constant 0 : i32
      %dma_wait3A_116 = tpu.memref_slice %arg13[%add3A_16, %dma_wait3A] : memref<10240x128xf32, #tpu.memory_space<vmem_shared>> -> memref<128x128xf32, #tpu.memory_space<vmem_shared>>
      %dma_wait3A_117 = arith.constant 0 : i32
      %dma_wait3A_118 = tpu.memref_slice %arg13[%add3A_16, %dma_wait3A_117] : memref<10240x128xf32, #tpu.memory_space<vmem_shared>> -> memref<128x128xf32, #tpu.memory_space<vmem_shared>>
      tpu.wait_dma2 semaphore(%run_scoped3A : memref<!tpu.dma_semaphore, #tpu.memory_space<semaphore_mem>>) src(%arg9 : memref<128x128xf32, #tpu.memory_space<vmem>>) dst(%dma_wait3A_118 : memref<128x128xf32, #tpu.memory_space<vmem_shared>>)
      tpu.yield
    }) : () -> ()
    %barrier3A = arith.constant 0 : index
    tpu.barrier barrier_id(%barrier3A)
    "tpu.trace_stop"() : () -> ()
    "tpu.trace_start"() <{level = 10 : i32, message = "idx_load0"}> : () -> ()
    "tpu.region"() ({
      %run_scoped3A = tpu.sem_alloc : memref<!tpu.dma_semaphore, #tpu.memory_space<semaphore_mem>>
      %dma_start3A_112 = arith.constant 0 : i32
      %dma_start3A_113 = arith.constant 0 : i32
      %dma_start3A_114 = tpu.memref_slice %arg3[%add3A, %dma_start3A_112, %dma_start3A_113] : memref<32x80x128xi32, #tpu.memory_space<hbm>> -> memref<1x40x128xi32, #tpu.memory_space<hbm>>
      %dma_start3A_115 = tpu.memref_squeeze %dma_start3A_114 : memref<1x40x128xi32, #tpu.memory_space<hbm>> -> memref<40x128xi32, #tpu.memory_space<hbm>>
      %dma_start3A_116 = arith.constant 0 : i32
      %dma_start3A_117 = arith.constant 0 : i32
      %dma_start3A_118 = tpu.memref_slice %arg3[%add3A, %dma_start3A_116, %dma_start3A_117] : memref<32x80x128xi32, #tpu.memory_space<hbm>> -> memref<1x40x128xi32, #tpu.memory_space<hbm>>
      %dma_start3A_119 = tpu.memref_squeeze %dma_start3A_118 : memref<1x40x128xi32, #tpu.memory_space<hbm>> -> memref<40x128xi32, #tpu.memory_space<hbm>>
      tpu.enqueue_dma source(%dma_start3A_119 : memref<40x128xi32, #tpu.memory_space<hbm>>) target(%arg7 : memref<40x128xi32, #tpu.memory_space<vmem>>) target_semaphore(%run_scoped3A : memref<!tpu.dma_semaphore, #tpu.memory_space<semaphore_mem>>)
      %dma_wait3A = arith.constant 0 : i32
      %dma_wait3A_120 = arith.constant 0 : i32
      %dma_wait3A_121 = tpu.memref_slice %arg3[%add3A, %dma_wait3A, %dma_wait3A_120] : memref<32x80x128xi32, #tpu.memory_space<hbm>> -> memref<1x40x128xi32, #tpu.memory_space<hbm>>
      %dma_wait3A_122 = tpu.memref_squeeze %dma_wait3A_121 : memref<1x40x128xi32, #tpu.memory_space<hbm>> -> memref<40x128xi32, #tpu.memory_space<hbm>>
      %dma_wait3A_123 = arith.constant 0 : i32
      %dma_wait3A_124 = arith.constant 0 : i32
      %dma_wait3A_125 = tpu.memref_slice %arg3[%add3A, %dma_wait3A_123, %dma_wait3A_124] : memref<32x80x128xi32, #tpu.memory_space<hbm>> -> memref<1x40x128xi32, #tpu.memory_space<hbm>>
      %dma_wait3A_126 = tpu.memref_squeeze %dma_wait3A_125 : memref<1x40x128xi32, #tpu.memory_space<hbm>> -> memref<40x128xi32, #tpu.memory_space<hbm>>
      tpu.wait_dma2 semaphore(%run_scoped3A : memref<!tpu.dma_semaphore, #tpu.memory_space<semaphore_mem>>) src(%dma_wait3A_126 : memref<40x128xi32, #tpu.memory_space<hbm>>) dst(%arg7 : memref<40x128xi32, #tpu.memory_space<vmem>>)
      tpu.yield
    }) : () -> ()
    "tpu.region"() ({
      %run_scoped3A = tpu.sem_alloc : memref<!tpu.dma_semaphore, #tpu.memory_space<semaphore_mem>>
      %dma_start3A_112 = arith.constant 0 : i32
      %dma_start3A_113 = arith.constant 0 : i32
      %dma_start3A_114 = tpu.memref_slice %arg4[%add3A, %dma_start3A_112, %dma_start3A_113] : memref<32x80x128xi32, #tpu.memory_space<hbm>> -> memref<1x40x128xi32, #tpu.memory_space<hbm>>
      %dma_start3A_115 = tpu.memref_squeeze %dma_start3A_114 : memref<1x40x128xi32, #tpu.memory_space<hbm>> -> memref<40x128xi32, #tpu.memory_space<hbm>>
      %dma_start3A_116 = arith.constant 0 : i32
      %dma_start3A_117 = arith.constant 0 : i32
      %dma_start3A_118 = tpu.memref_slice %arg4[%add3A, %dma_start3A_116, %dma_start3A_117] : memref<32x80x128xi32, #tpu.memory_space<hbm>> -> memref<1x40x128xi32, #tpu.memory_space<hbm>>
      %dma_start3A_119 = tpu.memref_squeeze %dma_start3A_118 : memref<1x40x128xi32, #tpu.memory_space<hbm>> -> memref<40x128xi32, #tpu.memory_space<hbm>>
      tpu.enqueue_dma source(%dma_start3A_119 : memref<40x128xi32, #tpu.memory_space<hbm>>) target(%arg8 : memref<40x128xi32, #tpu.memory_space<vmem>>) target_semaphore(%run_scoped3A : memref<!tpu.dma_semaphore, #tpu.memory_space<semaphore_mem>>)
      %dma_wait3A = arith.constant 0 : i32
      %dma_wait3A_120 = arith.constant 0 : i32
      %dma_wait3A_121 = tpu.memref_slice %arg4[%add3A, %dma_wait3A, %dma_wait3A_120] : memref<32x80x128xi32, #tpu.memory_space<hbm>> -> memref<1x40x128xi32, #tpu.memory_space<hbm>>
      %dma_wait3A_122 = tpu.memref_squeeze %dma_wait3A_121 : memref<1x40x128xi32, #tpu.memory_space<hbm>> -> memref<40x128xi32, #tpu.memory_space<hbm>>
      %dma_wait3A_123 = arith.constant 0 : i32
      %dma_wait3A_124 = arith.constant 0 : i32
      %dma_wait3A_125 = tpu.memref_slice %arg4[%add3A, %dma_wait3A_123, %dma_wait3A_124] : memref<32x80x128xi32, #tpu.memory_space<hbm>> -> memref<1x40x128xi32, #tpu.memory_space<hbm>>
      %dma_wait3A_126 = tpu.memref_squeeze %dma_wait3A_125 : memref<1x40x128xi32, #tpu.memory_space<hbm>> -> memref<40x128xi32, #tpu.memory_space<hbm>>
      tpu.wait_dma2 semaphore(%run_scoped3A : memref<!tpu.dma_semaphore, #tpu.memory_space<semaphore_mem>>) src(%dma_wait3A_126 : memref<40x128xi32, #tpu.memory_space<hbm>>) dst(%arg8 : memref<40x128xi32, #tpu.memory_space<vmem>>)
      tpu.yield
    }) : () -> ()
    %dma_start3A = arith.constant 0 : i32
    "tpu.trace_stop"() : () -> ()
    "tpu.trace_start"() <{level = 10 : i32, message = "edge_loop0"}> : () -> ()
    %dma_start3A_17 = arith.constant 0 : i32
    %dma_start3A_18 = tpu.memref_slice %arg7[%dma_start3A, %dma_start3A_17] : memref<40x128xi32, #tpu.memory_space<vmem>> -> memref<1x128xi32, #tpu.memory_space<vmem>>
    %dma_start3A_19 = tpu.memref_squeeze %dma_start3A_18 : memref<1x128xi32, #tpu.memory_space<vmem>> -> memref<128xi32, #tpu.memory_space<vmem>>
    %dma_start3A_20 = arith.constant 0 : i32
    %dma_start3A_21 = arith.constant 0 : i32
    %dma_start3A_22 = tpu.memref_slice %arg2[%dma_start3A_20, %dma_start3A_21] : memref<10240x128xf32, #tpu.memory_space<hbm>> -> memref<10240x128xf32, #tpu.memory_space<hbm>>
    tpu.enqueue_indirect_dma source(%dma_start3A_22 : memref<10240x128xf32, #tpu.memory_space<hbm>>) target(%arg9 : memref<128x128xf32, #tpu.memory_space<vmem>>) offsets(%dma_start3A_19 : memref<128xi32, #tpu.memory_space<vmem>>) semaphore(%arg11 : memref<!tpu.dma_semaphore, #tpu.memory_space<semaphore_mem>>)
    %dma_start3A_23 = arith.constant 1 : i32
    %dma_start3A_24 = arith.constant 0 : i32
    %dma_start3A_25 = tpu.memref_slice %arg7[%dma_start3A_23, %dma_start3A_24] : memref<40x128xi32, #tpu.memory_space<vmem>> -> memref<1x128xi32, #tpu.memory_space<vmem>>
    %dma_start3A_26 = tpu.memref_squeeze %dma_start3A_25 : memref<1x128xi32, #tpu.memory_space<vmem>> -> memref<128xi32, #tpu.memory_space<vmem>>
    %dma_start3A_27 = arith.constant 0 : i32
    %dma_start3A_28 = arith.constant 0 : i32
    %dma_start3A_29 = tpu.memref_slice %arg2[%dma_start3A_27, %dma_start3A_28] : memref<10240x128xf32, #tpu.memory_space<hbm>> -> memref<10240x128xf32, #tpu.memory_space<hbm>>
    tpu.enqueue_indirect_dma source(%dma_start3A_29 : memref<10240x128xf32, #tpu.memory_space<hbm>>) target(%arg10 : memref<128x128xf32, #tpu.memory_space<vmem>>) offsets(%dma_start3A_26 : memref<128xi32, #tpu.memory_space<vmem>>) semaphore(%arg12 : memref<!tpu.dma_semaphore, #tpu.memory_space<semaphore_mem>>)
    %scan3A_30 = arith.constant 0 : i32
    %scan3A_31 = arith.constant 20 : i32
    %scan3A_32 = arith.addi %scan3A_30, %scan3A_31 : i32
    %scan3A_33 = arith.constant 1 : i32
    scf.for %scan3A_112 = %scan3A_30 to %scan3A_32 step %scan3A_33  : i32 {
      %mul3A_113 = arith.constant 1 : i32
      %mul3A_114 = arith.muli %scan3A_112, %mul3A_113 : i32
      %add3A_115 = arith.constant 0 : i32
      %add3A_116 = arith.addi %add3A_115, %mul3A_114 : i32
      %mul3A_117 = arith.constant 2 : i32
      %mul3A_118 = arith.muli %mul3A_117, %add3A_116 : i32
      %add3A_119 = arith.constant 1 : i32
      %add3A_120 = arith.addi %mul3A_118, %add3A_119 : i32
      %dma_wait3A = arith.constant 0 : i32
      %dma_wait3A_121 = tpu.memref_slice %arg7[%mul3A_118, %dma_wait3A] : memref<40x128xi32, #tpu.memory_space<vmem>> -> memref<1x128xi32, #tpu.memory_space<vmem>>
      %dma_wait3A_122 = tpu.memref_squeeze %dma_wait3A_121 : memref<1x128xi32, #tpu.memory_space<vmem>> -> memref<128xi32, #tpu.memory_space<vmem>>
      %dma_wait3A_123 = arith.constant 0 : i32
      %dma_wait3A_124 = arith.constant 0 : i32
      %dma_wait3A_125 = tpu.memref_slice %arg2[%dma_wait3A_123, %dma_wait3A_124] : memref<10240x128xf32, #tpu.memory_space<hbm>> -> memref<10240x128xf32, #tpu.memory_space<hbm>>
      tpu.wait_indirect_dma semaphore(%arg11 : memref<!tpu.dma_semaphore, #tpu.memory_space<semaphore_mem>>) src(%dma_wait3A_125 : memref<10240x128xf32, #tpu.memory_space<hbm>>) dst(%arg9 : memref<128x128xf32, #tpu.memory_space<vmem>>)
      "tpu.region"() ({
        %run_scoped3A = tpu.sem_alloc : memref<!tpu.dma_semaphore, #tpu.memory_space<semaphore_mem>>
        %dma_start3A_141 = arith.constant 0 : i32
        %dma_start3A_142 = tpu.memref_slice %arg8[%mul3A_118, %dma_start3A_141] : memref<40x128xi32, #tpu.memory_space<vmem>> -> memref<1x128xi32, #tpu.memory_space<vmem>>
        %dma_start3A_143 = tpu.memref_squeeze %dma_start3A_142 : memref<1x128xi32, #tpu.memory_space<vmem>> -> memref<128xi32, #tpu.memory_space<vmem>>
        %dma_start3A_144 = arith.constant 0 : i32
        %dma_start3A_145 = arith.constant 0 : i32
        %dma_start3A_146 = tpu.memref_slice %arg13[%dma_start3A_144, %dma_start3A_145] : memref<10240x128xf32, #tpu.memory_space<vmem_shared>> -> memref<10240x128xf32, #tpu.memory_space<vmem_shared>>
        tpu.enqueue_indirect_dma source(%arg9 : memref<128x128xf32, #tpu.memory_space<vmem>>) target(%dma_start3A_146 : memref<10240x128xf32, #tpu.memory_space<vmem_shared>>) offsets(%dma_start3A_143 : memref<128xi32, #tpu.memory_space<vmem>>) semaphore(%run_scoped3A : memref<!tpu.dma_semaphore, #tpu.memory_space<semaphore_mem>>) {add = true}
        %dma_wait3A_147 = arith.constant 0 : i32
        %dma_wait3A_148 = tpu.memref_slice %arg8[%mul3A_118, %dma_wait3A_147] : memref<40x128xi32, #tpu.memory_space<vmem>> -> memref<1x128xi32, #tpu.memory_space<vmem>>
        %dma_wait3A_149 = tpu.memref_squeeze %dma_wait3A_148 : memref<1x128xi32, #tpu.memory_space<vmem>> -> memref<128xi32, #tpu.memory_space<vmem>>
        %dma_wait3A_150 = arith.constant 0 : i32
        %dma_wait3A_151 = arith.constant 0 : i32
        %dma_wait3A_152 = tpu.memref_slice %arg13[%dma_wait3A_150, %dma_wait3A_151] : memref<10240x128xf32, #tpu.memory_space<vmem_shared>> -> memref<10240x128xf32, #tpu.memory_space<vmem_shared>>
        tpu.wait_indirect_dma semaphore(%run_scoped3A : memref<!tpu.dma_semaphore, #tpu.memory_space<semaphore_mem>>) src(%arg9 : memref<128x128xf32, #tpu.memory_space<vmem>>) dst(%dma_wait3A_152 : memref<10240x128xf32, #tpu.memory_space<vmem_shared>>)
        tpu.yield
      }) : () -> ()
      %lt3A = arith.constant 19 : i32
      %lt3A_126 = arith.cmpi slt, %add3A_116, %lt3A : i32
      %convert_element_type3A_127 = arith.extui %lt3A_126 : i1 to i32
      %cond3A_128 = arith.constant 0 : i32
      %cond3A_129 = arith.cmpi ne, %convert_element_type3A_127, %cond3A_128 : i32
      scf.if %cond3A_129 {
        %add3A_141 = arith.constant 2 : i32
        %add3A_142 = arith.addi %mul3A_118, %add3A_141 : i32
        %dma_start3A_143 = arith.constant 0 : i32
        %dma_start3A_144 = tpu.memref_slice %arg7[%add3A_142, %dma_start3A_143] : memref<40x128xi32, #tpu.memory_space<vmem>> -> memref<1x128xi32, #tpu.memory_space<vmem>>
        %dma_start3A_145 = tpu.memref_squeeze %dma_start3A_144 : memref<1x128xi32, #tpu.memory_space<vmem>> -> memref<128xi32, #tpu.memory_space<vmem>>
        %dma_start3A_146 = arith.constant 0 : i32
        %dma_start3A_147 = arith.constant 0 : i32
        %dma_start3A_148 = tpu.memref_slice %arg2[%dma_start3A_146, %dma_start3A_147] : memref<10240x128xf32, #tpu.memory_space<hbm>> -> memref<10240x128xf32, #tpu.memory_space<hbm>>
        tpu.enqueue_indirect_dma source(%dma_start3A_148 : memref<10240x128xf32, #tpu.memory_space<hbm>>) target(%arg9 : memref<128x128xf32, #tpu.memory_space<vmem>>) offsets(%dma_start3A_145 : memref<128xi32, #tpu.memory_space<vmem>>) semaphore(%arg11 : memref<!tpu.dma_semaphore, #tpu.memory_space<semaphore_mem>>)
      } else {
      }
      %dma_wait3A_130 = arith.constant 0 : i32
      %dma_wait3A_131 = tpu.memref_slice %arg7[%add3A_120, %dma_wait3A_130] : memref<40x128xi32, #tpu.memory_space<vmem>> -> memref<1x128xi32, #tpu.memory_space<vmem>>
      %dma_wait3A_132 = tpu.memref_squeeze %dma_wait3A_131 : memref<1x128xi32, #tpu.memory_space<vmem>> -> memref<128xi32, #tpu.memory_space<vmem>>
      %dma_wait3A_133 = arith.constant 0 : i32
      %dma_wait3A_134 = arith.constant 0 : i32
      %dma_wait3A_135 = tpu.memref_slice %arg2[%dma_wait3A_133, %dma_wait3A_134] : memref<10240x128xf32, #tpu.memory_space<hbm>> -> memref<10240x128xf32, #tpu.memory_space<hbm>>
      tpu.wait_indirect_dma semaphore(%arg12 : memref<!tpu.dma_semaphore, #tpu.memory_space<semaphore_mem>>) src(%dma_wait3A_135 : memref<10240x128xf32, #tpu.memory_space<hbm>>) dst(%arg10 : memref<128x128xf32, #tpu.memory_space<vmem>>)
      "tpu.region"() ({
        %run_scoped3A = tpu.sem_alloc : memref<!tpu.dma_semaphore, #tpu.memory_space<semaphore_mem>>
        %dma_start3A_141 = arith.constant 0 : i32
        %dma_start3A_142 = tpu.memref_slice %arg8[%add3A_120, %dma_start3A_141] : memref<40x128xi32, #tpu.memory_space<vmem>> -> memref<1x128xi32, #tpu.memory_space<vmem>>
        %dma_start3A_143 = tpu.memref_squeeze %dma_start3A_142 : memref<1x128xi32, #tpu.memory_space<vmem>> -> memref<128xi32, #tpu.memory_space<vmem>>
        %dma_start3A_144 = arith.constant 0 : i32
        %dma_start3A_145 = arith.constant 0 : i32
        %dma_start3A_146 = tpu.memref_slice %arg13[%dma_start3A_144, %dma_start3A_145] : memref<10240x128xf32, #tpu.memory_space<vmem_shared>> -> memref<10240x128xf32, #tpu.memory_space<vmem_shared>>
        tpu.enqueue_indirect_dma source(%arg10 : memref<128x128xf32, #tpu.memory_space<vmem>>) target(%dma_start3A_146 : memref<10240x128xf32, #tpu.memory_space<vmem_shared>>) offsets(%dma_start3A_143 : memref<128xi32, #tpu.memory_space<vmem>>) semaphore(%run_scoped3A : memref<!tpu.dma_semaphore, #tpu.memory_space<semaphore_mem>>) {add = true}
        %dma_wait3A_147 = arith.constant 0 : i32
        %dma_wait3A_148 = tpu.memref_slice %arg8[%add3A_120, %dma_wait3A_147] : memref<40x128xi32, #tpu.memory_space<vmem>> -> memref<1x128xi32, #tpu.memory_space<vmem>>
        %dma_wait3A_149 = tpu.memref_squeeze %dma_wait3A_148 : memref<1x128xi32, #tpu.memory_space<vmem>> -> memref<128xi32, #tpu.memory_space<vmem>>
        %dma_wait3A_150 = arith.constant 0 : i32
        %dma_wait3A_151 = arith.constant 0 : i32
        %dma_wait3A_152 = tpu.memref_slice %arg13[%dma_wait3A_150, %dma_wait3A_151] : memref<10240x128xf32, #tpu.memory_space<vmem_shared>> -> memref<10240x128xf32, #tpu.memory_space<vmem_shared>>
        tpu.wait_indirect_dma semaphore(%run_scoped3A : memref<!tpu.dma_semaphore, #tpu.memory_space<semaphore_mem>>) src(%arg10 : memref<128x128xf32, #tpu.memory_space<vmem>>) dst(%dma_wait3A_152 : memref<10240x128xf32, #tpu.memory_space<vmem_shared>>)
        tpu.yield
      }) : () -> ()
      %lt3A_136 = arith.constant 19 : i32
      %lt3A_137 = arith.cmpi slt, %add3A_116, %lt3A_136 : i32
      %convert_element_type3A_138 = arith.extui %lt3A_137 : i1 to i32
      %cond3A_139 = arith.constant 0 : i32
      %cond3A_140 = arith.cmpi ne, %convert_element_type3A_138, %cond3A_139 : i32
      scf.if %cond3A_140 {
        %add3A_141 = arith.constant 2 : i32
        %add3A_142 = arith.addi %add3A_120, %add3A_141 : i32
        %dma_start3A_143 = arith.constant 0 : i32
        %dma_start3A_144 = tpu.memref_slice %arg7[%add3A_142, %dma_start3A_143] : memref<40x128xi32, #tpu.memory_space<vmem>> -> memref<1x128xi32, #tpu.memory_space<vmem>>
        %dma_start3A_145 = tpu.memref_squeeze %dma_start3A_144 : memref<1x128xi32, #tpu.memory_space<vmem>> -> memref<128xi32, #tpu.memory_space<vmem>>
        %dma_start3A_146 = arith.constant 0 : i32
        %dma_start3A_147 = arith.constant 0 : i32
        %dma_start3A_148 = tpu.memref_slice %arg2[%dma_start3A_146, %dma_start3A_147] : memref<10240x128xf32, #tpu.memory_space<hbm>> -> memref<10240x128xf32, #tpu.memory_space<hbm>>
        tpu.enqueue_indirect_dma source(%dma_start3A_148 : memref<10240x128xf32, #tpu.memory_space<hbm>>) target(%arg10 : memref<128x128xf32, #tpu.memory_space<vmem>>) offsets(%dma_start3A_145 : memref<128xi32, #tpu.memory_space<vmem>>) semaphore(%arg12 : memref<!tpu.dma_semaphore, #tpu.memory_space<semaphore_mem>>)
      } else {
      }
    }
    %scan3A_34 = arith.constant 20 : i32
    "tpu.trace_stop"() : () -> ()
    "tpu.trace_start"() <{level = 10 : i32, message = "idx_load1"}> : () -> ()
    "tpu.region"() ({
      %run_scoped3A = tpu.sem_alloc : memref<!tpu.dma_semaphore, #tpu.memory_space<semaphore_mem>>
      %dma_start3A_112 = arith.constant 40 : i32
      %dma_start3A_113 = arith.constant 0 : i32
      %dma_start3A_114 = tpu.memref_slice %arg3[%add3A, %dma_start3A_112, %dma_start3A_113] : memref<32x80x128xi32, #tpu.memory_space<hbm>> -> memref<1x40x128xi32, #tpu.memory_space<hbm>>
      %dma_start3A_115 = tpu.memref_squeeze %dma_start3A_114 : memref<1x40x128xi32, #tpu.memory_space<hbm>> -> memref<40x128xi32, #tpu.memory_space<hbm>>
      %dma_start3A_116 = arith.constant 40 : i32
      %dma_start3A_117 = arith.constant 0 : i32
      %dma_start3A_118 = tpu.memref_slice %arg3[%add3A, %dma_start3A_116, %dma_start3A_117] : memref<32x80x128xi32, #tpu.memory_space<hbm>> -> memref<1x40x128xi32, #tpu.memory_space<hbm>>
      %dma_start3A_119 = tpu.memref_squeeze %dma_start3A_118 : memref<1x40x128xi32, #tpu.memory_space<hbm>> -> memref<40x128xi32, #tpu.memory_space<hbm>>
      tpu.enqueue_dma source(%dma_start3A_119 : memref<40x128xi32, #tpu.memory_space<hbm>>) target(%arg7 : memref<40x128xi32, #tpu.memory_space<vmem>>) target_semaphore(%run_scoped3A : memref<!tpu.dma_semaphore, #tpu.memory_space<semaphore_mem>>)
      %dma_wait3A = arith.constant 40 : i32
      %dma_wait3A_120 = arith.constant 0 : i32
      %dma_wait3A_121 = tpu.memref_slice %arg3[%add3A, %dma_wait3A, %dma_wait3A_120] : memref<32x80x128xi32, #tpu.memory_space<hbm>> -> memref<1x40x128xi32, #tpu.memory_space<hbm>>
      %dma_wait3A_122 = tpu.memref_squeeze %dma_wait3A_121 : memref<1x40x128xi32, #tpu.memory_space<hbm>> -> memref<40x128xi32, #tpu.memory_space<hbm>>
      %dma_wait3A_123 = arith.constant 40 : i32
      %dma_wait3A_124 = arith.constant 0 : i32
      %dma_wait3A_125 = tpu.memref_slice %arg3[%add3A, %dma_wait3A_123, %dma_wait3A_124] : memref<32x80x128xi32, #tpu.memory_space<hbm>> -> memref<1x40x128xi32, #tpu.memory_space<hbm>>
      %dma_wait3A_126 = tpu.memref_squeeze %dma_wait3A_125 : memref<1x40x128xi32, #tpu.memory_space<hbm>> -> memref<40x128xi32, #tpu.memory_space<hbm>>
      tpu.wait_dma2 semaphore(%run_scoped3A : memref<!tpu.dma_semaphore, #tpu.memory_space<semaphore_mem>>) src(%dma_wait3A_126 : memref<40x128xi32, #tpu.memory_space<hbm>>) dst(%arg7 : memref<40x128xi32, #tpu.memory_space<vmem>>)
      tpu.yield
    }) : () -> ()
    "tpu.region"() ({
      %run_scoped3A = tpu.sem_alloc : memref<!tpu.dma_semaphore, #tpu.memory_space<semaphore_mem>>
      %dma_start3A_112 = arith.constant 40 : i32
      %dma_start3A_113 = arith.constant 0 : i32
      %dma_start3A_114 = tpu.memref_slice %arg4[%add3A, %dma_start3A_112, %dma_start3A_113] : memref<32x80x128xi32, #tpu.memory_space<hbm>> -> memref<1x40x128xi32, #tpu.memory_space<hbm>>
      %dma_start3A_115 = tpu.memref_squeeze %dma_start3A_114 : memref<1x40x128xi32, #tpu.memory_space<hbm>> -> memref<40x128xi32, #tpu.memory_space<hbm>>
      %dma_start3A_116 = arith.constant 40 : i32
      %dma_start3A_117 = arith.constant 0 : i32
      %dma_start3A_118 = tpu.memref_slice %arg4[%add3A, %dma_start3A_116, %dma_start3A_117] : memref<32x80x128xi32, #tpu.memory_space<hbm>> -> memref<1x40x128xi32, #tpu.memory_space<hbm>>
      %dma_start3A_119 = tpu.memref_squeeze %dma_start3A_118 : memref<1x40x128xi32, #tpu.memory_space<hbm>> -> memref<40x128xi32, #tpu.memory_space<hbm>>
      tpu.enqueue_dma source(%dma_start3A_119 : memref<40x128xi32, #tpu.memory_space<hbm>>) target(%arg8 : memref<40x128xi32, #tpu.memory_space<vmem>>) target_semaphore(%run_scoped3A : memref<!tpu.dma_semaphore, #tpu.memory_space<semaphore_mem>>)
      %dma_wait3A = arith.constant 40 : i32
      %dma_wait3A_120 = arith.constant 0 : i32
      %dma_wait3A_121 = tpu.memref_slice %arg4[%add3A, %dma_wait3A, %dma_wait3A_120] : memref<32x80x128xi32, #tpu.memory_space<hbm>> -> memref<1x40x128xi32, #tpu.memory_space<hbm>>
      %dma_wait3A_122 = tpu.memref_squeeze %dma_wait3A_121 : memref<1x40x128xi32, #tpu.memory_space<hbm>> -> memref<40x128xi32, #tpu.memory_space<hbm>>
      %dma_wait3A_123 = arith.constant 40 : i32
      %dma_wait3A_124 = arith.constant 0 : i32
      %dma_wait3A_125 = tpu.memref_slice %arg4[%add3A, %dma_wait3A_123, %dma_wait3A_124] : memref<32x80x128xi32, #tpu.memory_space<hbm>> -> memref<1x40x128xi32, #tpu.memory_space<hbm>>
      %dma_wait3A_126 = tpu.memref_squeeze %dma_wait3A_125 : memref<1x40x128xi32, #tpu.memory_space<hbm>> -> memref<40x128xi32, #tpu.memory_space<hbm>>
      tpu.wait_dma2 semaphore(%run_scoped3A : memref<!tpu.dma_semaphore, #tpu.memory_space<semaphore_mem>>) src(%dma_wait3A_126 : memref<40x128xi32, #tpu.memory_space<hbm>>) dst(%arg8 : memref<40x128xi32, #tpu.memory_space<vmem>>)
      tpu.yield
    }) : () -> ()
    %dma_start3A_35 = arith.constant 0 : i32
    "tpu.trace_stop"() : () -> ()
    "tpu.trace_start"() <{level = 10 : i32, message = "edge_loop1"}> : () -> ()
    %dma_start3A_36 = arith.constant 0 : i32
    %dma_start3A_37 = tpu.memref_slice %arg7[%dma_start3A_35, %dma_start3A_36] : memref<40x128xi32, #tpu.memory_space<vmem>> -> memref<1x128xi32, #tpu.memory_space<vmem>>
    %dma_start3A_38 = tpu.memref_squeeze %dma_start3A_37 : memref<1x128xi32, #tpu.memory_space<vmem>> -> memref<128xi32, #tpu.memory_space<vmem>>
    %dma_start3A_39 = arith.constant 0 : i32
    %dma_start3A_40 = arith.constant 0 : i32
    %dma_start3A_41 = tpu.memref_slice %arg2[%dma_start3A_39, %dma_start3A_40] : memref<10240x128xf32, #tpu.memory_space<hbm>> -> memref<10240x128xf32, #tpu.memory_space<hbm>>
    tpu.enqueue_indirect_dma source(%dma_start3A_41 : memref<10240x128xf32, #tpu.memory_space<hbm>>) target(%arg9 : memref<128x128xf32, #tpu.memory_space<vmem>>) offsets(%dma_start3A_38 : memref<128xi32, #tpu.memory_space<vmem>>) semaphore(%arg11 : memref<!tpu.dma_semaphore, #tpu.memory_space<semaphore_mem>>)
    %dma_start3A_42 = arith.constant 1 : i32
    %dma_start3A_43 = arith.constant 0 : i32
    %dma_start3A_44 = tpu.memref_slice %arg7[%dma_start3A_42, %dma_start3A_43] : memref<40x128xi32, #tpu.memory_space<vmem>> -> memref<1x128xi32, #tpu.memory_space<vmem>>
    %dma_start3A_45 = tpu.memref_squeeze %dma_start3A_44 : memref<1x128xi32, #tpu.memory_space<vmem>> -> memref<128xi32, #tpu.memory_space<vmem>>
    %dma_start3A_46 = arith.constant 0 : i32
    %dma_start3A_47 = arith.constant 0 : i32
    %dma_start3A_48 = tpu.memref_slice %arg2[%dma_start3A_46, %dma_start3A_47] : memref<10240x128xf32, #tpu.memory_space<hbm>> -> memref<10240x128xf32, #tpu.memory_space<hbm>>
    tpu.enqueue_indirect_dma source(%dma_start3A_48 : memref<10240x128xf32, #tpu.memory_space<hbm>>) target(%arg10 : memref<128x128xf32, #tpu.memory_space<vmem>>) offsets(%dma_start3A_45 : memref<128xi32, #tpu.memory_space<vmem>>) semaphore(%arg12 : memref<!tpu.dma_semaphore, #tpu.memory_space<semaphore_mem>>)
    %scan3A_49 = arith.constant 0 : i32
    %scan3A_50 = arith.constant 20 : i32
    %scan3A_51 = arith.addi %scan3A_49, %scan3A_50 : i32
    %scan3A_52 = arith.constant 1 : i32
    scf.for %scan3A_112 = %scan3A_49 to %scan3A_51 step %scan3A_52  : i32 {
      %mul3A_113 = arith.constant 1 : i32
      %mul3A_114 = arith.muli %scan3A_112, %mul3A_113 : i32
      %add3A_115 = arith.constant 0 : i32
      %add3A_116 = arith.addi %add3A_115, %mul3A_114 : i32
      %mul3A_117 = arith.constant 2 : i32
      %mul3A_118 = arith.muli %mul3A_117, %add3A_116 : i32
      %add3A_119 = arith.constant 1 : i32
      %add3A_120 = arith.addi %mul3A_118, %add3A_119 : i32
      %dma_wait3A = arith.constant 0 : i32
      %dma_wait3A_121 = tpu.memref_slice %arg7[%mul3A_118, %dma_wait3A] : memref<40x128xi32, #tpu.memory_space<vmem>> -> memref<1x128xi32, #tpu.memory_space<vmem>>
      %dma_wait3A_122 = tpu.memref_squeeze %dma_wait3A_121 : memref<1x128xi32, #tpu.memory_space<vmem>> -> memref<128xi32, #tpu.memory_space<vmem>>
      %dma_wait3A_123 = arith.constant 0 : i32
      %dma_wait3A_124 = arith.constant 0 : i32
      %dma_wait3A_125 = tpu.memref_slice %arg2[%dma_wait3A_123, %dma_wait3A_124] : memref<10240x128xf32, #tpu.memory_space<hbm>> -> memref<10240x128xf32, #tpu.memory_space<hbm>>
      tpu.wait_indirect_dma semaphore(%arg11 : memref<!tpu.dma_semaphore, #tpu.memory_space<semaphore_mem>>) src(%dma_wait3A_125 : memref<10240x128xf32, #tpu.memory_space<hbm>>) dst(%arg9 : memref<128x128xf32, #tpu.memory_space<vmem>>)
      "tpu.region"() ({
        %run_scoped3A = tpu.sem_alloc : memref<!tpu.dma_semaphore, #tpu.memory_space<semaphore_mem>>
        %dma_start3A_141 = arith.constant 0 : i32
        %dma_start3A_142 = tpu.memref_slice %arg8[%mul3A_118, %dma_start3A_141] : memref<40x128xi32, #tpu.memory_space<vmem>> -> memref<1x128xi32, #tpu.memory_space<vmem>>
        %dma_start3A_143 = tpu.memref_squeeze %dma_start3A_142 : memref<1x128xi32, #tpu.memory_space<vmem>> -> memref<128xi32, #tpu.memory_space<vmem>>
        %dma_start3A_144 = arith.constant 0 : i32
        %dma_start3A_145 = arith.constant 0 : i32
        %dma_start3A_146 = tpu.memref_slice %arg13[%dma_start3A_144, %dma_start3A_145] : memref<10240x128xf32, #tpu.memory_space<vmem_shared>> -> memref<10240x128xf32, #tpu.memory_space<vmem_shared>>
        tpu.enqueue_indirect_dma source(%arg9 : memref<128x128xf32, #tpu.memory_space<vmem>>) target(%dma_start3A_146 : memref<10240x128xf32, #tpu.memory_space<vmem_shared>>) offsets(%dma_start3A_143 : memref<128xi32, #tpu.memory_space<vmem>>) semaphore(%run_scoped3A : memref<!tpu.dma_semaphore, #tpu.memory_space<semaphore_mem>>) {add = true}
        %dma_wait3A_147 = arith.constant 0 : i32
        %dma_wait3A_148 = tpu.memref_slice %arg8[%mul3A_118, %dma_wait3A_147] : memref<40x128xi32, #tpu.memory_space<vmem>> -> memref<1x128xi32, #tpu.memory_space<vmem>>
        %dma_wait3A_149 = tpu.memref_squeeze %dma_wait3A_148 : memref<1x128xi32, #tpu.memory_space<vmem>> -> memref<128xi32, #tpu.memory_space<vmem>>
        %dma_wait3A_150 = arith.constant 0 : i32
        %dma_wait3A_151 = arith.constant 0 : i32
        %dma_wait3A_152 = tpu.memref_slice %arg13[%dma_wait3A_150, %dma_wait3A_151] : memref<10240x128xf32, #tpu.memory_space<vmem_shared>> -> memref<10240x128xf32, #tpu.memory_space<vmem_shared>>
        tpu.wait_indirect_dma semaphore(%run_scoped3A : memref<!tpu.dma_semaphore, #tpu.memory_space<semaphore_mem>>) src(%arg9 : memref<128x128xf32, #tpu.memory_space<vmem>>) dst(%dma_wait3A_152 : memref<10240x128xf32, #tpu.memory_space<vmem_shared>>)
        tpu.yield
      }) : () -> ()
      %lt3A = arith.constant 19 : i32
      %lt3A_126 = arith.cmpi slt, %add3A_116, %lt3A : i32
      %convert_element_type3A_127 = arith.extui %lt3A_126 : i1 to i32
      %cond3A_128 = arith.constant 0 : i32
      %cond3A_129 = arith.cmpi ne, %convert_element_type3A_127, %cond3A_128 : i32
      scf.if %cond3A_129 {
        %add3A_141 = arith.constant 2 : i32
        %add3A_142 = arith.addi %mul3A_118, %add3A_141 : i32
        %dma_start3A_143 = arith.constant 0 : i32
        %dma_start3A_144 = tpu.memref_slice %arg7[%add3A_142, %dma_start3A_143] : memref<40x128xi32, #tpu.memory_space<vmem>> -> memref<1x128xi32, #tpu.memory_space<vmem>>
        %dma_start3A_145 = tpu.memref_squeeze %dma_start3A_144 : memref<1x128xi32, #tpu.memory_space<vmem>> -> memref<128xi32, #tpu.memory_space<vmem>>
        %dma_start3A_146 = arith.constant 0 : i32
        %dma_start3A_147 = arith.constant 0 : i32
        %dma_start3A_148 = tpu.memref_slice %arg2[%dma_start3A_146, %dma_start3A_147] : memref<10240x128xf32, #tpu.memory_space<hbm>> -> memref<10240x128xf32, #tpu.memory_space<hbm>>
        tpu.enqueue_indirect_dma source(%dma_start3A_148 : memref<10240x128xf32, #tpu.memory_space<hbm>>) target(%arg9 : memref<128x128xf32, #tpu.memory_space<vmem>>) offsets(%dma_start3A_145 : memref<128xi32, #tpu.memory_space<vmem>>) semaphore(%arg11 : memref<!tpu.dma_semaphore, #tpu.memory_space<semaphore_mem>>)
      } else {
      }
      %dma_wait3A_130 = arith.constant 0 : i32
      %dma_wait3A_131 = tpu.memref_slice %arg7[%add3A_120, %dma_wait3A_130] : memref<40x128xi32, #tpu.memory_space<vmem>> -> memref<1x128xi32, #tpu.memory_space<vmem>>
      %dma_wait3A_132 = tpu.memref_squeeze %dma_wait3A_131 : memref<1x128xi32, #tpu.memory_space<vmem>> -> memref<128xi32, #tpu.memory_space<vmem>>
      %dma_wait3A_133 = arith.constant 0 : i32
      %dma_wait3A_134 = arith.constant 0 : i32
      %dma_wait3A_135 = tpu.memref_slice %arg2[%dma_wait3A_133, %dma_wait3A_134] : memref<10240x128xf32, #tpu.memory_space<hbm>> -> memref<10240x128xf32, #tpu.memory_space<hbm>>
      tpu.wait_indirect_dma semaphore(%arg12 : memref<!tpu.dma_semaphore, #tpu.memory_space<semaphore_mem>>) src(%dma_wait3A_135 : memref<10240x128xf32, #tpu.memory_space<hbm>>) dst(%arg10 : memref<128x128xf32, #tpu.memory_space<vmem>>)
      "tpu.region"() ({
        %run_scoped3A = tpu.sem_alloc : memref<!tpu.dma_semaphore, #tpu.memory_space<semaphore_mem>>
        %dma_start3A_141 = arith.constant 0 : i32
        %dma_start3A_142 = tpu.memref_slice %arg8[%add3A_120, %dma_start3A_141] : memref<40x128xi32, #tpu.memory_space<vmem>> -> memref<1x128xi32, #tpu.memory_space<vmem>>
        %dma_start3A_143 = tpu.memref_squeeze %dma_start3A_142 : memref<1x128xi32, #tpu.memory_space<vmem>> -> memref<128xi32, #tpu.memory_space<vmem>>
        %dma_start3A_144 = arith.constant 0 : i32
        %dma_start3A_145 = arith.constant 0 : i32
        %dma_start3A_146 = tpu.memref_slice %arg13[%dma_start3A_144, %dma_start3A_145] : memref<10240x128xf32, #tpu.memory_space<vmem_shared>> -> memref<10240x128xf32, #tpu.memory_space<vmem_shared>>
        tpu.enqueue_indirect_dma source(%arg10 : memref<128x128xf32, #tpu.memory_space<vmem>>) target(%dma_start3A_146 : memref<10240x128xf32, #tpu.memory_space<vmem_shared>>) offsets(%dma_start3A_143 : memref<128xi32, #tpu.memory_space<vmem>>) semaphore(%run_scoped3A : memref<!tpu.dma_semaphore, #tpu.memory_space<semaphore_mem>>) {add = true}
        %dma_wait3A_147 = arith.constant 0 : i32
        %dma_wait3A_148 = tpu.memref_slice %arg8[%add3A_120, %dma_wait3A_147] : memref<40x128xi32, #tpu.memory_space<vmem>> -> memref<1x128xi32, #tpu.memory_space<vmem>>
        %dma_wait3A_149 = tpu.memref_squeeze %dma_wait3A_148 : memref<1x128xi32, #tpu.memory_space<vmem>> -> memref<128xi32, #tpu.memory_space<vmem>>
        %dma_wait3A_150 = arith.constant 0 : i32
        %dma_wait3A_151 = arith.constant 0 : i32
        %dma_wait3A_152 = tpu.memref_slice %arg13[%dma_wait3A_150, %dma_wait3A_151] : memref<10240x128xf32, #tpu.memory_space<vmem_shared>> -> memref<10240x128xf32, #tpu.memory_space<vmem_shared>>
        tpu.wait_indirect_dma semaphore(%run_scoped3A : memref<!tpu.dma_semaphore, #tpu.memory_space<semaphore_mem>>) src(%arg10 : memref<128x128xf32, #tpu.memory_space<vmem>>) dst(%dma_wait3A_152 : memref<10240x128xf32, #tpu.memory_space<vmem_shared>>)
        tpu.yield
      }) : () -> ()
      %lt3A_136 = arith.constant 19 : i32
      %lt3A_137 = arith.cmpi slt, %add3A_116, %lt3A_136 : i32
      %convert_element_type3A_138 = arith.extui %lt3A_137 : i1 to i32
      %cond3A_139 = arith.constant 0 : i32
      %cond3A_140 = arith.cmpi ne, %convert_element_type3A_138, %cond3A_139 : i32
      scf.if %cond3A_140 {
        %add3A_141 = arith.constant 2 : i32
        %add3A_142 = arith.addi %add3A_120, %add3A_141 : i32
        %dma_start3A_143 = arith.constant 0 : i32
        %dma_start3A_144 = tpu.memref_slice %arg7[%add3A_142, %dma_start3A_143] : memref<40x128xi32, #tpu.memory_space<vmem>> -> memref<1x128xi32, #tpu.memory_space<vmem>>
        %dma_start3A_145 = tpu.memref_squeeze %dma_start3A_144 : memref<1x128xi32, #tpu.memory_space<vmem>> -> memref<128xi32, #tpu.memory_space<vmem>>
        %dma_start3A_146 = arith.constant 0 : i32
        %dma_start3A_147 = arith.constant 0 : i32
        %dma_start3A_148 = tpu.memref_slice %arg2[%dma_start3A_146, %dma_start3A_147] : memref<10240x128xf32, #tpu.memory_space<hbm>> -> memref<10240x128xf32, #tpu.memory_space<hbm>>
        tpu.enqueue_indirect_dma source(%dma_start3A_148 : memref<10240x128xf32, #tpu.memory_space<hbm>>) target(%arg10 : memref<128x128xf32, #tpu.memory_space<vmem>>) offsets(%dma_start3A_145 : memref<128xi32, #tpu.memory_space<vmem>>) semaphore(%arg12 : memref<!tpu.dma_semaphore, #tpu.memory_space<semaphore_mem>>)
      } else {
      }
    }
    %scan3A_53 = arith.constant 20 : i32
    "tpu.trace_stop"() : () -> ()
    "tpu.trace_start"() <{level = 10 : i32, message = "writeout"}> : () -> ()
    %barrier3A_54 = arith.constant 0 : index
    tpu.barrier barrier_id(%barrier3A_54)
    %add3A_55 = arith.constant 0 : i32
    %add3A_56 = arith.addi %mul3A_6, %add3A_55 : i32
    "tpu.region"() ({
      %run_scoped3A = tpu.sem_alloc : memref<!tpu.dma_semaphore, #tpu.memory_space<semaphore_mem>>
      %dma_start3A_112 = arith.constant 0 : i32
      %dma_start3A_113 = tpu.memref_slice %arg13[%add3A_56, %dma_start3A_112] : memref<10240x128xf32, #tpu.memory_space<vmem_shared>> -> memref<128x128xf32, #tpu.memory_space<vmem_shared>>
      %dma_start3A_114 = arith.constant 0 : i32
      %dma_start3A_115 = tpu.memref_slice %arg13[%add3A_56, %dma_start3A_114] : memref<10240x128xf32, #tpu.memory_space<vmem_shared>> -> memref<128x128xf32, #tpu.memory_space<vmem_shared>>
      tpu.enqueue_dma source(%dma_start3A_115 : memref<128x128xf32, #tpu.memory_space<vmem_shared>>) target(%arg9 : memref<128x128xf32, #tpu.memory_space<vmem>>) target_semaphore(%run_scoped3A : memref<!tpu.dma_semaphore, #tpu.memory_space<semaphore_mem>>)
      %dma_wait3A = arith.constant 0 : i32
      %dma_wait3A_116 = tpu.memref_slice %arg13[%add3A_56, %dma_wait3A] : memref<10240x128xf32, #tpu.memory_space<vmem_shared>> -> memref<128x128xf32, #tpu.memory_space<vmem_shared>>
      %dma_wait3A_117 = arith.constant 0 : i32
      %dma_wait3A_118 = tpu.memref_slice %arg13[%add3A_56, %dma_wait3A_117] : memref<10240x128xf32, #tpu.memory_space<vmem_shared>> -> memref<128x128xf32, #tpu.memory_space<vmem_shared>>
      tpu.wait_dma2 semaphore(%run_scoped3A : memref<!tpu.dma_semaphore, #tpu.memory_space<semaphore_mem>>) src(%dma_wait3A_118 : memref<128x128xf32, #tpu.memory_space<vmem_shared>>) dst(%arg9 : memref<128x128xf32, #tpu.memory_space<vmem>>)
      tpu.yield
    }) : () -> ()
    %eq3A = arith.constant 0 : i32
    %eq3A_57 = arith.cmpi eq, %arg0, %eq3A : i32
    %convert_element_type3A = arith.extui %eq3A_57 : i1 to i32
    %cond3A = arith.constant 0 : i32
    %cond3A_58 = arith.cmpi ne, %convert_element_type3A, %cond3A : i32
    scf.if %cond3A_58 {
      "tpu.region"() ({
        %run_scoped3A = tpu.sem_alloc : memref<!tpu.dma_semaphore, #tpu.memory_space<semaphore_mem>>
        %dma_start3A_112 = arith.constant 0 : i32
        %dma_start3A_113 = tpu.memref_slice %arg6[%add3A_56, %dma_start3A_112] : memref<10240x128xf32, #tpu.memory_space<hbm>> -> memref<128x128xf32, #tpu.memory_space<hbm>>
        %dma_start3A_114 = arith.constant 0 : i32
        %dma_start3A_115 = tpu.memref_slice %arg6[%add3A_56, %dma_start3A_114] : memref<10240x128xf32, #tpu.memory_space<hbm>> -> memref<128x128xf32, #tpu.memory_space<hbm>>
        tpu.enqueue_dma source(%arg9 : memref<128x128xf32, #tpu.memory_space<vmem>>) target(%dma_start3A_115 : memref<128x128xf32, #tpu.memory_space<hbm>>) target_semaphore(%run_scoped3A : memref<!tpu.dma_semaphore, #tpu.memory_space<semaphore_mem>>)
        %dma_wait3A = arith.constant 0 : i32
        %dma_wait3A_116 = tpu.memref_slice %arg6[%add3A_56, %dma_wait3A] : memref<10240x128xf32, #tpu.memory_space<hbm>> -> memref<128x128xf32, #tpu.memory_space<hbm>>
        %dma_wait3A_117 = arith.constant 0 : i32
        %dma_wait3A_118 = tpu.memref_slice %arg6[%add3A_56, %dma_wait3A_117] : memref<10240x128xf32, #tpu.memory_space<hbm>> -> memref<128x128xf32, #tpu.memory_space<hbm>>
        tpu.wait_dma2 semaphore(%run_scoped3A : memref<!tpu.dma_semaphore, #tpu.memory_space<semaphore_mem>>) src(%arg9 : memref<128x128xf32, #tpu.memory_space<vmem>>) dst(%dma_wait3A_118 : memref<128x128xf32, #tpu.memory_space<hbm>>)
        tpu.yield
      }) : () -> ()
    } else {
    }
    %eq3A_59 = arith.constant 1 : i32
    %eq3A_60 = arith.cmpi eq, %arg0, %eq3A_59 : i32
    %convert_element_type3A_61 = arith.extui %eq3A_60 : i1 to i32
    %cond3A_62 = arith.constant 0 : i32
    %cond3A_63 = arith.cmpi ne, %convert_element_type3A_61, %cond3A_62 : i32
    scf.if %cond3A_63 {
      "tpu.region"() ({
        %run_scoped3A = tpu.sem_alloc : memref<!tpu.dma_semaphore, #tpu.memory_space<semaphore_mem>>
        %dma_start3A_112 = arith.constant 0 : i32
        %dma_start3A_113 = tpu.memref_slice %arg5[%add3A_56, %dma_start3A_112] : memref<10240x128xf32, #tpu.memory_space<hbm>> -> memref<128x128xf32, #tpu.memory_space<hbm>>
        %dma_start3A_114 = arith.constant 0 : i32
        %dma_start3A_115 = tpu.memref_slice %arg5[%add3A_56, %dma_start3A_114] : memref<10240x128xf32, #tpu.memory_space<hbm>> -> memref<128x128xf32, #tpu.memory_space<hbm>>
        tpu.enqueue_dma source(%arg9 : memref<128x128xf32, #tpu.memory_space<vmem>>) target(%dma_start3A_115 : memref<128x128xf32, #tpu.memory_space<hbm>>) target_semaphore(%run_scoped3A : memref<!tpu.dma_semaphore, #tpu.memory_space<semaphore_mem>>)
        %dma_wait3A = arith.constant 0 : i32
        %dma_wait3A_116 = tpu.memref_slice %arg5[%add3A_56, %dma_wait3A] : memref<10240x128xf32, #tpu.memory_space<hbm>> -> memref<128x128xf32, #tpu.memory_space<hbm>>
        %dma_wait3A_117 = arith.constant 0 : i32
        %dma_wait3A_118 = tpu.memref_slice %arg5[%add3A_56, %dma_wait3A_117] : memref<10240x128xf32, #tpu.memory_space<hbm>> -> memref<128x128xf32, #tpu.memory_space<hbm>>
        tpu.wait_dma2 semaphore(%run_scoped3A : memref<!tpu.dma_semaphore, #tpu.memory_space<semaphore_mem>>) src(%arg9 : memref<128x128xf32, #tpu.memory_space<vmem>>) dst(%dma_wait3A_118 : memref<128x128xf32, #tpu.memory_space<hbm>>)
        tpu.yield
      }) : () -> ()
    } else {
    }
    %add3A_64 = arith.constant 128 : i32
    %add3A_65 = arith.addi %mul3A_6, %add3A_64 : i32
    "tpu.region"() ({
      %run_scoped3A = tpu.sem_alloc : memref<!tpu.dma_semaphore, #tpu.memory_space<semaphore_mem>>
      %dma_start3A_112 = arith.constant 0 : i32
      %dma_start3A_113 = tpu.memref_slice %arg13[%add3A_65, %dma_start3A_112] : memref<10240x128xf32, #tpu.memory_space<vmem_shared>> -> memref<128x128xf32, #tpu.memory_space<vmem_shared>>
      %dma_start3A_114 = arith.constant 0 : i32
      %dma_start3A_115 = tpu.memref_slice %arg13[%add3A_65, %dma_start3A_114] : memref<10240x128xf32, #tpu.memory_space<vmem_shared>> -> memref<128x128xf32, #tpu.memory_space<vmem_shared>>
      tpu.enqueue_dma source(%dma_start3A_115 : memref<128x128xf32, #tpu.memory_space<vmem_shared>>) target(%arg10 : memref<128x128xf32, #tpu.memory_space<vmem>>) target_semaphore(%run_scoped3A : memref<!tpu.dma_semaphore, #tpu.memory_space<semaphore_mem>>)
      %dma_wait3A = arith.constant 0 : i32
      %dma_wait3A_116 = tpu.memref_slice %arg13[%add3A_65, %dma_wait3A] : memref<10240x128xf32, #tpu.memory_space<vmem_shared>> -> memref<128x128xf32, #tpu.memory_space<vmem_shared>>
      %dma_wait3A_117 = arith.constant 0 : i32
      %dma_wait3A_118 = tpu.memref_slice %arg13[%add3A_65, %dma_wait3A_117] : memref<10240x128xf32, #tpu.memory_space<vmem_shared>> -> memref<128x128xf32, #tpu.memory_space<vmem_shared>>
      tpu.wait_dma2 semaphore(%run_scoped3A : memref<!tpu.dma_semaphore, #tpu.memory_space<semaphore_mem>>) src(%dma_wait3A_118 : memref<128x128xf32, #tpu.memory_space<vmem_shared>>) dst(%arg10 : memref<128x128xf32, #tpu.memory_space<vmem>>)
      tpu.yield
    }) : () -> ()
    %eq3A_66 = arith.constant 0 : i32
    %eq3A_67 = arith.cmpi eq, %arg0, %eq3A_66 : i32
    %convert_element_type3A_68 = arith.extui %eq3A_67 : i1 to i32
    %cond3A_69 = arith.constant 0 : i32
    %cond3A_70 = arith.cmpi ne, %convert_element_type3A_68, %cond3A_69 : i32
    scf.if %cond3A_70 {
      "tpu.region"() ({
        %run_scoped3A = tpu.sem_alloc : memref<!tpu.dma_semaphore, #tpu.memory_space<semaphore_mem>>
        %dma_start3A_112 = arith.constant 0 : i32
        %dma_start3A_113 = tpu.memref_slice %arg6[%add3A_65, %dma_start3A_112] : memref<10240x128xf32, #tpu.memory_space<hbm>> -> memref<128x128xf32, #tpu.memory_space<hbm>>
        %dma_start3A_114 = arith.constant 0 : i32
        %dma_start3A_115 = tpu.memref_slice %arg6[%add3A_65, %dma_start3A_114] : memref<10240x128xf32, #tpu.memory_space<hbm>> -> memref<128x128xf32, #tpu.memory_space<hbm>>
        tpu.enqueue_dma source(%arg10 : memref<128x128xf32, #tpu.memory_space<vmem>>) target(%dma_start3A_115 : memref<128x128xf32, #tpu.memory_space<hbm>>) target_semaphore(%run_scoped3A : memref<!tpu.dma_semaphore, #tpu.memory_space<semaphore_mem>>)
        %dma_wait3A = arith.constant 0 : i32
        %dma_wait3A_116 = tpu.memref_slice %arg6[%add3A_65, %dma_wait3A] : memref<10240x128xf32, #tpu.memory_space<hbm>> -> memref<128x128xf32, #tpu.memory_space<hbm>>
        %dma_wait3A_117 = arith.constant 0 : i32
        %dma_wait3A_118 = tpu.memref_slice %arg6[%add3A_65, %dma_wait3A_117] : memref<10240x128xf32, #tpu.memory_space<hbm>> -> memref<128x128xf32, #tpu.memory_space<hbm>>
        tpu.wait_dma2 semaphore(%run_scoped3A : memref<!tpu.dma_semaphore, #tpu.memory_space<semaphore_mem>>) src(%arg10 : memref<128x128xf32, #tpu.memory_space<vmem>>) dst(%dma_wait3A_118 : memref<128x128xf32, #tpu.memory_space<hbm>>)
        tpu.yield
      }) : () -> ()
    } else {
    }
    %eq3A_71 = arith.constant 1 : i32
    %eq3A_72 = arith.cmpi eq, %arg0, %eq3A_71 : i32
    %convert_element_type3A_73 = arith.extui %eq3A_72 : i1 to i32
    %cond3A_74 = arith.constant 0 : i32
    %cond3A_75 = arith.cmpi ne, %convert_element_type3A_73, %cond3A_74 : i32
    scf.if %cond3A_75 {
      "tpu.region"() ({
        %run_scoped3A = tpu.sem_alloc : memref<!tpu.dma_semaphore, #tpu.memory_space<semaphore_mem>>
        %dma_start3A_112 = arith.constant 0 : i32
        %dma_start3A_113 = tpu.memref_slice %arg5[%add3A_65, %dma_start3A_112] : memref<10240x128xf32, #tpu.memory_space<hbm>> -> memref<128x128xf32, #tpu.memory_space<hbm>>
        %dma_start3A_114 = arith.constant 0 : i32
        %dma_start3A_115 = tpu.memref_slice %arg5[%add3A_65, %dma_start3A_114] : memref<10240x128xf32, #tpu.memory_space<hbm>> -> memref<128x128xf32, #tpu.memory_space<hbm>>
        tpu.enqueue_dma source(%arg10 : memref<128x128xf32, #tpu.memory_space<vmem>>) target(%dma_start3A_115 : memref<128x128xf32, #tpu.memory_space<hbm>>) target_semaphore(%run_scoped3A : memref<!tpu.dma_semaphore, #tpu.memory_space<semaphore_mem>>)
        %dma_wait3A = arith.constant 0 : i32
        %dma_wait3A_116 = tpu.memref_slice %arg5[%add3A_65, %dma_wait3A] : memref<10240x128xf32, #tpu.memory_space<hbm>> -> memref<128x128xf32, #tpu.memory_space<hbm>>
        %dma_wait3A_117 = arith.constant 0 : i32
        %dma_wait3A_118 = tpu.memref_slice %arg5[%add3A_65, %dma_wait3A_117] : memref<10240x128xf32, #tpu.memory_space<hbm>> -> memref<128x128xf32, #tpu.memory_space<hbm>>
        tpu.wait_dma2 semaphore(%run_scoped3A : memref<!tpu.dma_semaphore, #tpu.memory_space<semaphore_mem>>) src(%arg10 : memref<128x128xf32, #tpu.memory_space<vmem>>) dst(%dma_wait3A_118 : memref<128x128xf32, #tpu.memory_space<hbm>>)
        tpu.yield
      }) : () -> ()
    } else {
    }
    %add3A_76 = arith.constant 256 : i32
    %add3A_77 = arith.addi %mul3A_6, %add3A_76 : i32
    "tpu.region"() ({
      %run_scoped3A = tpu.sem_alloc : memref<!tpu.dma_semaphore, #tpu.memory_space<semaphore_mem>>
      %dma_start3A_112 = arith.constant 0 : i32
      %dma_start3A_113 = tpu.memref_slice %arg13[%add3A_77, %dma_start3A_112] : memref<10240x128xf32, #tpu.memory_space<vmem_shared>> -> memref<128x128xf32, #tpu.memory_space<vmem_shared>>
      %dma_start3A_114 = arith.constant 0 : i32
      %dma_start3A_115 = tpu.memref_slice %arg13[%add3A_77, %dma_start3A_114] : memref<10240x128xf32, #tpu.memory_space<vmem_shared>> -> memref<128x128xf32, #tpu.memory_space<vmem_shared>>
      tpu.enqueue_dma source(%dma_start3A_115 : memref<128x128xf32, #tpu.memory_space<vmem_shared>>) target(%arg9 : memref<128x128xf32, #tpu.memory_space<vmem>>) target_semaphore(%run_scoped3A : memref<!tpu.dma_semaphore, #tpu.memory_space<semaphore_mem>>)
      %dma_wait3A = arith.constant 0 : i32
      %dma_wait3A_116 = tpu.memref_slice %arg13[%add3A_77, %dma_wait3A] : memref<10240x128xf32, #tpu.memory_space<vmem_shared>> -> memref<128x128xf32, #tpu.memory_space<vmem_shared>>
      %dma_wait3A_117 = arith.constant 0 : i32
      %dma_wait3A_118 = tpu.memref_slice %arg13[%add3A_77, %dma_wait3A_117] : memref<10240x128xf32, #tpu.memory_space<vmem_shared>> -> memref<128x128xf32, #tpu.memory_space<vmem_shared>>
      tpu.wait_dma2 semaphore(%run_scoped3A : memref<!tpu.dma_semaphore, #tpu.memory_space<semaphore_mem>>) src(%dma_wait3A_118 : memref<128x128xf32, #tpu.memory_space<vmem_shared>>) dst(%arg9 : memref<128x128xf32, #tpu.memory_space<vmem>>)
      tpu.yield
    }) : () -> ()
    %eq3A_78 = arith.constant 0 : i32
    %eq3A_79 = arith.cmpi eq, %arg0, %eq3A_78 : i32
    %convert_element_type3A_80 = arith.extui %eq3A_79 : i1 to i32
    %cond3A_81 = arith.constant 0 : i32
    %cond3A_82 = arith.cmpi ne, %convert_element_type3A_80, %cond3A_81 : i32
    scf.if %cond3A_82 {
      "tpu.region"() ({
        %run_scoped3A = tpu.sem_alloc : memref<!tpu.dma_semaphore, #tpu.memory_space<semaphore_mem>>
        %dma_start3A_112 = arith.constant 0 : i32
        %dma_start3A_113 = tpu.memref_slice %arg6[%add3A_77, %dma_start3A_112] : memref<10240x128xf32, #tpu.memory_space<hbm>> -> memref<128x128xf32, #tpu.memory_space<hbm>>
        %dma_start3A_114 = arith.constant 0 : i32
        %dma_start3A_115 = tpu.memref_slice %arg6[%add3A_77, %dma_start3A_114] : memref<10240x128xf32, #tpu.memory_space<hbm>> -> memref<128x128xf32, #tpu.memory_space<hbm>>
        tpu.enqueue_dma source(%arg9 : memref<128x128xf32, #tpu.memory_space<vmem>>) target(%dma_start3A_115 : memref<128x128xf32, #tpu.memory_space<hbm>>) target_semaphore(%run_scoped3A : memref<!tpu.dma_semaphore, #tpu.memory_space<semaphore_mem>>)
        %dma_wait3A = arith.constant 0 : i32
        %dma_wait3A_116 = tpu.memref_slice %arg6[%add3A_77, %dma_wait3A] : memref<10240x128xf32, #tpu.memory_space<hbm>> -> memref<128x128xf32, #tpu.memory_space<hbm>>
        %dma_wait3A_117 = arith.constant 0 : i32
        %dma_wait3A_118 = tpu.memref_slice %arg6[%add3A_77, %dma_wait3A_117] : memref<10240x128xf32, #tpu.memory_space<hbm>> -> memref<128x128xf32, #tpu.memory_space<hbm>>
        tpu.wait_dma2 semaphore(%run_scoped3A : memref<!tpu.dma_semaphore, #tpu.memory_space<semaphore_mem>>) src(%arg9 : memref<128x128xf32, #tpu.memory_space<vmem>>) dst(%dma_wait3A_118 : memref<128x128xf32, #tpu.memory_space<hbm>>)
        tpu.yield
      }) : () -> ()
    } else {
    }
    %eq3A_83 = arith.constant 1 : i32
    %eq3A_84 = arith.cmpi eq, %arg0, %eq3A_83 : i32
    %convert_element_type3A_85 = arith.extui %eq3A_84 : i1 to i32
    %cond3A_86 = arith.constant 0 : i32
    %cond3A_87 = arith.cmpi ne, %convert_element_type3A_85, %cond3A_86 : i32
    scf.if %cond3A_87 {
      "tpu.region"() ({
        %run_scoped3A = tpu.sem_alloc : memref<!tpu.dma_semaphore, #tpu.memory_space<semaphore_mem>>
        %dma_start3A_112 = arith.constant 0 : i32
        %dma_start3A_113 = tpu.memref_slice %arg5[%add3A_77, %dma_start3A_112] : memref<10240x128xf32, #tpu.memory_space<hbm>> -> memref<128x128xf32, #tpu.memory_space<hbm>>
        %dma_start3A_114 = arith.constant 0 : i32
        %dma_start3A_115 = tpu.memref_slice %arg5[%add3A_77, %dma_start3A_114] : memref<10240x128xf32, #tpu.memory_space<hbm>> -> memref<128x128xf32, #tpu.memory_space<hbm>>
        tpu.enqueue_dma source(%arg9 : memref<128x128xf32, #tpu.memory_space<vmem>>) target(%dma_start3A_115 : memref<128x128xf32, #tpu.memory_space<hbm>>) target_semaphore(%run_scoped3A : memref<!tpu.dma_semaphore, #tpu.memory_space<semaphore_mem>>)
        %dma_wait3A = arith.constant 0 : i32
        %dma_wait3A_116 = tpu.memref_slice %arg5[%add3A_77, %dma_wait3A] : memref<10240x128xf32, #tpu.memory_space<hbm>> -> memref<128x128xf32, #tpu.memory_space<hbm>>
        %dma_wait3A_117 = arith.constant 0 : i32
        %dma_wait3A_118 = tpu.memref_slice %arg5[%add3A_77, %dma_wait3A_117] : memref<10240x128xf32, #tpu.memory_space<hbm>> -> memref<128x128xf32, #tpu.memory_space<hbm>>
        tpu.wait_dma2 semaphore(%run_scoped3A : memref<!tpu.dma_semaphore, #tpu.memory_space<semaphore_mem>>) src(%arg9 : memref<128x128xf32, #tpu.memory_space<vmem>>) dst(%dma_wait3A_118 : memref<128x128xf32, #tpu.memory_space<hbm>>)
        tpu.yield
      }) : () -> ()
    } else {
    }
    %add3A_88 = arith.constant 384 : i32
    %add3A_89 = arith.addi %mul3A_6, %add3A_88 : i32
    "tpu.region"() ({
      %run_scoped3A = tpu.sem_alloc : memref<!tpu.dma_semaphore, #tpu.memory_space<semaphore_mem>>
      %dma_start3A_112 = arith.constant 0 : i32
      %dma_start3A_113 = tpu.memref_slice %arg13[%add3A_89, %dma_start3A_112] : memref<10240x128xf32, #tpu.memory_space<vmem_shared>> -> memref<128x128xf32, #tpu.memory_space<vmem_shared>>
      %dma_start3A_114 = arith.constant 0 : i32
      %dma_start3A_115 = tpu.memref_slice %arg13[%add3A_89, %dma_start3A_114] : memref<10240x128xf32, #tpu.memory_space<vmem_shared>> -> memref<128x128xf32, #tpu.memory_space<vmem_shared>>
      tpu.enqueue_dma source(%dma_start3A_115 : memref<128x128xf32, #tpu.memory_space<vmem_shared>>) target(%arg10 : memref<128x128xf32, #tpu.memory_space<vmem>>) target_semaphore(%run_scoped3A : memref<!tpu.dma_semaphore, #tpu.memory_space<semaphore_mem>>)
      %dma_wait3A = arith.constant 0 : i32
      %dma_wait3A_116 = tpu.memref_slice %arg13[%add3A_89, %dma_wait3A] : memref<10240x128xf32, #tpu.memory_space<vmem_shared>> -> memref<128x128xf32, #tpu.memory_space<vmem_shared>>
      %dma_wait3A_117 = arith.constant 0 : i32
      %dma_wait3A_118 = tpu.memref_slice %arg13[%add3A_89, %dma_wait3A_117] : memref<10240x128xf32, #tpu.memory_space<vmem_shared>> -> memref<128x128xf32, #tpu.memory_space<vmem_shared>>
      tpu.wait_dma2 semaphore(%run_scoped3A : memref<!tpu.dma_semaphore, #tpu.memory_space<semaphore_mem>>) src(%dma_wait3A_118 : memref<128x128xf32, #tpu.memory_space<vmem_shared>>) dst(%arg10 : memref<128x128xf32, #tpu.memory_space<vmem>>)
      tpu.yield
    }) : () -> ()
    %eq3A_90 = arith.constant 0 : i32
    %eq3A_91 = arith.cmpi eq, %arg0, %eq3A_90 : i32
    %convert_element_type3A_92 = arith.extui %eq3A_91 : i1 to i32
    %cond3A_93 = arith.constant 0 : i32
    %cond3A_94 = arith.cmpi ne, %convert_element_type3A_92, %cond3A_93 : i32
    scf.if %cond3A_94 {
      "tpu.region"() ({
        %run_scoped3A = tpu.sem_alloc : memref<!tpu.dma_semaphore, #tpu.memory_space<semaphore_mem>>
        %dma_start3A_112 = arith.constant 0 : i32
        %dma_start3A_113 = tpu.memref_slice %arg6[%add3A_89, %dma_start3A_112] : memref<10240x128xf32, #tpu.memory_space<hbm>> -> memref<128x128xf32, #tpu.memory_space<hbm>>
        %dma_start3A_114 = arith.constant 0 : i32
        %dma_start3A_115 = tpu.memref_slice %arg6[%add3A_89, %dma_start3A_114] : memref<10240x128xf32, #tpu.memory_space<hbm>> -> memref<128x128xf32, #tpu.memory_space<hbm>>
        tpu.enqueue_dma source(%arg10 : memref<128x128xf32, #tpu.memory_space<vmem>>) target(%dma_start3A_115 : memref<128x128xf32, #tpu.memory_space<hbm>>) target_semaphore(%run_scoped3A : memref<!tpu.dma_semaphore, #tpu.memory_space<semaphore_mem>>)
        %dma_wait3A = arith.constant 0 : i32
        %dma_wait3A_116 = tpu.memref_slice %arg6[%add3A_89, %dma_wait3A] : memref<10240x128xf32, #tpu.memory_space<hbm>> -> memref<128x128xf32, #tpu.memory_space<hbm>>
        %dma_wait3A_117 = arith.constant 0 : i32
        %dma_wait3A_118 = tpu.memref_slice %arg6[%add3A_89, %dma_wait3A_117] : memref<10240x128xf32, #tpu.memory_space<hbm>> -> memref<128x128xf32, #tpu.memory_space<hbm>>
        tpu.wait_dma2 semaphore(%run_scoped3A : memref<!tpu.dma_semaphore, #tpu.memory_space<semaphore_mem>>) src(%arg10 : memref<128x128xf32, #tpu.memory_space<vmem>>) dst(%dma_wait3A_118 : memref<128x128xf32, #tpu.memory_space<hbm>>)
        tpu.yield
      }) : () -> ()
    } else {
    }
    %eq3A_95 = arith.constant 1 : i32
    %eq3A_96 = arith.cmpi eq, %arg0, %eq3A_95 : i32
    %convert_element_type3A_97 = arith.extui %eq3A_96 : i1 to i32
    %cond3A_98 = arith.constant 0 : i32
    %cond3A_99 = arith.cmpi ne, %convert_element_type3A_97, %cond3A_98 : i32
    scf.if %cond3A_99 {
      "tpu.region"() ({
        %run_scoped3A = tpu.sem_alloc : memref<!tpu.dma_semaphore, #tpu.memory_space<semaphore_mem>>
        %dma_start3A_112 = arith.constant 0 : i32
        %dma_start3A_113 = tpu.memref_slice %arg5[%add3A_89, %dma_start3A_112] : memref<10240x128xf32, #tpu.memory_space<hbm>> -> memref<128x128xf32, #tpu.memory_space<hbm>>
        %dma_start3A_114 = arith.constant 0 : i32
        %dma_start3A_115 = tpu.memref_slice %arg5[%add3A_89, %dma_start3A_114] : memref<10240x128xf32, #tpu.memory_space<hbm>> -> memref<128x128xf32, #tpu.memory_space<hbm>>
        tpu.enqueue_dma source(%arg10 : memref<128x128xf32, #tpu.memory_space<vmem>>) target(%dma_start3A_115 : memref<128x128xf32, #tpu.memory_space<hbm>>) target_semaphore(%run_scoped3A : memref<!tpu.dma_semaphore, #tpu.memory_space<semaphore_mem>>)
        %dma_wait3A = arith.constant 0 : i32
        %dma_wait3A_116 = tpu.memref_slice %arg5[%add3A_89, %dma_wait3A] : memref<10240x128xf32, #tpu.memory_space<hbm>> -> memref<128x128xf32, #tpu.memory_space<hbm>>
        %dma_wait3A_117 = arith.constant 0 : i32
        %dma_wait3A_118 = tpu.memref_slice %arg5[%add3A_89, %dma_wait3A_117] : memref<10240x128xf32, #tpu.memory_space<hbm>> -> memref<128x128xf32, #tpu.memory_space<hbm>>
        tpu.wait_dma2 semaphore(%run_scoped3A : memref<!tpu.dma_semaphore, #tpu.memory_space<semaphore_mem>>) src(%arg10 : memref<128x128xf32, #tpu.memory_space<vmem>>) dst(%dma_wait3A_118 : memref<128x128xf32, #tpu.memory_space<hbm>>)
        tpu.yield
      }) : () -> ()
    } else {
    }
    %add3A_100 = arith.constant 512 : i32
    %add3A_101 = arith.addi %mul3A_6, %add3A_100 : i32
    "tpu.region"() ({
      %run_scoped3A = tpu.sem_alloc : memref<!tpu.dma_semaphore, #tpu.memory_space<semaphore_mem>>
      %dma_start3A_112 = arith.constant 0 : i32
      %dma_start3A_113 = tpu.memref_slice %arg13[%add3A_101, %dma_start3A_112] : memref<10240x128xf32, #tpu.memory_space<vmem_shared>> -> memref<128x128xf32, #tpu.memory_space<vmem_shared>>
      %dma_start3A_114 = arith.constant 0 : i32
      %dma_start3A_115 = tpu.memref_slice %arg13[%add3A_101, %dma_start3A_114] : memref<10240x128xf32, #tpu.memory_space<vmem_shared>> -> memref<128x128xf32, #tpu.memory_space<vmem_shared>>
      tpu.enqueue_dma source(%dma_start3A_115 : memref<128x128xf32, #tpu.memory_space<vmem_shared>>) target(%arg9 : memref<128x128xf32, #tpu.memory_space<vmem>>) target_semaphore(%run_scoped3A : memref<!tpu.dma_semaphore, #tpu.memory_space<semaphore_mem>>)
      %dma_wait3A = arith.constant 0 : i32
      %dma_wait3A_116 = tpu.memref_slice %arg13[%add3A_101, %dma_wait3A] : memref<10240x128xf32, #tpu.memory_space<vmem_shared>> -> memref<128x128xf32, #tpu.memory_space<vmem_shared>>
      %dma_wait3A_117 = arith.constant 0 : i32
      %dma_wait3A_118 = tpu.memref_slice %arg13[%add3A_101, %dma_wait3A_117] : memref<10240x128xf32, #tpu.memory_space<vmem_shared>> -> memref<128x128xf32, #tpu.memory_space<vmem_shared>>
      tpu.wait_dma2 semaphore(%run_scoped3A : memref<!tpu.dma_semaphore, #tpu.memory_space<semaphore_mem>>) src(%dma_wait3A_118 : memref<128x128xf32, #tpu.memory_space<vmem_shared>>) dst(%arg9 : memref<128x128xf32, #tpu.memory_space<vmem>>)
      tpu.yield
    }) : () -> ()
    %eq3A_102 = arith.constant 0 : i32
    %eq3A_103 = arith.cmpi eq, %arg0, %eq3A_102 : i32
    %convert_element_type3A_104 = arith.extui %eq3A_103 : i1 to i32
    %cond3A_105 = arith.constant 0 : i32
    %cond3A_106 = arith.cmpi ne, %convert_element_type3A_104, %cond3A_105 : i32
    scf.if %cond3A_106 {
      "tpu.region"() ({
        %run_scoped3A = tpu.sem_alloc : memref<!tpu.dma_semaphore, #tpu.memory_space<semaphore_mem>>
        %dma_start3A_112 = arith.constant 0 : i32
        %dma_start3A_113 = tpu.memref_slice %arg6[%add3A_101, %dma_start3A_112] : memref<10240x128xf32, #tpu.memory_space<hbm>> -> memref<128x128xf32, #tpu.memory_space<hbm>>
        %dma_start3A_114 = arith.constant 0 : i32
        %dma_start3A_115 = tpu.memref_slice %arg6[%add3A_101, %dma_start3A_114] : memref<10240x128xf32, #tpu.memory_space<hbm>> -> memref<128x128xf32, #tpu.memory_space<hbm>>
        tpu.enqueue_dma source(%arg9 : memref<128x128xf32, #tpu.memory_space<vmem>>) target(%dma_start3A_115 : memref<128x128xf32, #tpu.memory_space<hbm>>) target_semaphore(%run_scoped3A : memref<!tpu.dma_semaphore, #tpu.memory_space<semaphore_mem>>)
        %dma_wait3A = arith.constant 0 : i32
        %dma_wait3A_116 = tpu.memref_slice %arg6[%add3A_101, %dma_wait3A] : memref<10240x128xf32, #tpu.memory_space<hbm>> -> memref<128x128xf32, #tpu.memory_space<hbm>>
        %dma_wait3A_117 = arith.constant 0 : i32
        %dma_wait3A_118 = tpu.memref_slice %arg6[%add3A_101, %dma_wait3A_117] : memref<10240x128xf32, #tpu.memory_space<hbm>> -> memref<128x128xf32, #tpu.memory_space<hbm>>
        tpu.wait_dma2 semaphore(%run_scoped3A : memref<!tpu.dma_semaphore, #tpu.memory_space<semaphore_mem>>) src(%arg9 : memref<128x128xf32, #tpu.memory_space<vmem>>) dst(%dma_wait3A_118 : memref<128x128xf32, #tpu.memory_space<hbm>>)
        tpu.yield
      }) : () -> ()
    } else {
    }
    %eq3A_107 = arith.constant 1 : i32
    %eq3A_108 = arith.cmpi eq, %arg0, %eq3A_107 : i32
    %convert_element_type3A_109 = arith.extui %eq3A_108 : i1 to i32
    %cond3A_110 = arith.constant 0 : i32
    %cond3A_111 = arith.cmpi ne, %convert_element_type3A_109, %cond3A_110 : i32
    scf.if %cond3A_111 {
      "tpu.region"() ({
        %run_scoped3A = tpu.sem_alloc : memref<!tpu.dma_semaphore, #tpu.memory_space<semaphore_mem>>
        %dma_start3A_112 = arith.constant 0 : i32
        %dma_start3A_113 = tpu.memref_slice %arg5[%add3A_101, %dma_start3A_112] : memref<10240x128xf32, #tpu.memory_space<hbm>> -> memref<128x128xf32, #tpu.memory_space<hbm>>
        %dma_start3A_114 = arith.constant 0 : i32
        %dma_start3A_115 = tpu.memref_slice %arg5[%add3A_101, %dma_start3A_114] : memref<10240x128xf32, #tpu.memory_space<hbm>> -> memref<128x128xf32, #tpu.memory_space<hbm>>
        tpu.enqueue_dma source(%arg9 : memref<128x128xf32, #tpu.memory_space<vmem>>) target(%dma_start3A_115 : memref<128x128xf32, #tpu.memory_space<hbm>>) target_semaphore(%run_scoped3A : memref<!tpu.dma_semaphore, #tpu.memory_space<semaphore_mem>>)
        %dma_wait3A = arith.constant 0 : i32
        %dma_wait3A_116 = tpu.memref_slice %arg5[%add3A_101, %dma_wait3A] : memref<10240x128xf32, #tpu.memory_space<hbm>> -> memref<128x128xf32, #tpu.memory_space<hbm>>
        %dma_wait3A_117 = arith.constant 0 : i32
        %dma_wait3A_118 = tpu.memref_slice %arg5[%add3A_101, %dma_wait3A_117] : memref<10240x128xf32, #tpu.memory_space<hbm>> -> memref<128x128xf32, #tpu.memory_space<hbm>>
        tpu.wait_dma2 semaphore(%run_scoped3A : memref<!tpu.dma_semaphore, #tpu.memory_space<semaphore_mem>>) src(%arg9 : memref<128x128xf32, #tpu.memory_space<vmem>>) dst(%dma_wait3A_118 : memref<128x128xf32, #tpu.memory_space<hbm>>)
        tpu.yield
      }) : () -> ()
    } else {
    }
    "tpu.trace_stop"() : () -> ()
    return
  }
}

module attributes {stable_mosaic.version = 14 : i64} {
  func.func @_pre_body(%arg0: i32, %arg1: memref<2x2560x128xf32, #tpu.memory_space<vmem>>, %arg2: memref<2560x128xf32, #tpu.memory_space<vmem>>, %arg3: memref<128x128xf32, #tpu.memory_space<vmem>>, %arg4: memref<2560x128xf32, #tpu.memory_space<vmem>>) attributes {dimension_semantics = [#tpu.dimension_semantics<arbitrary>], iteration_bounds = array<i64: 4>, scalar_prefetch = 0 : i64, scratch_operands = 0 : i64, tpu.core_type = #tpu.core_type<tc>, window_params = [{transform_indices = @transform_0, window_bounds = array<i64: 2, 2560, 128>}, {transform_indices = @transform_1, window_bounds = array<i64: 2560, 128>}, {pipeline_mode = #tpu.pipeline_mode<synchronous>, transform_indices = @transform_2, window_bounds = array<i64: 128, 128>}, {transform_indices = @transform_3, window_bounds = array<i64: 2560, 128>}]} {
    %get3A = arith.constant 0 : index
    %get3A_0 = arith.constant 0 : index
    %get3A_1 = arith.constant 0 : index
    %get3A_2 = vector.load %arg1[%get3A, %get3A_0, %get3A_1] : memref<2x2560x128xf32, #tpu.memory_space<vmem>>, vector<1x2560x1xf32>
    %get3A_3 = vector.shape_cast %get3A_2 : vector<1x2560x1xf32> to vector<2560x1xf32>
    %get3A_4 = arith.constant 1 : index
    %get3A_5 = arith.constant 0 : index
    %get3A_6 = arith.constant 0 : index
    %get3A_7 = vector.load %arg1[%get3A_4, %get3A_5, %get3A_6] : memref<2x2560x128xf32, #tpu.memory_space<vmem>>, vector<1x2560x1xf32>
    %get3A_8 = vector.shape_cast %get3A_7 : vector<1x2560x1xf32> to vector<2560x1xf32>
    %add3A = arith.addf %get3A_3, %get3A_8 : vector<2560x1xf32>
    %add3A_9 = arith.constant 1.000000e+00 : f32
    %add3A_10 = vector.broadcast %add3A_9 : f32 to vector<2560x1xf32>
    %add3A_11 = arith.addf %add3A, %add3A_10 : vector<2560x1xf32>
    %rsqrt3A = math.rsqrt %add3A_11 : vector<2560x1xf32>
    %get3A_12 = arith.constant 0 : index
    %get3A_13 = arith.constant 0 : index
    %get3A_14 = vector.load %arg2[%get3A_12, %get3A_13] : memref<2560x128xf32, #tpu.memory_space<vmem>>, vector<2560x128xf32>
    %get3A_15 = arith.constant 0 : index
    %get3A_16 = arith.constant 0 : index
    %get3A_17 = vector.load %arg3[%get3A_15, %get3A_16] : memref<128x128xf32, #tpu.memory_space<vmem>>, vector<128x128xf32>
    %dot_general3A = arith.constant dense<0.000000e+00> : vector<2560x128xf32>
    %dot_general3A_18 = tpu.matmul %get3A_14, %get3A_17, %dot_general3A {dimension_numbers = #tpu.dot_dimension_numbers<[1], [0], [0], [1], [0, 0, 1, 1], [], []>, transpose_lhs_hint = false} : vector<2560x128xf32>, vector<128x128xf32>, vector<2560x128xf32> -> vector<2560x128xf32>
    %mul3A = vector.broadcast %rsqrt3A : vector<2560x1xf32> to vector<2560x128xf32>
    %mul3A_19 = arith.mulf %dot_general3A_18, %mul3A : vector<2560x128xf32>
    %swap3A = arith.constant 0 : index
    %swap3A_20 = arith.constant 0 : index
    %swap3A_21 = vector.load %arg4[%swap3A, %swap3A_20] : memref<2560x128xf32, #tpu.memory_space<vmem>>, vector<2560x128xf32>
    tpu.vector_store %arg4[%swap3A, %swap3A_20], %mul3A_19 {strides = array<i32>} : memref<2560x128xf32, #tpu.memory_space<vmem>>, vector<2560x128xf32>,
    return
  }
  func.func @transform_0(%arg0: i32) -> (i32, i32, i32) {
    %c0_i32 = arith.constant 0 : i32
    %c0_i32_0 = arith.constant 0 : i32
    %c0_i32_1 = arith.constant 0 : i32
    return %c0_i32, %arg0, %c0_i32_0 : i32, i32, i32
  }
  func.func @transform_1(%arg0: i32) -> (i32, i32) {
    %c0_i32 = arith.constant 0 : i32
    %c0_i32_0 = arith.constant 0 : i32
    return %arg0, %c0_i32 : i32, i32
  }
  func.func @transform_2(%arg0: i32) -> (i32, i32) {
    %c0_i32 = arith.constant 0 : i32
    %c0_i32_0 = arith.constant 0 : i32
    %c0_i32_1 = arith.constant 0 : i32
    return %c0_i32, %c0_i32_0 : i32, i32
  }
  func.func @transform_3(%arg0: i32) -> (i32, i32) {
    %c0_i32 = arith.constant 0 : i32
    %c0_i32_0 = arith.constant 0 : i32
    return %arg0, %c0_i32 : i32, i32
  }
}

module attributes {stable_mosaic.version = 14 : i64} {
  func.func @_mid_body(%arg0: i32, %arg1: memref<2x2560x128xf32, #tpu.memory_space<vmem>>, %arg2: memref<2560x128xf32, #tpu.memory_space<vmem>>, %arg3: memref<2560x128xf32, #tpu.memory_space<vmem>>, %arg4: memref<2560x128xf32, #tpu.memory_space<vmem>>, %arg5: memref<1x128xf32, #tpu.memory_space<vmem>>, %arg6: memref<128x128xf32, #tpu.memory_space<vmem>>, %arg7: memref<2560x128xf32, #tpu.memory_space<vmem>>) attributes {dimension_semantics = [#tpu.dimension_semantics<arbitrary>], iteration_bounds = array<i64: 4>, scalar_prefetch = 0 : i64, scratch_operands = 0 : i64, tpu.core_type = #tpu.core_type<tc>, window_params = [{transform_indices = @transform_0, window_bounds = array<i64: 2, 2560, 128>}, {transform_indices = @transform_1, window_bounds = array<i64: 2560, 128>}, {transform_indices = @transform_2, window_bounds = array<i64: 2560, 128>}, {transform_indices = @transform_3, window_bounds = array<i64: 2560, 128>}, {pipeline_mode = #tpu.pipeline_mode<synchronous>, transform_indices = @transform_4, window_bounds = array<i64: 1, 128>}, {pipeline_mode = #tpu.pipeline_mode<synchronous>, transform_indices = @transform_5, window_bounds = array<i64: 128, 128>}, {transform_indices = @transform_6, window_bounds = array<i64: 2560, 128>}]} {
    %get3A = arith.constant 0 : index
    %get3A_0 = arith.constant 0 : index
    %get3A_1 = arith.constant 0 : index
    %get3A_2 = vector.load %arg1[%get3A, %get3A_0, %get3A_1] : memref<2x2560x128xf32, #tpu.memory_space<vmem>>, vector<1x2560x1xf32>
    %get3A_3 = vector.shape_cast %get3A_2 : vector<1x2560x1xf32> to vector<2560x1xf32>
    %get3A_4 = arith.constant 1 : index
    %get3A_5 = arith.constant 0 : index
    %get3A_6 = arith.constant 0 : index
    %get3A_7 = vector.load %arg1[%get3A_4, %get3A_5, %get3A_6] : memref<2x2560x128xf32, #tpu.memory_space<vmem>>, vector<1x2560x1xf32>
    %get3A_8 = vector.shape_cast %get3A_7 : vector<1x2560x1xf32> to vector<2560x1xf32>
    %add3A = arith.addf %get3A_3, %get3A_8 : vector<2560x1xf32>
    %add3A_9 = arith.constant 1.000000e+00 : f32
    %add3A_10 = vector.broadcast %add3A_9 : f32 to vector<2560x1xf32>
    %add3A_11 = arith.addf %add3A, %add3A_10 : vector<2560x1xf32>
    %rsqrt3A = math.rsqrt %add3A_11 : vector<2560x1xf32>
    %get3A_12 = arith.constant 0 : index
    %get3A_13 = arith.constant 0 : index
    %get3A_14 = vector.load %arg2[%get3A_12, %get3A_13] : memref<2560x128xf32, #tpu.memory_space<vmem>>, vector<2560x128xf32>
    %get3A_15 = arith.constant 0 : index
    %get3A_16 = arith.constant 0 : index
    %get3A_17 = vector.load %arg3[%get3A_15, %get3A_16] : memref<2560x128xf32, #tpu.memory_space<vmem>>, vector<2560x128xf32>
    %add3A_18 = arith.addf %get3A_14, %get3A_17 : vector<2560x128xf32>
    %get3A_19 = arith.constant 0 : index
    %get3A_20 = arith.constant 0 : index
    %get3A_21 = vector.load %arg4[%get3A_19, %get3A_20] : memref<2560x128xf32, #tpu.memory_space<vmem>>, vector<2560x128xf32>
    %add3A_22 = arith.addf %add3A_18, %get3A_21 : vector<2560x128xf32>
    %mul3A = vector.broadcast %rsqrt3A : vector<2560x1xf32> to vector<2560x128xf32>
    %mul3A_23 = arith.mulf %mul3A, %add3A_22 : vector<2560x128xf32>
    %get3A_24 = arith.constant 0 : index
    %get3A_25 = arith.constant 0 : index
    %get3A_26 = vector.load %arg5[%get3A_24, %get3A_25] : memref<1x128xf32, #tpu.memory_space<vmem>>, vector<1x128xf32>
    %add3A_27 = vector.broadcast %get3A_26 : vector<1x128xf32> to vector<2560x128xf32>
    %add3A_28 = arith.addf %mul3A_23, %add3A_27 : vector<2560x128xf32>
    %max3A = arith.constant 0.000000e+00 : f32
    %max3A_29 = vector.broadcast %max3A : f32 to vector<2560x128xf32>
    %max3A_30 = arith.maximumf %add3A_28, %max3A_29 : vector<2560x128xf32>
    %get3A_31 = arith.constant 0 : index
    %get3A_32 = arith.constant 0 : index
    %get3A_33 = vector.load %arg6[%get3A_31, %get3A_32] : memref<128x128xf32, #tpu.memory_space<vmem>>, vector<128x128xf32>
    %dot_general3A = arith.constant dense<0.000000e+00> : vector<2560x128xf32>
    %dot_general3A_34 = tpu.matmul %max3A_30, %get3A_33, %dot_general3A {dimension_numbers = #tpu.dot_dimension_numbers<[1], [0], [0], [1], [0, 0, 1, 1], [], []>, transpose_lhs_hint = false} : vector<2560x128xf32>, vector<128x128xf32>, vector<2560x128xf32> -> vector<2560x128xf32>
    %mul3A_35 = vector.broadcast %rsqrt3A : vector<2560x1xf32> to vector<2560x128xf32>
    %mul3A_36 = arith.mulf %dot_general3A_34, %mul3A_35 : vector<2560x128xf32>
    %swap3A = arith.constant 0 : index
    %swap3A_37 = arith.constant 0 : index
    %swap3A_38 = vector.load %arg7[%swap3A, %swap3A_37] : memref<2560x128xf32, #tpu.memory_space<vmem>>, vector<2560x128xf32>
    tpu.vector_store %arg7[%swap3A, %swap3A_37], %mul3A_36 {strides = array<i32>} : memref<2560x128xf32, #tpu.memory_space<vmem>>, vector<2560x128xf32>,
    return
  }
  func.func @transform_0(%arg0: i32) -> (i32, i32, i32) {
    %c0_i32 = arith.constant 0 : i32
    %c0_i32_0 = arith.constant 0 : i32
    %c0_i32_1 = arith.constant 0 : i32
    return %c0_i32, %arg0, %c0_i32_0 : i32, i32, i32
  }
  func.func @transform_1(%arg0: i32) -> (i32, i32) {
    %c0_i32 = arith.constant 0 : i32
    %c0_i32_0 = arith.constant 0 : i32
    return %arg0, %c0_i32 : i32, i32
  }
  func.func @transform_2(%arg0: i32) -> (i32, i32) {
    %c0_i32 = arith.constant 0 : i32
    %c0_i32_0 = arith.constant 0 : i32
    return %arg0, %c0_i32 : i32, i32
  }
  func.func @transform_3(%arg0: i32) -> (i32, i32) {
    %c0_i32 = arith.constant 0 : i32
    %c0_i32_0 = arith.constant 0 : i32
    return %arg0, %c0_i32 : i32, i32
  }
  func.func @transform_4(%arg0: i32) -> (i32, i32) {
    %c0_i32 = arith.constant 0 : i32
    %c0_i32_0 = arith.constant 0 : i32
    %c0_i32_1 = arith.constant 0 : i32
    return %c0_i32, %c0_i32_0 : i32, i32
  }
  func.func @transform_5(%arg0: i32) -> (i32, i32) {
    %c0_i32 = arith.constant 0 : i32
    %c0_i32_0 = arith.constant 0 : i32
    %c0_i32_1 = arith.constant 0 : i32
    return %c0_i32, %c0_i32_0 : i32, i32
  }
  func.func @transform_6(%arg0: i32) -> (i32, i32) {
    %c0_i32 = arith.constant 0 : i32
    %c0_i32_0 = arith.constant 0 : i32
    return %arg0, %c0_i32 : i32, i32
  }
}

module attributes {stable_mosaic.version = 14 : i64} {
  func.func @_fin_body(%arg0: i32, %arg1: memref<2x2560x128xf32, #tpu.memory_space<vmem>>, %arg2: memref<2560x128xf32, #tpu.memory_space<vmem>>, %arg3: memref<2560x128xf32, #tpu.memory_space<vmem>>, %arg4: memref<2560x128xf32, #tpu.memory_space<vmem>>, %arg5: memref<1x128xf32, #tpu.memory_space<vmem>>, %arg6: memref<2560x128xf32, #tpu.memory_space<vmem>>) attributes {dimension_semantics = [#tpu.dimension_semantics<arbitrary>], iteration_bounds = array<i64: 4>, scalar_prefetch = 0 : i64, scratch_operands = 0 : i64, tpu.core_type = #tpu.core_type<tc>, window_params = [{transform_indices = @transform_0, window_bounds = array<i64: 2, 2560, 128>}, {transform_indices = @transform_1, window_bounds = array<i64: 2560, 128>}, {transform_indices = @transform_2, window_bounds = array<i64: 2560, 128>}, {transform_indices = @transform_3, window_bounds = array<i64: 2560, 128>}, {pipeline_mode = #tpu.pipeline_mode<synchronous>, transform_indices = @transform_4, window_bounds = array<i64: 1, 128>}, {transform_indices = @transform_5, window_bounds = array<i64: 2560, 128>}]} {
    %get3A = arith.constant 0 : index
    %get3A_0 = arith.constant 0 : index
    %get3A_1 = arith.constant 0 : index
    %get3A_2 = vector.load %arg1[%get3A, %get3A_0, %get3A_1] : memref<2x2560x128xf32, #tpu.memory_space<vmem>>, vector<1x2560x1xf32>
    %get3A_3 = vector.shape_cast %get3A_2 : vector<1x2560x1xf32> to vector<2560x1xf32>
    %get3A_4 = arith.constant 1 : index
    %get3A_5 = arith.constant 0 : index
    %get3A_6 = arith.constant 0 : index
    %get3A_7 = vector.load %arg1[%get3A_4, %get3A_5, %get3A_6] : memref<2x2560x128xf32, #tpu.memory_space<vmem>>, vector<1x2560x1xf32>
    %get3A_8 = vector.shape_cast %get3A_7 : vector<1x2560x1xf32> to vector<2560x1xf32>
    %add3A = arith.addf %get3A_3, %get3A_8 : vector<2560x1xf32>
    %add3A_9 = arith.constant 1.000000e+00 : f32
    %add3A_10 = vector.broadcast %add3A_9 : f32 to vector<2560x1xf32>
    %add3A_11 = arith.addf %add3A, %add3A_10 : vector<2560x1xf32>
    %rsqrt3A = math.rsqrt %add3A_11 : vector<2560x1xf32>
    %get3A_12 = arith.constant 0 : index
    %get3A_13 = arith.constant 0 : index
    %get3A_14 = vector.load %arg2[%get3A_12, %get3A_13] : memref<2560x128xf32, #tpu.memory_space<vmem>>, vector<2560x128xf32>
    %get3A_15 = arith.constant 0 : index
    %get3A_16 = arith.constant 0 : index
    %get3A_17 = vector.load %arg3[%get3A_15, %get3A_16] : memref<2560x128xf32, #tpu.memory_space<vmem>>, vector<2560x128xf32>
    %add3A_18 = arith.addf %get3A_14, %get3A_17 : vector<2560x128xf32>
    %get3A_19 = arith.constant 0 : index
    %get3A_20 = arith.constant 0 : index
    %get3A_21 = vector.load %arg4[%get3A_19, %get3A_20] : memref<2560x128xf32, #tpu.memory_space<vmem>>, vector<2560x128xf32>
    %add3A_22 = arith.addf %add3A_18, %get3A_21 : vector<2560x128xf32>
    %mul3A = vector.broadcast %rsqrt3A : vector<2560x1xf32> to vector<2560x128xf32>
    %mul3A_23 = arith.mulf %mul3A, %add3A_22 : vector<2560x128xf32>
    %get3A_24 = arith.constant 0 : index
    %get3A_25 = arith.constant 0 : index
    %get3A_26 = vector.load %arg5[%get3A_24, %get3A_25] : memref<1x128xf32, #tpu.memory_space<vmem>>, vector<1x128xf32>
    %add3A_27 = vector.broadcast %get3A_26 : vector<1x128xf32> to vector<2560x128xf32>
    %add3A_28 = arith.addf %mul3A_23, %add3A_27 : vector<2560x128xf32>
    %swap3A = arith.constant 0 : index
    %swap3A_29 = arith.constant 0 : index
    %swap3A_30 = vector.load %arg6[%swap3A, %swap3A_29] : memref<2560x128xf32, #tpu.memory_space<vmem>>, vector<2560x128xf32>
    tpu.vector_store %arg6[%swap3A, %swap3A_29], %add3A_28 {strides = array<i32>} : memref<2560x128xf32, #tpu.memory_space<vmem>>, vector<2560x128xf32>,
    return
  }
  func.func @transform_0(%arg0: i32) -> (i32, i32, i32) {
    %c0_i32 = arith.constant 0 : i32
    %c0_i32_0 = arith.constant 0 : i32
    %c0_i32_1 = arith.constant 0 : i32
    return %c0_i32, %arg0, %c0_i32_0 : i32, i32, i32
  }
  func.func @transform_1(%arg0: i32) -> (i32, i32) {
    %c0_i32 = arith.constant 0 : i32
    %c0_i32_0 = arith.constant 0 : i32
    return %arg0, %c0_i32 : i32, i32
  }
  func.func @transform_2(%arg0: i32) -> (i32, i32) {
    %c0_i32 = arith.constant 0 : i32
    %c0_i32_0 = arith.constant 0 : i32
    return %arg0, %c0_i32 : i32, i32
  }
  func.func @transform_3(%arg0: i32) -> (i32, i32) {
    %c0_i32 = arith.constant 0 : i32
    %c0_i32_0 = arith.constant 0 : i32
    return %arg0, %c0_i32 : i32, i32
  }
  func.func @transform_4(%arg0: i32) -> (i32, i32) {
    %c0_i32 = arith.constant 0 : i32
    %c0_i32_0 = arith.constant 0 : i32
    %c0_i32_1 = arith.constant 0 : i32
    return %c0_i32, %c0_i32_0 : i32, i32
  }
  func.func @transform_5(%arg0: i32) -> (i32, i32) {
    %c0_i32 = arith.constant 0 : i32
    %c0_i32_0 = arith.constant 0 : i32
    return %arg0, %c0_i32 : i32, i32
  }
}

</mosaic_0001>

<sc_bundles>
// kernel: kernel.11.cloned.1.call-start
scs
__scs_entry_jumppad:
0x0: {  	(pc) =	sbr.rel $0x88, $3  }
0x1: {  	(tag) =	ssettag $0x0;
	lr =	simm.s32 $0x1  }
0x2: {  	[smem:$0x3F9B] =	sst lr;
	_ =	strace $0xD0000000  }
0x3: {  	_ = 	snop  }
0x4: {  	_ = 	snop  }
0x5: {  	_ = 	snop  }
0x6: {  	_ = 	snop  }
0x7: {  	_ = 	snop  }
__scs_overlays_trampoline_lowered:
0x8: {  	[smem:$0x3FAA] =	sst s0  }
0x9: {  	[smem:$0x3FAB] =	sst s1  }
0xa: {  	[smem:$0x3FAC] =	sst s2  }
0xb: {  	[smem:$0x3FAD] =	sst s3  }
0xc: {  	[smem:$0x3FAE] =	sst s4  }
0xd: {  	[smem:$0x3FAF] =	sst s5  }
0xe: {  	[smem:$0x3FB0] =	sst s6  }
0xf: {  	[smem:$0x3FB1] =	sst s7  }
0x10: {  	[smem:$0x3FB2] =	sst s8  }
0x11: {  	[smem:$0x3FB3] =	sst s9;
	s0 =	simm.s32 @!p0 $0x0  }
0x12: {  	s1 =	sld [smem:$0x3F99];
	s0 =	simm.s32 @p0 $0x1  }
0x13: {  	[smem:$0x3FB4] =	sst s0;
	s0 =	simm.s32 @!p1 $0x0  }
0x14: {  	s2 =	sld [smem:$0x3F98];
	s0 =	simm.s32 @p1 $0x1  }
0x15: {  	[smem:$0x3FB5] =	sst s0;
	s0 =	simm.s32 @!p2 $0x0  }
0x16: {  	s3 =	sld [smem:$0x3FDB];
	s0 =	simm.s32 @p2 $0x1  }
0x17: {  	s4 =	simm.s32 $0x1BF5;
	[smem:$0x3FB7] =	sst s0  }
0x18: {  	s0 =	sld [smem:$0x3F9A];
	_ =	swait.ge [sflag:s4], $0x0  }
0x19: {  	s7 =	sld [smem:$0x3F9B]  }
0x1a: {  	s8 =	sadd.s32 $0xFFFFE003, lr  }
0x1b: {  	s9 =	sadd.s32 $0xFFFFFEF7, lr;
	s5 =	simm.s32 $0xFFFFFFFF;
	p2 =	slt.u32 s8, $0xFFFFF086  }
0x1c: {  	p1 =	slt.u32 s9, $0xF7A;
	s5 =	simm.s32 @!p2 $0x0  }
0x1d: {  	s5 =	simm.s32 @p1 $0x1;
	p0 =	seq.s32 s7, s2  }
0x1e: {  	s7 =	smul.u32 @!p0 $0xF7A, s2;
	p2 =	seq.s32 @!p0 s5, $0x0  }
0x1f: {  	s9 =	smul.u32 $0xF7A, s1;
	s8 =	simm.s32 @!p0 $0x1BF5;
	p2 =	por !p2, p0  }
0x20: {  	[sflag:s8] =	ssyncset.s32 @!p0 $0xFFFFF086;
	s6 =	sadd.s32 @!p0 s3, s7;
	s7 =	simm.s32 @!p0 $0x108  }
0x21: {  	s3 =	sadd.s32 s3, s9;
	s6 =	sadd.s32 @!p0 $0x88, s6;
	s7 =	simm.s32 @p2 $0x1082  }
0x22: {  	[simem:s7], [sflag:s8] =	dma.local @!p0 [hbm:s6], $0xF7A  }
0x23: {  	s9 =	sor.u32 $0xD0000000, s2;
	s6 =	simm.s32 $0x108;
	_ =	swait.ge @!p0 [sflag:s8], $0x0  }
0x24: {  	s3 =	sadd.s32 $0x88, s3;
	s6 =	simm.s32 @!p1 $0x1082;
	[sflag:s4] =	ssyncset.s32 $0xFFFFF086  }
0x25: {  	[simem:s6], [sflag:s4] =	dma.local [hbm:s3], $0xF7A  }
0x26: {  	[smem:$0x3F9B] =	sst s1;
	(tag) =	ssettag s2;
	_ =	strace s9  }
0x27: {  	s1 =	sld [smem:$0x3FAB]  }
0x28: {  	s2 =	sld [smem:$0x3FAC]  }
0x29: {  	s4 =	sld [smem:$0x3FAE]  }
0x2a: {  	p0 =	seq.s32 s5, $0x0;
	s5 =	sld [smem:$0x3FAF]  }
0x2b: {  	s6 =	sld [smem:$0x3FB0]  }
0x2c: {  	s7 =	sld [smem:$0x3FB1]  }
0x2d: {  	s3 =	simm.s32 $0x108;
	s8 =	sld [smem:$0x3FB2]  }
0x2e: {  	s3 =	simm.s32 @!p0 $0x1082;
	s9 =	sld [smem:$0x3FB3]  }
0x2f: {  	lr =	sadd.s32 s0, s3;
	s0 =	sld [smem:$0x3FAA]  }
0x30: {  	s3 =	sld [smem:$0x3FAD]  }
0x31: {  	[smem:$0x3FB6] =	sst s10  }
0x32: {  	s10 =	sld [smem:$0x3FB4];
	_ =	sdelay $0x3  }
0x33: {  	p0 =	seq.s32 s10, $0x1;
	s10 =	sld [smem:$0x3FB6];
	_ =	sdelay $0x3  }
0x34: {  	[smem:$0x3FB6] =	sst s10  }
0x35: {  	s10 =	sld [smem:$0x3FB5];
	_ =	sdelay $0x3  }
0x36: {  	p1 =	seq.s32 s10, $0x1;
	s10 =	sld [smem:$0x3FB6];
	_ =	sdelay $0x3  }
0x37: {  	[smem:$0x3FB6] =	sst s10  }
0x38: {  	s10 =	sld [smem:$0x3FB7]  }
0x39: {  	_ = 	snop;
	(pc) =	sbr.ind lr, $3  }
0x3a: {  	_ = 	snop  }
0x3b: {  	_ = 	snop  }
0x3c: {  	p2 =	seq.s32 s10, $0x1;
	s10 =	sld [smem:$0x3FB6]  }
0x3d: {  	_ =	shalt  }
0x3e: {  	_ =	shalt  }
0x3f: {  	_ =	shalt  }
0x40: {  	_ =	shalt  }
0x41: {  	_ =	shalt  }
0x42: {  	_ =	shalt  }
0x43: {  	_ =	shalt  }
0x44: {  	_ =	shalt  }
0x45: {  	_ =	shalt  }
0x46: {  	_ =	shalt  }
0x47: {  	_ =	shalt  }
0x48: {  	_ =	shalt  }
0x49: {  	_ =	shalt  }
0x4a: {  	_ =	shalt  }
0x4b: {  	_ =	shalt  }
0x4c: {  	_ =	shalt  }
0x4d: {  	_ =	shalt  }
0x4e: {  	_ =	shalt  }
0x4f: {  	_ =	shalt  }
0x50: {  	_ =	shalt  }
0x51: {  	_ =	shalt  }
0x52: {  	_ =	shalt  }
0x53: {  	_ =	shalt  }
0x54: {  	_ =	shalt  }
0x55: {  	_ =	shalt  }
0x56: {  	_ =	shalt  }
0x57: {  	_ =	shalt  }
0x58: {  	_ =	shalt  }
0x59: {  	_ =	shalt  }
0x5a: {  	_ =	shalt  }
0x5b: {  	_ =	shalt  }
0x5c: {  	_ =	shalt  }
0x5d: {  	_ =	shalt  }
0x5e: {  	_ =	shalt  }
0x5f: {  	_ =	shalt  }
0x60: {  	_ =	shalt  }
0x61: {  	_ =	shalt  }
0x62: {  	_ =	shalt  }
0x63: {  	_ =	shalt  }
0x64: {  	_ =	shalt  }
0x65: {  	_ =	shalt  }
0x66: {  	_ =	shalt  }
0x67: {  	_ =	shalt  }
0x68: {  	_ =	shalt  }
0x69: {  	_ =	shalt  }
0x6a: {  	_ =	shalt  }
0x6b: {  	_ =	shalt  }
0x6c: {  	_ =	shalt  }
0x6d: {  	_ =	shalt  }
0x6e: {  	_ =	shalt  }
0x6f: {  	_ =	shalt  }
0x70: {  	_ =	shalt  }
0x71: {  	_ =	shalt  }
0x72: {  	_ =	shalt  }
0x73: {  	_ =	shalt  }
0x74: {  	_ =	shalt  }
0x75: {  	_ =	shalt  }
0x76: {  	_ =	shalt  }
0x77: {  	_ =	shalt  }
0x78: {  	_ =	shalt  }
0x79: {  	_ =	shalt  }
0x7a: {  	_ =	shalt  }
0x7b: {  	_ =	shalt  }
0x7c: {  	_ =	shalt  }
0x7d: {  	_ =	shalt  }
0x7e: {  	_ =	shalt  }
0x7f: {  	_ =	shalt  }
0x80: {  	_ =	shalt  }
0x81: {  	_ =	shalt  }
0x82: {  	_ =	shalt  }
0x83: {  	_ =	shalt  }
0x84: {  	_ =	shalt  }
0x85: {  	_ =	shalt  }
0x86: {  	_ =	shalt  }
0x87: {  	_ =	shalt  }
.Lfunc_end0:
.L_simem_size_0:
called_computation.1_lowered:
.L_overlay_start_0:
0x88: {  	s2 =	sld [smem:$0x3FD9]  }
0x89: {  	s3 =	sld [smem:$0x3FFE];
	_ =	sdelay $0x1  }
0x8a: {  	s1 =	srdreg.scid  }
0x8b: {  	s0 =	sand.u32 $0x1, s1  }
0x8c: {  	s17 =	sshll.u32 s0, $0xA;
	s2 =	sadd.s32 s3, s2  }
0x8d: {  	s2 =	sadd.s32 s2, s17  }
0x8e: {  	[smem:$0x3FC2] =	sst s2  }
0x8f: {  	_ = 	snop  }
0x90: {  	s2 =	sld [smem:$0x3FD0];
	(tm) =	ssettm $0x1  }
0x91: {  	s18 =	sld [smem:$0x3FFB];
	_ =	sdelay $0x3  }
0x92: {  	_ =	strace s18  }
0x93: {  	s3 =	sld [smem:$0x3FFC];
	_ =	sdelay $0x3  }
0x94: {  	_ =	strace s3  }
0x95: {  	s3 =	sld [smem:$0x3FFD];
	_ =	sdelay $0x3  }
0x96: {  	_ =	strace s3  }
0x97: {  	_ =	strace $0x8FFFFFFF  }
0x98: {  	s19 =	sld [smem:$0x3FDB];
	_ =	sdelay $0x1  }
0x99: {  	s4 =	simm.s32 $_scs_section_size  }
0x9a: {  	s5 =	simm.s32 $_size__tile_overlayer_lowered;
	s6 =	simm.s32 $_tile_overlayer_lowered  }
0x9b: {  	s22 =	simm.s32 $0x1BFF;
	s21 =	sshll.u32 s6, $0x1;
	s3 =	sadd.s32 s4, s19  }
0x9c: {  	s7 =	simm.s32 $0x0;
	s20 =	sshll.u32 s5, $0x1;
	s5 =	sadd.s32 s21, s3  }
0x9d: {  	[timem:s7], [sflag:s22] =	dma.local [hbm:s5], s20  }
0x9e: {  	_ =	swait.ge [sflag:s22], s20  }
0x9f: {  	s4 =	ssub.s32 $0x0, s20;
	[sflag:s22] =	ssyncset.done $0x0  }
0xa0: {  	[sflag:s22] =	ssyncadd.s32 s4;
	_ =	sdelay $0x1  }
0xa1: {  	s23 =	simm.s32 $0x1B8B  }
0xa2: {  	_ =	swait.ge [sflag:s23], $0x1  }
0xa3: {  	[sflag:s23] =	ssyncset.done $0x0  }
0xa4: {  	s25 =	simm.s32 $0x1B8E;
	s24 =	sld [smem:$0x3FFE];
	[sflag:s23] =	ssyncadd.s32 $0xFFFFFFFF  }
0xa5: {  	s26 =	simm.s32 $execute0_lowered;
	[smem:$0x3FD2] =	sst s25  }
0xa6: {  	s5 =	sshll.u32 s26, $0x1;
	_ =	strace $0x80000049;
	[dreg:$0x1] =	wrdreg $0xFFFFFFFF  }
0xa7: {  	s28 =	simm.s32 $_size_execute0_lowered;
	s3 =	sadd.s32 s3, s5;
	[dreg:$0x0] =	wrdreg $0x0  }
0xa8: {  	s5 =	sshll.u32 s28, $0x1;
	[dreg:$0x2] =	wrdreg s3  }
0xa9: {  	[dreg:$0x3] =	wrdreg s5  }
0xaa: {  	[dreg:$0x4] =	wrdreg $0xC0  }
0xab: {  	_ =	task [dreg:s7], $0x5FFFF  }
0xac: {  	[dreg:$0x1] =	wrdreg $0xFFFFFFFF  }
0xad: {  	[dreg:$0x0] =	wrdreg $0x60  }
0xae: {  	[dreg:$0x2] =	wrdreg s24  }
0xaf: {  	[dreg:$0x3] =	wrdreg s2  }
0xb0: {  	[dreg:$0x4] =	wrdreg $0xA8000  }
0xb1: {  	[dreg:$0x5] =	wrdreg $0x9  }
0xb2: {  	_ =	task.clear_ibuf [dreg:s7], $0x6FFFF;
	_ =	strace $0x90000049  }
0xb3: {  	s29 =	simm.s32 $0x9;
	_ =	strace $0x80000051  }
0xb4: {  	_ =	swait.ge [sflag:s29], $0x1  }
0xb5: {  	[sflag:s29] =	ssyncadd.s32 $0xFFFFFFFF  }
0xb6: {  	_ =	strace $0x90000051  }
0xb7: {  	_ =	sfence  }
0xb8: {  	s30 =	sld [smem:$0x0];
	_ =	sdelay $0x2  }
0xb9: {  	s31 =	sshll.u32 s1, $0xD;
	s1 =	sshrl.u32 s1, $0x2  }
0xba: {  	s3 =	sand.u32 $0x4000, s31;
	s1 =	sadd.s32 s1, s30  }
0xbb: {  	s0 =	sor.u32 s3, s0;
	s1 =	sshll.u32 s1, $0x11  }
0xbc: {  	s0 =	sor.u32 s1, s0  }
0xbd: {  	s0 =	sadd.s32 $0x8F2B, s0  }
0xbe: {  	[sflag:s0] =	ssyncadd.remote.s32 $0x1  }
0xbf: {  	_ =	sfence.sel $0xFFFF  }
0xc0: {  	[dreg:$0x0] =	wrdreg $0xFFFFFFFF;
	(pc) =	sbr.abs _section_cstart, $3  }
0xc1: {  	[dreg:$0x1] =	wrdreg $0xFFFFFFFF  }
0xc2: {  	_ =	task.clear_ibuf [dreg:s7], $0x2FFFF;
	_ =	strace $0x9FFFFFFF  }
0xc3: {  	(tm) =	ssettm $0x7FFFFFFF  }
tec
execute0_lowered:
.L_overlay_start_1:
0x0: {  	(tag) =	ssettag $0x1  }
0x1: {  	s0 =	rddreg [dreg:$0x0]  }
0x2: {  	s12 =	rddreg [dreg:$0x1]  }
0x3: {  	s1 =	rddreg [dreg:$0x2];
	s2 =	simm.s32 $0x0  }
0x4: {  	s5 =	srdreg.scid;
	s3 =	stileid.u32;
	s21 =	simm.s32 $0xAD600  }
0x5: {  	s28 =	simm.s32 $0x2700;
	s29 =	simm.s32 $0x2780;
	s30 =	simm.s32 $0x0  }
0x6: {  	[smem:$0x7FF] =	sst s2;
	s4 =	sadd.s32 $0x5D600, s0;
	s7 =	smul.u32 $0x280, s3  }
0x7: {  	s14 =	sand.u32 $0x1, s5;
	s13 =	sadd.s32 $0x3600, s0;
	s9 =	smul.u32 $0x50000, s3  }
0x8: {  	s31 =	smul.u32 $0x2800, s3;
	_ =	strace $0x8000004A;
	s5 =	ssub.s32 $0x2, s14  }
0x9: {  	s8 =	sshll.u32 s14, $0x4;
	p0 =	seq.s32 s14, $0x0;
	s6 =	sshrl.u32 s5, $0x1  }
0xa: {  	s8 =	sor.u32 s3, s8;
	s16 =	sadd.s32 $0x80, s7;
	s22 =	sshrl.u32 s9, $0x2  }
0xb: {  	s17 =	sadd.s32 $0x100, s7;
	s18 =	sadd.s32 $0x180, s7;
	s19 =	sadd.s32 $0x200, s7  }
0xc: {  	s21 =	simm.s32 @!p0 $0x85600;
	s15 =	ssub.s32 s5, s6;
	s23 =	sshll.u32 s16, $0x7  }
0xd: {  	s5 =	sadd.s32 s22, s1;
	s24 =	sshll.u32 s17, $0x7;
	s10 =	smul.u32 $0x2800, s8  }
0xe: {  	s25 =	sshll.u32 s18, $0x7;
	s26 =	sshll.u32 s19, $0x7;
	s16 =	sshll.u32 s16, $0x4  }
0xf: {  	s17 =	sshll.u32 s17, $0x4;
	s18 =	sshll.u32 s18, $0x4;
	s19 =	sshll.u32 s19, $0x4  }
0x10: {  	s0 =	sadd.s32 s21, s0;
	s21 =	simm.s32 $0x3;
	s22 =	simm.s32 $0x1400  }
0x11: {  	s6 =	sadd.s32 s23, s1;
	s7 =	sadd.s32 s24, s1;
	s8 =	sadd.s32 s25, s1  }
0x12: {  	s9 =	sadd.s32 s26, s1;
	s14 =	smax.u32 s15, $0x1;
	s15 =	sadd.s32 s0, s31  }
0x13: {  	s16 =	sadd.s32 s0, s16;
	s17 =	sadd.s32 s0, s17;
	s18 =	sadd.s32 s0, s18  }
0x14: {  	s19 =	sadd.s32 s0, s19;
	s23 =	simm.s32 $0x80;
	s24 =	simm.s32 $0x6800  }
0x15: {  	s25 =	simm.s32 $0x1;
	s26 =	simm.s32 $0x2;
	s20 =	sshrl.u32 s10, $0x3  }
0x16: {  	s10 =	sadd.s32 s12, s20;
	s11 =	sadd.s32 s13, s20;
	s20 =	sadd.s32 $0x280, s20  }
0x17: {  	v0 =	vimm.f32 $0.0e+00;
	s12 =	sadd.s32 s12, s20;
	s13 =	sadd.s32 s13, s20;
	s20 =	simm.s32 $0x2800  }
.LBB2_1:
0x18: {  	s31 =	simm.s32 $0x0;
	s0 =	simm.s32 $0x200  }
.LBB2_2:
0x19: {  	p0 =	sne.s32 s0, $0xFE00;
	[tilespmem:s31+$0x2870] =	vst v0  }
0x1a: {  	[tilespmem:s31+$0x2800] =	vst v0  }
0x1b: {  	[tilespmem:s31+$0x2810] =	vst v0  }
.Ltmp0:
0x1c: {  	[tilespmem:s31+$0x2820] =	vst v0;
	(pc) =	sbr.rel @p0 .LBB2_2-.Ltmp0, $4  }
0x1d: {  	[tilespmem:s31+$0x2830] =	vst v0  }
0x1e: {  	[tilespmem:s31+$0x2840] =	vst v0  }
0x1f: {  	[tilespmem:s31+$0x2850] =	vst v0  }
0x20: {  	[tilespmem:s31+$0x2860] =	vst v0;
	s31 =	sshra.s32 s0, $0x2;
	s0 =	sadd.s32 $0x200, s0  }
0x21: {  	[tilespmem:s31+$0x2870] =	vst v0  }
0x22: {  	[tilespmem:s31+$0x2800] =	vst v0  }
0x23: {  	[tilespmem:s31+$0x2810] =	vst v0  }
0x24: {  	[tilespmem:s31+$0x2820] =	vst v0  }
0x25: {  	[tilespmem:s31+$0x2830] =	vst v0  }
0x26: {  	[tilespmem:s31+$0x2840] =	vst v0  }
0x27: {  	[tilespmem:s31+$0x2850] =	vst v0  }
0x28: {  	[tilespmem:s31+$0x2860] =	vst v0  }
0x29: {  	_ =	strace $0x8000004B  }
0x2a: {  	[spmem:s5] =	stream.linear.scatter [tilespmem:s20], [sflag:$0x3], $0x4000, $0x200038;
	[tilespmem:$0x1E800] =	vst v63  }
0x2b: {  	_ =	swait.ge [sflag:s21], $0x4000  }
0x2c: {  	[sflag:s21] =	ssyncset.done $0x0  }
0x2d: {  	[sflag:s21] =	ssyncadd.s32 $0xFFFFC000  }
0x2e: {  	[spmem:s6] =	stream.linear.scatter [tilespmem:s20], [sflag:$0x3], $0x4000, $0x200038;
	[tilespmem:$0x1E800] =	vst v63  }
0x2f: {  	_ =	swait.ge [sflag:s21], $0x4000  }
0x30: {  	[sflag:s21] =	ssyncset.done $0x0  }
0x31: {  	[sflag:s21] =	ssyncadd.s32 $0xFFFFC000  }
0x32: {  	[spmem:s7] =	stream.linear.scatter [tilespmem:s20], [sflag:$0x3], $0x4000, $0x200038;
	[tilespmem:$0x1E800] =	vst v63  }
0x33: {  	_ =	swait.ge [sflag:s21], $0x4000  }
0x34: {  	[sflag:s21] =	ssyncset.done $0x0  }
0x35: {  	[sflag:s21] =	ssyncadd.s32 $0xFFFFC000  }
0x36: {  	[spmem:s8] =	stream.linear.scatter [tilespmem:s20], [sflag:$0x3], $0x4000, $0x200038;
	[tilespmem:$0x1E800] =	vst v63  }
0x37: {  	_ =	swait.ge [sflag:s21], $0x4000  }
0x38: {  	[sflag:s21] =	ssyncset.done $0x0  }
0x39: {  	[sflag:s21] =	ssyncadd.s32 $0xFFFFC000  }
0x3a: {  	[spmem:s9] =	stream.linear.scatter [tilespmem:s20], [sflag:$0x3], $0x4000, $0x200038;
	[tilespmem:$0x1E800] =	vst v63  }
0x3b: {  	_ =	swait.ge [sflag:s21], $0x4000  }
0x3c: {  	[sflag:s21] =	ssyncset.done $0x0  }
0x3d: {  	[sflag:s21] =	ssyncadd.s32 $0xFFFFC000  }
0x3e: {  	[bflag:$0x0] =	sbarrier.arrive $0xFFFF  }
0x3f: {  	_ =	strace $0x9000004B  }
0x40: {  	s0 =	simm.s32 $0x0;
	_ =	strace $0x8000004C  }
0x41: {  	[tilespmem:s0], [sflag:$0x3] =	stream.linear.gather [hbm4b:s10+s0], $0x1400, $0x200038;
	[tilespmem:$0x1E800] =	vst v63  }
0x42: {  	_ =	swait.ge [sflag:s21], $0x1400  }
0x43: {  	[sflag:s21] =	ssyncset.done $0x0  }
0x44: {  	[sflag:s21] =	ssyncadd.s32 $0xFFFFEC00  }
0x45: {  	[tilespmem:s22], [sflag:$0x3] =	stream.linear.gather [hbm4b:s11+s0], $0x1400, $0x200038;
	[tilespmem:$0x1E800] =	vst v63  }
0x46: {  	_ =	swait.ge [sflag:s21], $0x1400  }
0x47: {  	[sflag:s21] =	ssyncset.done $0x0  }
0x48: {  	[sflag:s21] =	ssyncadd.s32 $0xFFFFEC00  }
0x49: {  	_ =	strace $0x9000004C  }
0x4a: {  	_ =	strace $0x8000004D  }
0x4b: {  	[tilespmem:s20], [sflag:$0x1] =	stream.indirect.gather [hbm4b:s4+s23], $0x80, s0, s23, $0x2000b8;
	[tilespmem:$0x1E800] =	vst v63  }
0x4c: {  	_ = 	snop  }
0x4d: {  	[tilespmem:s24], [sflag:$0x2] =	stream.indirect.gather [hbm4b:s4+s23], $0x80, s23, s23, $0x2000b8;
	[tilespmem:$0x1E800] =	vst v63  }
0x4e: {  	_ =	swait.ge [sflag:s25], $0x4000  }
0x4f: {  	[sflag:s25] =	ssyncset.done $0x0  }
0x50: {  	s3 =	simm.s32 $0x1400;
	[sflag:s25] =	ssyncadd.s32 $0xFFFFC000  }
0x51: {  	[spmem:s1] =	stream.indirect.scatter.add.f32 [tilespmem:s20], [sflag:$0x3], $0x80, s3, s23, $0x2000b8;
	[tilespmem:$0x1E800] =	vst v63  }
0x52: {  	_ =	swait.ge [sflag:s21], $0x4000  }
0x53: {  	[sflag:s21] =	ssyncset.done $0x0  }
0x54: {  	s3 =	simm.s32 $0x100;
	[sflag:s21] =	ssyncadd.s32 $0xFFFFC000  }
0x55: {  	[tilespmem:s20], [sflag:$0x1] =	stream.indirect.gather [hbm4b:s4+s23], $0x80, s3, s23, $0x2000b8;
	[tilespmem:$0x1E800] =	vst v63  }
0x56: {  	_ =	swait.ge [sflag:s26], $0x4000  }
0x57: {  	[sflag:s26] =	ssyncset.done $0x0  }
0x58: {  	s3 =	simm.s32 $0x1480;
	[sflag:s26] =	ssyncadd.s32 $0xFFFFC000  }
0x59: {  	[spmem:s1] =	stream.indirect.scatter.add.f32 [tilespmem:s24], [sflag:$0x3], $0x80, s3, s23, $0x2000b8;
	[tilespmem:$0x1E800] =	vst v63  }
0x5a: {  	_ =	swait.ge [sflag:s21], $0x4000  }
0x5b: {  	[sflag:s21] =	ssyncset.done $0x0  }
0x5c: {  	s31 =	simm.s32 $0x400;
	s0 =	simm.s32 $0x180;
	[sflag:s21] =	ssyncadd.s32 $0xFFFFC000  }
.LBB2_4:
0x5d: {  	[tilespmem:s24], [sflag:$0x2] =	stream.indirect.gather [hbm4b:s4+s23], $0x80, s0, s23, $0x2000b8;
	[tilespmem:$0x1E800] =	vst v63  }
0x5e: {  	s0 =	smov.u32 s31  }
0x5f: {  	p0 =	sne.s32 s31, $0x4800;
	s31 =	sadd.s32 $0x400, s31;
	_ =	swait.ge [sflag:s25], $0x4000  }
0x60: {  	s0 =	sshra.s32 s0, $0x2;
	[sflag:s25] =	ssyncset.done $0x0  }
0x61: {  	s3 =	sadd.s32 $0x1400, s0;
	[sflag:s25] =	ssyncadd.s32 $0xFFFFC000  }
0x62: {  	[spmem:s1] =	stream.indirect.scatter.add.f32 [tilespmem:s20], [sflag:$0x3], $0x80, s3, s23, $0x2000b8;
	[tilespmem:$0x1E800] =	vst v63  }
0x63: {  	_ =	swait.ge [sflag:s21], $0x4000  }
0x64: {  	[sflag:s21] =	ssyncset.done $0x0  }
0x65: {  	s3 =	sadd.s32 $0x100, s0;
	[sflag:s21] =	ssyncadd.s32 $0xFFFFC000  }
0x66: {  	[tilespmem:s20], [sflag:$0x1] =	stream.indirect.gather [hbm4b:s4+s23], $0x80, s3, s23, $0x2000b8;
	[tilespmem:$0x1E800] =	vst v63  }
0x67: {  	_ =	swait.ge [sflag:s26], $0x4000  }
0x68: {  	[sflag:s26] =	ssyncset.done $0x0  }
.Ltmp1:
0x69: {  	s3 =	sadd.s32 $0x1480, s0;
	[sflag:s26] =	ssyncadd.s32 $0xFFFFC000;
	(pc) =	sbr.rel @p0 .LBB2_4-.Ltmp1, $4  }
0x6a: {  	[spmem:s1] =	stream.indirect.scatter.add.f32 [tilespmem:s24], [sflag:$0x3], $0x80, s3, s23, $0x2000b8;
	[tilespmem:$0x1E800] =	vst v63  }
0x6b: {  	_ =	swait.ge [sflag:s21], $0x4000  }
0x6c: {  	[sflag:s21] =	ssyncset.done $0x0  }
0x6d: {  	s0 =	sadd.s32 $0x180, s0;
	[sflag:s21] =	ssyncadd.s32 $0xFFFFC000  }
0x6e: {  	[tilespmem:s24], [sflag:$0x2] =	stream.indirect.gather [hbm4b:s4+s23], $0x80, s0, s23, $0x2000b8;
	[tilespmem:$0x1E800] =	vst v63  }
0x6f: {  	_ =	swait.ge [sflag:s25], $0x4000  }
0x70: {  	[sflag:s25] =	ssyncset.done $0x0  }
0x71: {  	[sflag:s25] =	ssyncadd.s32 $0xFFFFC000  }
0x72: {  	[spmem:s1] =	stream.indirect.scatter.add.f32 [tilespmem:s20], [sflag:$0x3], $0x80, s28, s23, $0x2000b8;
	[tilespmem:$0x1E800] =	vst v63  }
0x73: {  	_ =	swait.ge [sflag:s21], $0x4000  }
0x74: {  	[sflag:s21] =	ssyncset.done $0x0  }
0x75: {  	[sflag:s21] =	ssyncadd.s32 $0xFFFFC000  }
0x76: {  	_ =	swait.ge [sflag:s26], $0x4000  }
0x77: {  	[sflag:s26] =	ssyncset.done $0x0  }
0x78: {  	[sflag:s26] =	ssyncadd.s32 $0xFFFFC000  }
0x79: {  	[spmem:s1] =	stream.indirect.scatter.add.f32 [tilespmem:s24], [sflag:$0x3], $0x80, s29, s23, $0x2000b8;
	[tilespmem:$0x1E800] =	vst v63  }
0x7a: {  	_ =	swait.ge [sflag:s21], $0x4000  }
0x7b: {  	[sflag:s21] =	ssyncset.done $0x0  }
0x7c: {  	[sflag:s21] =	ssyncadd.s32 $0xFFFFC000  }
0x7d: {  	_ =	strace $0x9000004D  }
0x7e: {  	s3 =	simm.s32 $0x0;
	_ =	strace $0x8000004E  }
0x7f: {  	[tilespmem:s3], [sflag:$0x3] =	stream.linear.gather [hbm4b:s12+s3], $0x1400, $0x200038;
	[tilespmem:$0x1E800] =	vst v63  }
0x80: {  	_ =	swait.ge [sflag:s21], $0x1400  }
0x81: {  	[sflag:s21] =	ssyncset.done $0x0  }
0x82: {  	[sflag:s21] =	ssyncadd.s32 $0xFFFFEC00  }
0x83: {  	[tilespmem:s22], [sflag:$0x3] =	stream.linear.gather [hbm4b:s13+s3], $0x1400, $0x200038;
	[tilespmem:$0x1E800] =	vst v63  }
0x84: {  	_ =	swait.ge [sflag:s21], $0x1400  }
0x85: {  	[sflag:s21] =	ssyncset.done $0x0  }
0x86: {  	[sflag:s21] =	ssyncadd.s32 $0xFFFFEC00  }
0x87: {  	_ =	strace $0x9000004E  }
0x88: {  	_ =	strace $0x8000004F  }
0x89: {  	[tilespmem:s20], [sflag:$0x1] =	stream.indirect.gather [hbm4b:s4+s23], $0x80, s3, s23, $0x2000b8;
	[tilespmem:$0x1E800] =	vst v63  }
0x8a: {  	_ = 	snop  }
0x8b: {  	[tilespmem:s24], [sflag:$0x2] =	stream.indirect.gather [hbm4b:s4+s23], $0x80, s23, s23, $0x2000b8;
	[tilespmem:$0x1E800] =	vst v63  }
0x8c: {  	_ =	swait.ge [sflag:s25], $0x4000  }
0x8d: {  	[sflag:s25] =	ssyncset.done $0x0  }
0x8e: {  	s3 =	simm.s32 $0x1400;
	[sflag:s25] =	ssyncadd.s32 $0xFFFFC000  }
0x8f: {  	[spmem:s1] =	stream.indirect.scatter.add.f32 [tilespmem:s20], [sflag:$0x3], $0x80, s3, s23, $0x2000b8;
	[tilespmem:$0x1E800] =	vst v63  }
0x90: {  	_ =	swait.ge [sflag:s21], $0x4000  }
0x91: {  	[sflag:s21] =	ssyncset.done $0x0  }
0x92: {  	s3 =	simm.s32 $0x100;
	[sflag:s21] =	ssyncadd.s32 $0xFFFFC000  }
0x93: {  	[tilespmem:s20], [sflag:$0x1] =	stream.indirect.gather [hbm4b:s4+s23], $0x80, s3, s23, $0x2000b8;
	[tilespmem:$0x1E800] =	vst v63  }
0x94: {  	_ =	swait.ge [sflag:s26], $0x4000  }
0x95: {  	[sflag:s26] =	ssyncset.done $0x0  }
0x96: {  	s3 =	simm.s32 $0x1480;
	[sflag:s26] =	ssyncadd.s32 $0xFFFFC000  }
0x97: {  	[spmem:s1] =	stream.indirect.scatter.add.f32 [tilespmem:s24], [sflag:$0x3], $0x80, s3, s23, $0x2000b8;
	[tilespmem:$0x1E800] =	vst v63  }
0x98: {  	_ =	swait.ge [sflag:s21], $0x4000  }
0x99: {  	[sflag:s21] =	ssyncset.done $0x0  }
0x9a: {  	s31 =	simm.s32 $0x400;
	s0 =	simm.s32 $0x180;
	[sflag:s21] =	ssyncadd.s32 $0xFFFFC000  }
.LBB2_6:
0x9b: {  	[tilespmem:s24], [sflag:$0x2] =	stream.indirect.gather [hbm4b:s4+s23], $0x80, s0, s23, $0x2000b8;
	[tilespmem:$0x1E800] =	vst v63  }
0x9c: {  	s0 =	smov.u32 s31  }
0x9d: {  	p0 =	sne.s32 s31, $0x4800;
	s31 =	sadd.s32 $0x400, s31;
	_ =	swait.ge [sflag:s25], $0x4000  }
0x9e: {  	s0 =	sshra.s32 s0, $0x2;
	[sflag:s25] =	ssyncset.done $0x0  }
0x9f: {  	s3 =	sadd.s32 $0x1400, s0;
	[sflag:s25] =	ssyncadd.s32 $0xFFFFC000  }
0xa0: {  	[spmem:s1] =	stream.indirect.scatter.add.f32 [tilespmem:s20], [sflag:$0x3], $0x80, s3, s23, $0x2000b8;
	[tilespmem:$0x1E800] =	vst v63  }
0xa1: {  	_ =	swait.ge [sflag:s21], $0x4000  }
0xa2: {  	[sflag:s21] =	ssyncset.done $0x0  }
0xa3: {  	s3 =	sadd.s32 $0x100, s0;
	[sflag:s21] =	ssyncadd.s32 $0xFFFFC000  }
0xa4: {  	[tilespmem:s20], [sflag:$0x1] =	stream.indirect.gather [hbm4b:s4+s23], $0x80, s3, s23, $0x2000b8;
	[tilespmem:$0x1E800] =	vst v63  }
0xa5: {  	_ =	swait.ge [sflag:s26], $0x4000  }
0xa6: {  	[sflag:s26] =	ssyncset.done $0x0  }
.Ltmp2:
0xa7: {  	s3 =	sadd.s32 $0x1480, s0;
	[sflag:s26] =	ssyncadd.s32 $0xFFFFC000;
	(pc) =	sbr.rel @p0 .LBB2_6-.Ltmp2, $4  }
0xa8: {  	[spmem:s1] =	stream.indirect.scatter.add.f32 [tilespmem:s24], [sflag:$0x3], $0x80, s3, s23, $0x2000b8;
	[tilespmem:$0x1E800] =	vst v63  }
0xa9: {  	_ =	swait.ge [sflag:s21], $0x4000  }
0xaa: {  	[sflag:s21] =	ssyncset.done $0x0  }
0xab: {  	s0 =	sadd.s32 $0x180, s0;
	[sflag:s21] =	ssyncadd.s32 $0xFFFFC000  }
0xac: {  	[tilespmem:s24], [sflag:$0x2] =	stream.indirect.gather [hbm4b:s4+s23], $0x80, s0, s23, $0x2000b8;
	[tilespmem:$0x1E800] =	vst v63  }
0xad: {  	_ =	swait.ge [sflag:s25], $0x4000  }
0xae: {  	[sflag:s25] =	ssyncset.done $0x0  }
0xaf: {  	[sflag:s25] =	ssyncadd.s32 $0xFFFFC000  }
0xb0: {  	[spmem:s1] =	stream.indirect.scatter.add.f32 [tilespmem:s20], [sflag:$0x3], $0x80, s28, s23, $0x2000b8;
	[tilespmem:$0x1E800] =	vst v63  }
0xb1: {  	_ =	swait.ge [sflag:s21], $0x4000  }
0xb2: {  	[sflag:s21] =	ssyncset.done $0x0  }
0xb3: {  	[sflag:s21] =	ssyncadd.s32 $0xFFFFC000  }
0xb4: {  	_ =	swait.ge [sflag:s26], $0x4000  }
0xb5: {  	[sflag:s26] =	ssyncset.done $0x0  }
0xb6: {  	[sflag:s26] =	ssyncadd.s32 $0xFFFFC000  }
0xb7: {  	[spmem:s1] =	stream.indirect.scatter.add.f32 [tilespmem:s24], [sflag:$0x3], $0x80, s29, s23, $0x2000b8;
	[tilespmem:$0x1E800] =	vst v63  }
0xb8: {  	_ =	swait.ge [sflag:s21], $0x4000  }
0xb9: {  	[sflag:s21] =	ssyncset.done $0x0  }
0xba: {  	[sflag:s21] =	ssyncadd.s32 $0xFFFFC000  }
0xbb: {  	_ =	strace $0x9000004F  }
0xbc: {  	_ =	strace $0x80000050  }
0xbd: {  	[bflag:$0x0] =	sbarrier.arrive $0xFFFF  }
0xbe: {  	[tilespmem:s20], [sflag:$0x3] =	stream.linear.gather [spmem:s5], $0x4000, $0x200038;
	[tilespmem:$0x1E800] =	vst v63  }
0xbf: {  	_ =	swait.ge [sflag:s21], $0x4000  }
0xc0: {  	[sflag:s21] =	ssyncset.done $0x0  }
0xc1: {  	[sflag:s21] =	ssyncadd.s32 $0xFFFFC000  }
0xc2: {  	[hbm4b:s15+s2] =	stream.linear.scatter [tilespmem:s20], [sflag:$0x3], $0x4000, $0x200038;
	[tilespmem:$0x1E800] =	vst v63  }
0xc3: {  	_ =	swait.ge [sflag:s21], $0x4000  }
0xc4: {  	[sflag:s21] =	ssyncset.done $0x0  }
0xc5: {  	[sflag:s21] =	ssyncadd.s32 $0xFFFFC000  }
0xc6: {  	[tilespmem:s24], [sflag:$0x3] =	stream.linear.gather [spmem:s6], $0x4000, $0x200038;
	[tilespmem:$0x1E800] =	vst v63  }
0xc7: {  	_ =	swait.ge [sflag:s21], $0x4000  }
0xc8: {  	[sflag:s21] =	ssyncset.done $0x0  }
0xc9: {  	[sflag:s21] =	ssyncadd.s32 $0xFFFFC000  }
0xca: {  	[hbm4b:s16+s2] =	stream.linear.scatter [tilespmem:s24], [sflag:$0x3], $0x4000, $0x200038;
	[tilespmem:$0x1E800] =	vst v63  }
0xcb: {  	_ =	swait.ge [sflag:s21], $0x4000  }
0xcc: {  	[sflag:s21] =	ssyncset.done $0x0  }
0xcd: {  	[sflag:s21] =	ssyncadd.s32 $0xFFFFC000  }
0xce: {  	[tilespmem:s20], [sflag:$0x3] =	stream.linear.gather [spmem:s7], $0x4000, $0x200038;
	[tilespmem:$0x1E800] =	vst v63  }
0xcf: {  	_ =	swait.ge [sflag:s21], $0x4000  }
0xd0: {  	[sflag:s21] =	ssyncset.done $0x0  }
0xd1: {  	[sflag:s21] =	ssyncadd.s32 $0xFFFFC000  }
0xd2: {  	[hbm4b:s17+s2] =	stream.linear.scatter [tilespmem:s20], [sflag:$0x3], $0x4000, $0x200038;
	[tilespmem:$0x1E800] =	vst v63  }
0xd3: {  	_ =	swait.ge [sflag:s21], $0x4000  }
0xd4: {  	[sflag:s21] =	ssyncset.done $0x0  }
0xd5: {  	[sflag:s21] =	ssyncadd.s32 $0xFFFFC000  }
0xd6: {  	[tilespmem:s24], [sflag:$0x3] =	stream.linear.gather [spmem:s8], $0x4000, $0x200038;
	[tilespmem:$0x1E800] =	vst v63  }
0xd7: {  	_ =	swait.ge [sflag:s21], $0x4000  }
0xd8: {  	[sflag:s21] =	ssyncset.done $0x0  }
0xd9: {  	[sflag:s21] =	ssyncadd.s32 $0xFFFFC000  }
0xda: {  	[hbm4b:s18+s2] =	stream.linear.scatter [tilespmem:s24], [sflag:$0x3], $0x4000, $0x200038;
	[tilespmem:$0x1E800] =	vst v63  }
0xdb: {  	_ =	swait.ge [sflag:s21], $0x4000  }
0xdc: {  	[sflag:s21] =	ssyncset.done $0x0  }
0xdd: {  	[sflag:s21] =	ssyncadd.s32 $0xFFFFC000  }
0xde: {  	[tilespmem:s20], [sflag:$0x3] =	stream.linear.gather [spmem:s9], $0x4000, $0x200038;
	[tilespmem:$0x1E800] =	vst v63  }
0xdf: {  	_ =	swait.ge [sflag:s21], $0x4000  }
0xe0: {  	s30 =	sadd.s32 $0x1, s30;
	[sflag:s21] =	ssyncset.done $0x0  }
0xe1: {  	p0 =	sne.s32 s30, s14;
	[sflag:s21] =	ssyncadd.s32 $0xFFFFC000  }
0xe2: {  	[hbm4b:s19+s2] =	stream.linear.scatter [tilespmem:s20], [sflag:$0x3], $0x4000, $0x200038;
	[tilespmem:$0x1E800] =	vst v63  }
.Ltmp3:
0xe3: {  	_ = 	snop;
	(pc) =	sbr.rel @p0 .LBB2_1-.Ltmp3, $4  }
0xe4: {  	_ =	swait.ge [sflag:s21], $0x4000  }
0xe5: {  	[sflag:s21] =	ssyncset.done $0x0  }
0xe6: {  	[sflag:s21] =	ssyncadd.s32 $0xFFFFC000  }
0xe7: {  	_ =	strace $0x90000050  }
0xe8: {  	_ =	sfence.sel $0x180000  }
0xe9: {  	[bflag:$0x0] =	sbarrier.arrive $0xFFFF  }
0xea: {  	_ =	strace $0x9000004A  }
0xeb: {  	s0 =	stileid.u32;
	[bflag:$0x2] =	sbarrier.arrive $0xFFFF  }
0xec: {  	p0 =	sne.s32 s0, $0x0;
	s0 =	rddreg [dreg:$0x3]  }
0xed: {  	s0 =	sadd.s32 @!p0 $0x100000, s0  }
0xee: {  	[sflag:s0] =	ssyncadd.tile.s32 @!p0 $0x1;
	_ =	shalt  }
.Lfunc_end2:
_tile_overlayer_lowered:
.L_overlay_start_2:
0xef: {  	(tag) =	ssettag $0x2  }
0xf0: {  	s0 =	rddreg [dreg:$0x0];
	s2 =	stileid.u32  }
0xf1: {  	s1 =	rddreg [dreg:$0x1];
	p0 =	sne.s32 s2, $0x0  }
0xf2: {  	s3 =	rddreg [dreg:$0x2];
	[bflag:$0x3] =	sbarrier.arrive $0xFFFF;
	s2 =	simm.s32 @!p0 $0x1C03  }
0xf3: {  	[timem:s3], [sflag:s2] =	dma.local @!p0 [hbm:s0], s1  }
0xf4: {  	s0 =	simm.s32 @!p0 $0x3  }
0xf5: {  	_ =	swait.ge @!p0 [sflag:s0], s1  }
0xf6: {  	s1 =	ssub.s32 @!p0 $0x0, s1;
	[sflag:s0] =	ssyncset.done @!p0 $0x0  }
0xf7: {  	[sflag:s0] =	ssyncadd.s32 @!p0 s1  }
0xf8: {  	[bflag:$0x3] =	sbarrier.arrive $0xFFFF  }
0xf9: {  	_ =	shalt  }

// kernel: kernel.14.cloned.1.call-start
scs
__scs_entry_jumppad:
0x0: {  	(pc) =	sbr.rel $0x88, $3  }
0x1: {  	(tag) =	ssettag $0x0;
	lr =	simm.s32 $0x1  }
0x2: {  	[smem:$0x3F9B] =	sst lr;
	_ =	strace $0xD0000000  }
0x3: {  	_ = 	snop  }
0x4: {  	_ = 	snop  }
0x5: {  	_ = 	snop  }
0x6: {  	_ = 	snop  }
0x7: {  	_ = 	snop  }
__scs_overlays_trampoline_lowered:
0x8: {  	[smem:$0x3FAA] =	sst s0  }
0x9: {  	[smem:$0x3FAB] =	sst s1  }
0xa: {  	[smem:$0x3FAC] =	sst s2  }
0xb: {  	[smem:$0x3FAD] =	sst s3  }
0xc: {  	[smem:$0x3FAE] =	sst s4  }
0xd: {  	[smem:$0x3FAF] =	sst s5  }
0xe: {  	[smem:$0x3FB0] =	sst s6  }
0xf: {  	[smem:$0x3FB1] =	sst s7  }
0x10: {  	[smem:$0x3FB2] =	sst s8  }
0x11: {  	[smem:$0x3FB3] =	sst s9;
	s0 =	simm.s32 @!p0 $0x0  }
0x12: {  	s1 =	sld [smem:$0x3F99];
	s0 =	simm.s32 @p0 $0x1  }
0x13: {  	[smem:$0x3FB4] =	sst s0;
	s0 =	simm.s32 @!p1 $0x0  }
0x14: {  	s2 =	sld [smem:$0x3F98];
	s0 =	simm.s32 @p1 $0x1  }
0x15: {  	[smem:$0x3FB5] =	sst s0;
	s0 =	simm.s32 @!p2 $0x0  }
0x16: {  	s3 =	sld [smem:$0x3FDB];
	s0 =	simm.s32 @p2 $0x1  }
0x17: {  	s4 =	simm.s32 $0x1BF5;
	[smem:$0x3FB7] =	sst s0  }
0x18: {  	s0 =	sld [smem:$0x3F9A];
	_ =	swait.ge [sflag:s4], $0x0  }
0x19: {  	s7 =	sld [smem:$0x3F9B]  }
0x1a: {  	s8 =	sadd.s32 $0xFFFFE003, lr  }
0x1b: {  	s9 =	sadd.s32 $0xFFFFFEF7, lr;
	s5 =	simm.s32 $0xFFFFFFFF;
	p2 =	slt.u32 s8, $0xFFFFF086  }
0x1c: {  	p1 =	slt.u32 s9, $0xF7A;
	s5 =	simm.s32 @!p2 $0x0  }
0x1d: {  	s5 =	simm.s32 @p1 $0x1;
	p0 =	seq.s32 s7, s2  }
0x1e: {  	s7 =	smul.u32 @!p0 $0xF7A, s2;
	p2 =	seq.s32 @!p0 s5, $0x0  }
0x1f: {  	s9 =	smul.u32 $0xF7A, s1;
	s8 =	simm.s32 @!p0 $0x1BF5;
	p2 =	por !p2, p0  }
0x20: {  	[sflag:s8] =	ssyncset.s32 @!p0 $0xFFFFF086;
	s6 =	sadd.s32 @!p0 s3, s7;
	s7 =	simm.s32 @!p0 $0x108  }
0x21: {  	s3 =	sadd.s32 s3, s9;
	s6 =	sadd.s32 @!p0 $0x88, s6;
	s7 =	simm.s32 @p2 $0x1082  }
0x22: {  	[simem:s7], [sflag:s8] =	dma.local @!p0 [hbm:s6], $0xF7A  }
0x23: {  	s9 =	sor.u32 $0xD0000000, s2;
	s6 =	simm.s32 $0x108;
	_ =	swait.ge @!p0 [sflag:s8], $0x0  }
0x24: {  	s3 =	sadd.s32 $0x88, s3;
	s6 =	simm.s32 @!p1 $0x1082;
	[sflag:s4] =	ssyncset.s32 $0xFFFFF086  }
0x25: {  	[simem:s6], [sflag:s4] =	dma.local [hbm:s3], $0xF7A  }
0x26: {  	[smem:$0x3F9B] =	sst s1;
	(tag) =	ssettag s2;
	_ =	strace s9  }
0x27: {  	s1 =	sld [smem:$0x3FAB]  }
0x28: {  	s2 =	sld [smem:$0x3FAC]  }
0x29: {  	s4 =	sld [smem:$0x3FAE]  }
0x2a: {  	p0 =	seq.s32 s5, $0x0;
	s5 =	sld [smem:$0x3FAF]  }
0x2b: {  	s6 =	sld [smem:$0x3FB0]  }
0x2c: {  	s7 =	sld [smem:$0x3FB1]  }
0x2d: {  	s3 =	simm.s32 $0x108;
	s8 =	sld [smem:$0x3FB2]  }
0x2e: {  	s3 =	simm.s32 @!p0 $0x1082;
	s9 =	sld [smem:$0x3FB3]  }
0x2f: {  	lr =	sadd.s32 s0, s3;
	s0 =	sld [smem:$0x3FAA]  }
0x30: {  	s3 =	sld [smem:$0x3FAD]  }
0x31: {  	[smem:$0x3FB6] =	sst s10  }
0x32: {  	s10 =	sld [smem:$0x3FB4];
	_ =	sdelay $0x3  }
0x33: {  	p0 =	seq.s32 s10, $0x1;
	s10 =	sld [smem:$0x3FB6];
	_ =	sdelay $0x3  }
0x34: {  	[smem:$0x3FB6] =	sst s10  }
0x35: {  	s10 =	sld [smem:$0x3FB5];
	_ =	sdelay $0x3  }
0x36: {  	p1 =	seq.s32 s10, $0x1;
	s10 =	sld [smem:$0x3FB6];
	_ =	sdelay $0x3  }
0x37: {  	[smem:$0x3FB6] =	sst s10  }
0x38: {  	s10 =	sld [smem:$0x3FB7]  }
0x39: {  	_ = 	snop;
	(pc) =	sbr.ind lr, $3  }
0x3a: {  	_ = 	snop  }
0x3b: {  	_ = 	snop  }
0x3c: {  	p2 =	seq.s32 s10, $0x1;
	s10 =	sld [smem:$0x3FB6]  }
0x3d: {  	_ =	shalt  }
0x3e: {  	_ =	shalt  }
0x3f: {  	_ =	shalt  }
0x40: {  	_ =	shalt  }
0x41: {  	_ =	shalt  }
0x42: {  	_ =	shalt  }
0x43: {  	_ =	shalt  }
0x44: {  	_ =	shalt  }
0x45: {  	_ =	shalt  }
0x46: {  	_ =	shalt  }
0x47: {  	_ =	shalt  }
0x48: {  	_ =	shalt  }
0x49: {  	_ =	shalt  }
0x4a: {  	_ =	shalt  }
0x4b: {  	_ =	shalt  }
0x4c: {  	_ =	shalt  }
0x4d: {  	_ =	shalt  }
0x4e: {  	_ =	shalt  }
0x4f: {  	_ =	shalt  }
0x50: {  	_ =	shalt  }
0x51: {  	_ =	shalt  }
0x52: {  	_ =	shalt  }
0x53: {  	_ =	shalt  }
0x54: {  	_ =	shalt  }
0x55: {  	_ =	shalt  }
0x56: {  	_ =	shalt  }
0x57: {  	_ =	shalt  }
0x58: {  	_ =	shalt  }
0x59: {  	_ =	shalt  }
0x5a: {  	_ =	shalt  }
0x5b: {  	_ =	shalt  }
0x5c: {  	_ =	shalt  }
0x5d: {  	_ =	shalt  }
0x5e: {  	_ =	shalt  }
0x5f: {  	_ =	shalt  }
0x60: {  	_ =	shalt  }
0x61: {  	_ =	shalt  }
0x62: {  	_ =	shalt  }
0x63: {  	_ =	shalt  }
0x64: {  	_ =	shalt  }
0x65: {  	_ =	shalt  }
0x66: {  	_ =	shalt  }
0x67: {  	_ =	shalt  }
0x68: {  	_ =	shalt  }
0x69: {  	_ =	shalt  }
0x6a: {  	_ =	shalt  }
0x6b: {  	_ =	shalt  }
0x6c: {  	_ =	shalt  }
0x6d: {  	_ =	shalt  }
0x6e: {  	_ =	shalt  }
0x6f: {  	_ =	shalt  }
0x70: {  	_ =	shalt  }
0x71: {  	_ =	shalt  }
0x72: {  	_ =	shalt  }
0x73: {  	_ =	shalt  }
0x74: {  	_ =	shalt  }
0x75: {  	_ =	shalt  }
0x76: {  	_ =	shalt  }
0x77: {  	_ =	shalt  }
0x78: {  	_ =	shalt  }
0x79: {  	_ =	shalt  }
0x7a: {  	_ =	shalt  }
0x7b: {  	_ =	shalt  }
0x7c: {  	_ =	shalt  }
0x7d: {  	_ =	shalt  }
0x7e: {  	_ =	shalt  }
0x7f: {  	_ =	shalt  }
0x80: {  	_ =	shalt  }
0x81: {  	_ =	shalt  }
0x82: {  	_ =	shalt  }
0x83: {  	_ =	shalt  }
0x84: {  	_ =	shalt  }
0x85: {  	_ =	shalt  }
0x86: {  	_ =	shalt  }
0x87: {  	_ =	shalt  }
.Lfunc_end0:
.L_simem_size_0:
called_computation.2_lowered:
.L_overlay_start_0:
0x88: {  	s2 =	sld [smem:$0x3FD9]  }
0x89: {  	s3 =	sld [smem:$0x3FFE];
	_ =	sdelay $0x1  }
0x8a: {  	s1 =	srdreg.scid  }
0x8b: {  	s0 =	sand.u32 $0x1, s1  }
0x8c: {  	s17 =	sshll.u32 s0, $0xA;
	s2 =	sadd.s32 s3, s2  }
0x8d: {  	s2 =	sadd.s32 s2, s17  }
0x8e: {  	[smem:$0x3FC2] =	sst s2  }
0x8f: {  	_ = 	snop  }
0x90: {  	s2 =	sld [smem:$0x3FD0];
	(tm) =	ssettm $0x1  }
0x91: {  	s18 =	sld [smem:$0x3FFB];
	_ =	sdelay $0x3  }
0x92: {  	_ =	strace s18  }
0x93: {  	s3 =	sld [smem:$0x3FFC];
	_ =	sdelay $0x3  }
0x94: {  	_ =	strace s3  }
0x95: {  	s3 =	sld [smem:$0x3FFD];
	_ =	sdelay $0x3  }
0x96: {  	_ =	strace s3  }
0x97: {  	_ =	strace $0x8FFFFFFF  }
0x98: {  	s19 =	sld [smem:$0x3FDB];
	_ =	sdelay $0x1  }
0x99: {  	s4 =	simm.s32 $_scs_section_size  }
0x9a: {  	s5 =	simm.s32 $_size__tile_overlayer_lowered;
	s6 =	simm.s32 $_tile_overlayer_lowered  }
0x9b: {  	s22 =	simm.s32 $0x1BFF;
	s21 =	sshll.u32 s6, $0x1;
	s3 =	sadd.s32 s4, s19  }
0x9c: {  	s7 =	simm.s32 $0x0;
	s20 =	sshll.u32 s5, $0x1;
	s5 =	sadd.s32 s21, s3  }
0x9d: {  	[timem:s7], [sflag:s22] =	dma.local [hbm:s5], s20  }
0x9e: {  	_ =	swait.ge [sflag:s22], s20  }
0x9f: {  	s4 =	ssub.s32 $0x0, s20;
	[sflag:s22] =	ssyncset.done $0x0  }
0xa0: {  	[sflag:s22] =	ssyncadd.s32 s4;
	_ =	sdelay $0x1  }
0xa1: {  	s23 =	simm.s32 $0x1B8B  }
0xa2: {  	_ =	swait.ge [sflag:s23], $0x1  }
0xa3: {  	[sflag:s23] =	ssyncset.done $0x0  }
0xa4: {  	s25 =	simm.s32 $0x1B8E;
	s24 =	sld [smem:$0x3FFE];
	[sflag:s23] =	ssyncadd.s32 $0xFFFFFFFF  }
0xa5: {  	s26 =	simm.s32 $execute0_lowered;
	[smem:$0x3FD2] =	sst s25  }
0xa6: {  	s5 =	sshll.u32 s26, $0x1;
	_ =	strace $0x80000052;
	[dreg:$0x1] =	wrdreg $0xFFFFFFFF  }
0xa7: {  	s28 =	simm.s32 $_size_execute0_lowered;
	s3 =	sadd.s32 s3, s5;
	[dreg:$0x0] =	wrdreg $0x0  }
0xa8: {  	s5 =	sshll.u32 s28, $0x1;
	[dreg:$0x2] =	wrdreg s3  }
0xa9: {  	[dreg:$0x3] =	wrdreg s5  }
0xaa: {  	[dreg:$0x4] =	wrdreg $0xC0  }
0xab: {  	_ =	task [dreg:s7], $0x5FFFF  }
0xac: {  	[dreg:$0x1] =	wrdreg $0xFFFFFFFF  }
0xad: {  	[dreg:$0x0] =	wrdreg $0x60  }
0xae: {  	[dreg:$0x2] =	wrdreg s24  }
0xaf: {  	[dreg:$0x3] =	wrdreg s2  }
0xb0: {  	[dreg:$0x4] =	wrdreg $0xA8000  }
0xb1: {  	[dreg:$0x5] =	wrdreg $0x9  }
0xb2: {  	_ =	task.clear_ibuf [dreg:s7], $0x6FFFF;
	_ =	strace $0x90000052  }
0xb3: {  	s29 =	simm.s32 $0x9;
	_ =	strace $0x8000005A  }
0xb4: {  	_ =	swait.ge [sflag:s29], $0x1  }
0xb5: {  	[sflag:s29] =	ssyncadd.s32 $0xFFFFFFFF  }
0xb6: {  	_ =	strace $0x9000005A  }
0xb7: {  	_ =	sfence  }
0xb8: {  	s30 =	sld [smem:$0x0];
	_ =	sdelay $0x2  }
0xb9: {  	s31 =	sshll.u32 s1, $0xD;
	s1 =	sshrl.u32 s1, $0x2  }
0xba: {  	s3 =	sand.u32 $0x4000, s31;
	s1 =	sadd.s32 s1, s30  }
0xbb: {  	s0 =	sor.u32 s3, s0;
	s1 =	sshll.u32 s1, $0x11  }
0xbc: {  	s0 =	sor.u32 s1, s0  }
0xbd: {  	s0 =	sadd.s32 $0x8F2B, s0  }
0xbe: {  	[sflag:s0] =	ssyncadd.remote.s32 $0x1  }
0xbf: {  	_ =	sfence.sel $0xFFFF  }
0xc0: {  	[dreg:$0x0] =	wrdreg $0xFFFFFFFF;
	(pc) =	sbr.abs _section_cstart, $3  }
0xc1: {  	[dreg:$0x1] =	wrdreg $0xFFFFFFFF  }
0xc2: {  	_ =	task.clear_ibuf [dreg:s7], $0x2FFFF;
	_ =	strace $0x9FFFFFFF  }
0xc3: {  	(tm) =	ssettm $0x7FFFFFFF  }
tec
execute0_lowered:
.L_overlay_start_1:
0x0: {  	(tag) =	ssettag $0x1  }
0x1: {  	s0 =	rddreg [dreg:$0x0]  }
0x2: {  	s12 =	rddreg [dreg:$0x1]  }
0x3: {  	s1 =	rddreg [dreg:$0x2];
	s2 =	simm.s32 $0x0  }
0x4: {  	s5 =	srdreg.scid;
	s3 =	stileid.u32;
	s21 =	simm.s32 $0xAD600  }
0x5: {  	s28 =	simm.s32 $0x2700;
	s29 =	simm.s32 $0x2780;
	s30 =	simm.s32 $0x0  }
0x6: {  	[smem:$0x7FF] =	sst s2;
	s4 =	sadd.s32 $0x5D600, s0;
	s7 =	smul.u32 $0x280, s3  }
0x7: {  	s14 =	sand.u32 $0x1, s5;
	s13 =	sadd.s32 $0x3600, s0;
	s9 =	smul.u32 $0x50000, s3  }
0x8: {  	s31 =	smul.u32 $0x2800, s3;
	_ =	strace $0x80000053;
	s5 =	ssub.s32 $0x2, s14  }
0x9: {  	s8 =	sshll.u32 s14, $0x4;
	p0 =	seq.s32 s14, $0x0;
	s6 =	sshrl.u32 s5, $0x1  }
0xa: {  	s8 =	sor.u32 s3, s8;
	s16 =	sadd.s32 $0x80, s7;
	s22 =	sshrl.u32 s9, $0x2  }
0xb: {  	s17 =	sadd.s32 $0x100, s7;
	s18 =	sadd.s32 $0x180, s7;
	s19 =	sadd.s32 $0x200, s7  }
0xc: {  	s21 =	simm.s32 @!p0 $0x85600;
	s15 =	ssub.s32 s5, s6;
	s23 =	sshll.u32 s16, $0x7  }
0xd: {  	s5 =	sadd.s32 s22, s1;
	s24 =	sshll.u32 s17, $0x7;
	s10 =	smul.u32 $0x2800, s8  }
0xe: {  	s25 =	sshll.u32 s18, $0x7;
	s26 =	sshll.u32 s19, $0x7;
	s16 =	sshll.u32 s16, $0x4  }
0xf: {  	s17 =	sshll.u32 s17, $0x4;
	s18 =	sshll.u32 s18, $0x4;
	s19 =	sshll.u32 s19, $0x4  }
0x10: {  	s0 =	sadd.s32 s21, s0;
	s21 =	simm.s32 $0x3;
	s22 =	simm.s32 $0x1400  }
0x11: {  	s6 =	sadd.s32 s23, s1;
	s7 =	sadd.s32 s24, s1;
	s8 =	sadd.s32 s25, s1  }
0x12: {  	s9 =	sadd.s32 s26, s1;
	s14 =	smax.u32 s15, $0x1;
	s15 =	sadd.s32 s0, s31  }
0x13: {  	s16 =	sadd.s32 s0, s16;
	s17 =	sadd.s32 s0, s17;
	s18 =	sadd.s32 s0, s18  }
0x14: {  	s19 =	sadd.s32 s0, s19;
	s23 =	simm.s32 $0x80;
	s24 =	simm.s32 $0x6800  }
0x15: {  	s25 =	simm.s32 $0x1;
	s26 =	simm.s32 $0x2;
	s20 =	sshrl.u32 s10, $0x3  }
0x16: {  	s10 =	sadd.s32 s12, s20;
	s11 =	sadd.s32 s13, s20;
	s20 =	sadd.s32 $0x280, s20  }
0x17: {  	v0 =	vimm.f32 $0.0e+00;
	s12 =	sadd.s32 s12, s20;
	s13 =	sadd.s32 s13, s20;
	s20 =	simm.s32 $0x2800  }
.LBB2_1:
0x18: {  	s31 =	simm.s32 $0x0;
	s0 =	simm.s32 $0x200  }
.LBB2_2:
0x19: {  	p0 =	sne.s32 s0, $0xFE00;
	[tilespmem:s31+$0x2870] =	vst v0  }
0x1a: {  	[tilespmem:s31+$0x2800] =	vst v0  }
0x1b: {  	[tilespmem:s31+$0x2810] =	vst v0  }
.Ltmp0:
0x1c: {  	[tilespmem:s31+$0x2820] =	vst v0;
	(pc) =	sbr.rel @p0 .LBB2_2-.Ltmp0, $4  }
0x1d: {  	[tilespmem:s31+$0x2830] =	vst v0  }
0x1e: {  	[tilespmem:s31+$0x2840] =	vst v0  }
0x1f: {  	[tilespmem:s31+$0x2850] =	vst v0  }
0x20: {  	[tilespmem:s31+$0x2860] =	vst v0;
	s31 =	sshra.s32 s0, $0x2;
	s0 =	sadd.s32 $0x200, s0  }
0x21: {  	[tilespmem:s31+$0x2870] =	vst v0  }
0x22: {  	[tilespmem:s31+$0x2800] =	vst v0  }
0x23: {  	[tilespmem:s31+$0x2810] =	vst v0  }
0x24: {  	[tilespmem:s31+$0x2820] =	vst v0  }
0x25: {  	[tilespmem:s31+$0x2830] =	vst v0  }
0x26: {  	[tilespmem:s31+$0x2840] =	vst v0  }
0x27: {  	[tilespmem:s31+$0x2850] =	vst v0  }
0x28: {  	[tilespmem:s31+$0x2860] =	vst v0  }
0x29: {  	_ =	strace $0x80000054  }
0x2a: {  	[spmem:s5] =	stream.linear.scatter [tilespmem:s20], [sflag:$0x3], $0x4000, $0x200038;
	[tilespmem:$0x1E800] =	vst v63  }
0x2b: {  	_ =	swait.ge [sflag:s21], $0x4000  }
0x2c: {  	[sflag:s21] =	ssyncset.done $0x0  }
0x2d: {  	[sflag:s21] =	ssyncadd.s32 $0xFFFFC000  }
0x2e: {  	[spmem:s6] =	stream.linear.scatter [tilespmem:s20], [sflag:$0x3], $0x4000, $0x200038;
	[tilespmem:$0x1E800] =	vst v63  }
0x2f: {  	_ =	swait.ge [sflag:s21], $0x4000  }
0x30: {  	[sflag:s21] =	ssyncset.done $0x0  }
0x31: {  	[sflag:s21] =	ssyncadd.s32 $0xFFFFC000  }
0x32: {  	[spmem:s7] =	stream.linear.scatter [tilespmem:s20], [sflag:$0x3], $0x4000, $0x200038;
	[tilespmem:$0x1E800] =	vst v63  }
0x33: {  	_ =	swait.ge [sflag:s21], $0x4000  }
0x34: {  	[sflag:s21] =	ssyncset.done $0x0  }
0x35: {  	[sflag:s21] =	ssyncadd.s32 $0xFFFFC000  }
0x36: {  	[spmem:s8] =	stream.linear.scatter [tilespmem:s20], [sflag:$0x3], $0x4000, $0x200038;
	[tilespmem:$0x1E800] =	vst v63  }
0x37: {  	_ =	swait.ge [sflag:s21], $0x4000  }
0x38: {  	[sflag:s21] =	ssyncset.done $0x0  }
0x39: {  	[sflag:s21] =	ssyncadd.s32 $0xFFFFC000  }
0x3a: {  	[spmem:s9] =	stream.linear.scatter [tilespmem:s20], [sflag:$0x3], $0x4000, $0x200038;
	[tilespmem:$0x1E800] =	vst v63  }
0x3b: {  	_ =	swait.ge [sflag:s21], $0x4000  }
0x3c: {  	[sflag:s21] =	ssyncset.done $0x0  }
0x3d: {  	[sflag:s21] =	ssyncadd.s32 $0xFFFFC000  }
0x3e: {  	[bflag:$0x0] =	sbarrier.arrive $0xFFFF  }
0x3f: {  	_ =	strace $0x90000054  }
0x40: {  	s0 =	simm.s32 $0x0;
	_ =	strace $0x80000055  }
0x41: {  	[tilespmem:s0], [sflag:$0x3] =	stream.linear.gather [hbm4b:s10+s0], $0x1400, $0x200038;
	[tilespmem:$0x1E800] =	vst v63  }
0x42: {  	_ =	swait.ge [sflag:s21], $0x1400  }
0x43: {  	[sflag:s21] =	ssyncset.done $0x0  }
0x44: {  	[sflag:s21] =	ssyncadd.s32 $0xFFFFEC00  }
0x45: {  	[tilespmem:s22], [sflag:$0x3] =	stream.linear.gather [hbm4b:s11+s0], $0x1400, $0x200038;
	[tilespmem:$0x1E800] =	vst v63  }
0x46: {  	_ =	swait.ge [sflag:s21], $0x1400  }
0x47: {  	[sflag:s21] =	ssyncset.done $0x0  }
0x48: {  	[sflag:s21] =	ssyncadd.s32 $0xFFFFEC00  }
0x49: {  	_ =	strace $0x90000055  }
0x4a: {  	_ =	strace $0x80000056  }
0x4b: {  	[tilespmem:s20], [sflag:$0x1] =	stream.indirect.gather [hbm4b:s4+s23], $0x80, s0, s23, $0x2000b8;
	[tilespmem:$0x1E800] =	vst v63  }
0x4c: {  	_ = 	snop  }
0x4d: {  	[tilespmem:s24], [sflag:$0x2] =	stream.indirect.gather [hbm4b:s4+s23], $0x80, s23, s23, $0x2000b8;
	[tilespmem:$0x1E800] =	vst v63  }
0x4e: {  	_ =	swait.ge [sflag:s25], $0x4000  }
0x4f: {  	[sflag:s25] =	ssyncset.done $0x0  }
0x50: {  	s3 =	simm.s32 $0x1400;
	[sflag:s25] =	ssyncadd.s32 $0xFFFFC000  }
0x51: {  	[spmem:s1] =	stream.indirect.scatter.add.f32 [tilespmem:s20], [sflag:$0x3], $0x80, s3, s23, $0x2000b8;
	[tilespmem:$0x1E800] =	vst v63  }
0x52: {  	_ =	swait.ge [sflag:s21], $0x4000  }
0x53: {  	[sflag:s21] =	ssyncset.done $0x0  }
0x54: {  	s3 =	simm.s32 $0x100;
	[sflag:s21] =	ssyncadd.s32 $0xFFFFC000  }
0x55: {  	[tilespmem:s20], [sflag:$0x1] =	stream.indirect.gather [hbm4b:s4+s23], $0x80, s3, s23, $0x2000b8;
	[tilespmem:$0x1E800] =	vst v63  }
0x56: {  	_ =	swait.ge [sflag:s26], $0x4000  }
0x57: {  	[sflag:s26] =	ssyncset.done $0x0  }
0x58: {  	s3 =	simm.s32 $0x1480;
	[sflag:s26] =	ssyncadd.s32 $0xFFFFC000  }
0x59: {  	[spmem:s1] =	stream.indirect.scatter.add.f32 [tilespmem:s24], [sflag:$0x3], $0x80, s3, s23, $0x2000b8;
	[tilespmem:$0x1E800] =	vst v63  }
0x5a: {  	_ =	swait.ge [sflag:s21], $0x4000  }
0x5b: {  	[sflag:s21] =	ssyncset.done $0x0  }
0x5c: {  	s31 =	simm.s32 $0x400;
	s0 =	simm.s32 $0x180;
	[sflag:s21] =	ssyncadd.s32 $0xFFFFC000  }
.LBB2_4:
0x5d: {  	[tilespmem:s24], [sflag:$0x2] =	stream.indirect.gather [hbm4b:s4+s23], $0x80, s0, s23, $0x2000b8;
	[tilespmem:$0x1E800] =	vst v63  }
0x5e: {  	s0 =	smov.u32 s31  }
0x5f: {  	p0 =	sne.s32 s31, $0x4800;
	s31 =	sadd.s32 $0x400, s31;
	_ =	swait.ge [sflag:s25], $0x4000  }
0x60: {  	s0 =	sshra.s32 s0, $0x2;
	[sflag:s25] =	ssyncset.done $0x0  }
0x61: {  	s3 =	sadd.s32 $0x1400, s0;
	[sflag:s25] =	ssyncadd.s32 $0xFFFFC000  }
0x62: {  	[spmem:s1] =	stream.indirect.scatter.add.f32 [tilespmem:s20], [sflag:$0x3], $0x80, s3, s23, $0x2000b8;
	[tilespmem:$0x1E800] =	vst v63  }
0x63: {  	_ =	swait.ge [sflag:s21], $0x4000  }
0x64: {  	[sflag:s21] =	ssyncset.done $0x0  }
0x65: {  	s3 =	sadd.s32 $0x100, s0;
	[sflag:s21] =	ssyncadd.s32 $0xFFFFC000  }
0x66: {  	[tilespmem:s20], [sflag:$0x1] =	stream.indirect.gather [hbm4b:s4+s23], $0x80, s3, s23, $0x2000b8;
	[tilespmem:$0x1E800] =	vst v63  }
0x67: {  	_ =	swait.ge [sflag:s26], $0x4000  }
0x68: {  	[sflag:s26] =	ssyncset.done $0x0  }
.Ltmp1:
0x69: {  	s3 =	sadd.s32 $0x1480, s0;
	[sflag:s26] =	ssyncadd.s32 $0xFFFFC000;
	(pc) =	sbr.rel @p0 .LBB2_4-.Ltmp1, $4  }
0x6a: {  	[spmem:s1] =	stream.indirect.scatter.add.f32 [tilespmem:s24], [sflag:$0x3], $0x80, s3, s23, $0x2000b8;
	[tilespmem:$0x1E800] =	vst v63  }
0x6b: {  	_ =	swait.ge [sflag:s21], $0x4000  }
0x6c: {  	[sflag:s21] =	ssyncset.done $0x0  }
0x6d: {  	s0 =	sadd.s32 $0x180, s0;
	[sflag:s21] =	ssyncadd.s32 $0xFFFFC000  }
0x6e: {  	[tilespmem:s24], [sflag:$0x2] =	stream.indirect.gather [hbm4b:s4+s23], $0x80, s0, s23, $0x2000b8;
	[tilespmem:$0x1E800] =	vst v63  }
0x6f: {  	_ =	swait.ge [sflag:s25], $0x4000  }
0x70: {  	[sflag:s25] =	ssyncset.done $0x0  }
0x71: {  	[sflag:s25] =	ssyncadd.s32 $0xFFFFC000  }
0x72: {  	[spmem:s1] =	stream.indirect.scatter.add.f32 [tilespmem:s20], [sflag:$0x3], $0x80, s28, s23, $0x2000b8;
	[tilespmem:$0x1E800] =	vst v63  }
0x73: {  	_ =	swait.ge [sflag:s21], $0x4000  }
0x74: {  	[sflag:s21] =	ssyncset.done $0x0  }
0x75: {  	[sflag:s21] =	ssyncadd.s32 $0xFFFFC000  }
0x76: {  	_ =	swait.ge [sflag:s26], $0x4000  }
0x77: {  	[sflag:s26] =	ssyncset.done $0x0  }
0x78: {  	[sflag:s26] =	ssyncadd.s32 $0xFFFFC000  }
0x79: {  	[spmem:s1] =	stream.indirect.scatter.add.f32 [tilespmem:s24], [sflag:$0x3], $0x80, s29, s23, $0x2000b8;
	[tilespmem:$0x1E800] =	vst v63  }
0x7a: {  	_ =	swait.ge [sflag:s21], $0x4000  }
0x7b: {  	[sflag:s21] =	ssyncset.done $0x0  }
0x7c: {  	[sflag:s21] =	ssyncadd.s32 $0xFFFFC000  }
0x7d: {  	_ =	strace $0x90000056  }
0x7e: {  	s3 =	simm.s32 $0x0;
	_ =	strace $0x80000057  }
0x7f: {  	[tilespmem:s3], [sflag:$0x3] =	stream.linear.gather [hbm4b:s12+s3], $0x1400, $0x200038;
	[tilespmem:$0x1E800] =	vst v63  }
0x80: {  	_ =	swait.ge [sflag:s21], $0x1400  }
0x81: {  	[sflag:s21] =	ssyncset.done $0x0  }
0x82: {  	[sflag:s21] =	ssyncadd.s32 $0xFFFFEC00  }
0x83: {  	[tilespmem:s22], [sflag:$0x3] =	stream.linear.gather [hbm4b:s13+s3], $0x1400, $0x200038;
	[tilespmem:$0x1E800] =	vst v63  }
0x84: {  	_ =	swait.ge [sflag:s21], $0x1400  }
0x85: {  	[sflag:s21] =	ssyncset.done $0x0  }
0x86: {  	[sflag:s21] =	ssyncadd.s32 $0xFFFFEC00  }
0x87: {  	_ =	strace $0x90000057  }
0x88: {  	_ =	strace $0x80000058  }
0x89: {  	[tilespmem:s20], [sflag:$0x1] =	stream.indirect.gather [hbm4b:s4+s23], $0x80, s3, s23, $0x2000b8;
	[tilespmem:$0x1E800] =	vst v63  }
0x8a: {  	_ = 	snop  }
0x8b: {  	[tilespmem:s24], [sflag:$0x2] =	stream.indirect.gather [hbm4b:s4+s23], $0x80, s23, s23, $0x2000b8;
	[tilespmem:$0x1E800] =	vst v63  }
0x8c: {  	_ =	swait.ge [sflag:s25], $0x4000  }
0x8d: {  	[sflag:s25] =	ssyncset.done $0x0  }
0x8e: {  	s3 =	simm.s32 $0x1400;
	[sflag:s25] =	ssyncadd.s32 $0xFFFFC000  }
0x8f: {  	[spmem:s1] =	stream.indirect.scatter.add.f32 [tilespmem:s20], [sflag:$0x3], $0x80, s3, s23, $0x2000b8;
	[tilespmem:$0x1E800] =	vst v63  }
0x90: {  	_ =	swait.ge [sflag:s21], $0x4000  }
0x91: {  	[sflag:s21] =	ssyncset.done $0x0  }
0x92: {  	s3 =	simm.s32 $0x100;
	[sflag:s21] =	ssyncadd.s32 $0xFFFFC000  }
0x93: {  	[tilespmem:s20], [sflag:$0x1] =	stream.indirect.gather [hbm4b:s4+s23], $0x80, s3, s23, $0x2000b8;
	[tilespmem:$0x1E800] =	vst v63  }
0x94: {  	_ =	swait.ge [sflag:s26], $0x4000  }
0x95: {  	[sflag:s26] =	ssyncset.done $0x0  }
0x96: {  	s3 =	simm.s32 $0x1480;
	[sflag:s26] =	ssyncadd.s32 $0xFFFFC000  }
0x97: {  	[spmem:s1] =	stream.indirect.scatter.add.f32 [tilespmem:s24], [sflag:$0x3], $0x80, s3, s23, $0x2000b8;
	[tilespmem:$0x1E800] =	vst v63  }
0x98: {  	_ =	swait.ge [sflag:s21], $0x4000  }
0x99: {  	[sflag:s21] =	ssyncset.done $0x0  }
0x9a: {  	s31 =	simm.s32 $0x400;
	s0 =	simm.s32 $0x180;
	[sflag:s21] =	ssyncadd.s32 $0xFFFFC000  }
.LBB2_6:
0x9b: {  	[tilespmem:s24], [sflag:$0x2] =	stream.indirect.gather [hbm4b:s4+s23], $0x80, s0, s23, $0x2000b8;
	[tilespmem:$0x1E800] =	vst v63  }
0x9c: {  	s0 =	smov.u32 s31  }
0x9d: {  	p0 =	sne.s32 s31, $0x4800;
	s31 =	sadd.s32 $0x400, s31;
	_ =	swait.ge [sflag:s25], $0x4000  }
0x9e: {  	s0 =	sshra.s32 s0, $0x2;
	[sflag:s25] =	ssyncset.done $0x0  }
0x9f: {  	s3 =	sadd.s32 $0x1400, s0;
	[sflag:s25] =	ssyncadd.s32 $0xFFFFC000  }
0xa0: {  	[spmem:s1] =	stream.indirect.scatter.add.f32 [tilespmem:s20], [sflag:$0x3], $0x80, s3, s23, $0x2000b8;
	[tilespmem:$0x1E800] =	vst v63  }
0xa1: {  	_ =	swait.ge [sflag:s21], $0x4000  }
0xa2: {  	[sflag:s21] =	ssyncset.done $0x0  }
0xa3: {  	s3 =	sadd.s32 $0x100, s0;
	[sflag:s21] =	ssyncadd.s32 $0xFFFFC000  }
0xa4: {  	[tilespmem:s20], [sflag:$0x1] =	stream.indirect.gather [hbm4b:s4+s23], $0x80, s3, s23, $0x2000b8;
	[tilespmem:$0x1E800] =	vst v63  }
0xa5: {  	_ =	swait.ge [sflag:s26], $0x4000  }
0xa6: {  	[sflag:s26] =	ssyncset.done $0x0  }
.Ltmp2:
0xa7: {  	s3 =	sadd.s32 $0x1480, s0;
	[sflag:s26] =	ssyncadd.s32 $0xFFFFC000;
	(pc) =	sbr.rel @p0 .LBB2_6-.Ltmp2, $4  }
0xa8: {  	[spmem:s1] =	stream.indirect.scatter.add.f32 [tilespmem:s24], [sflag:$0x3], $0x80, s3, s23, $0x2000b8;
	[tilespmem:$0x1E800] =	vst v63  }
0xa9: {  	_ =	swait.ge [sflag:s21], $0x4000  }
0xaa: {  	[sflag:s21] =	ssyncset.done $0x0  }
0xab: {  	s0 =	sadd.s32 $0x180, s0;
	[sflag:s21] =	ssyncadd.s32 $0xFFFFC000  }
0xac: {  	[tilespmem:s24], [sflag:$0x2] =	stream.indirect.gather [hbm4b:s4+s23], $0x80, s0, s23, $0x2000b8;
	[tilespmem:$0x1E800] =	vst v63  }
0xad: {  	_ =	swait.ge [sflag:s25], $0x4000  }
0xae: {  	[sflag:s25] =	ssyncset.done $0x0  }
0xaf: {  	[sflag:s25] =	ssyncadd.s32 $0xFFFFC000  }
0xb0: {  	[spmem:s1] =	stream.indirect.scatter.add.f32 [tilespmem:s20], [sflag:$0x3], $0x80, s28, s23, $0x2000b8;
	[tilespmem:$0x1E800] =	vst v63  }
0xb1: {  	_ =	swait.ge [sflag:s21], $0x4000  }
0xb2: {  	[sflag:s21] =	ssyncset.done $0x0  }
0xb3: {  	[sflag:s21] =	ssyncadd.s32 $0xFFFFC000  }
0xb4: {  	_ =	swait.ge [sflag:s26], $0x4000  }
0xb5: {  	[sflag:s26] =	ssyncset.done $0x0  }
0xb6: {  	[sflag:s26] =	ssyncadd.s32 $0xFFFFC000  }
0xb7: {  	[spmem:s1] =	stream.indirect.scatter.add.f32 [tilespmem:s24], [sflag:$0x3], $0x80, s29, s23, $0x2000b8;
	[tilespmem:$0x1E800] =	vst v63  }
0xb8: {  	_ =	swait.ge [sflag:s21], $0x4000  }
0xb9: {  	[sflag:s21] =	ssyncset.done $0x0  }
0xba: {  	[sflag:s21] =	ssyncadd.s32 $0xFFFFC000  }
0xbb: {  	_ =	strace $0x90000058  }
0xbc: {  	_ =	strace $0x80000059  }
0xbd: {  	[bflag:$0x0] =	sbarrier.arrive $0xFFFF  }
0xbe: {  	[tilespmem:s20], [sflag:$0x3] =	stream.linear.gather [spmem:s5], $0x4000, $0x200038;
	[tilespmem:$0x1E800] =	vst v63  }
0xbf: {  	_ =	swait.ge [sflag:s21], $0x4000  }
0xc0: {  	[sflag:s21] =	ssyncset.done $0x0  }
0xc1: {  	[sflag:s21] =	ssyncadd.s32 $0xFFFFC000  }
0xc2: {  	[hbm4b:s15+s2] =	stream.linear.scatter [tilespmem:s20], [sflag:$0x3], $0x4000, $0x200038;
	[tilespmem:$0x1E800] =	vst v63  }
0xc3: {  	_ =	swait.ge [sflag:s21], $0x4000  }
0xc4: {  	[sflag:s21] =	ssyncset.done $0x0  }
0xc5: {  	[sflag:s21] =	ssyncadd.s32 $0xFFFFC000  }
0xc6: {  	[tilespmem:s24], [sflag:$0x3] =	stream.linear.gather [spmem:s6], $0x4000, $0x200038;
	[tilespmem:$0x1E800] =	vst v63  }
0xc7: {  	_ =	swait.ge [sflag:s21], $0x4000  }
0xc8: {  	[sflag:s21] =	ssyncset.done $0x0  }
0xc9: {  	[sflag:s21] =	ssyncadd.s32 $0xFFFFC000  }
0xca: {  	[hbm4b:s16+s2] =	stream.linear.scatter [tilespmem:s24], [sflag:$0x3], $0x4000, $0x200038;
	[tilespmem:$0x1E800] =	vst v63  }
0xcb: {  	_ =	swait.ge [sflag:s21], $0x4000  }
0xcc: {  	[sflag:s21] =	ssyncset.done $0x0  }
0xcd: {  	[sflag:s21] =	ssyncadd.s32 $0xFFFFC000  }
0xce: {  	[tilespmem:s20], [sflag:$0x3] =	stream.linear.gather [spmem:s7], $0x4000, $0x200038;
	[tilespmem:$0x1E800] =	vst v63  }
0xcf: {  	_ =	swait.ge [sflag:s21], $0x4000  }
0xd0: {  	[sflag:s21] =	ssyncset.done $0x0  }
0xd1: {  	[sflag:s21] =	ssyncadd.s32 $0xFFFFC000  }
0xd2: {  	[hbm4b:s17+s2] =	stream.linear.scatter [tilespmem:s20], [sflag:$0x3], $0x4000, $0x200038;
	[tilespmem:$0x1E800] =	vst v63  }
0xd3: {  	_ =	swait.ge [sflag:s21], $0x4000  }
0xd4: {  	[sflag:s21] =	ssyncset.done $0x0  }
0xd5: {  	[sflag:s21] =	ssyncadd.s32 $0xFFFFC000  }
0xd6: {  	[tilespmem:s24], [sflag:$0x3] =	stream.linear.gather [spmem:s8], $0x4000, $0x200038;
	[tilespmem:$0x1E800] =	vst v63  }
0xd7: {  	_ =	swait.ge [sflag:s21], $0x4000  }
0xd8: {  	[sflag:s21] =	ssyncset.done $0x0  }
0xd9: {  	[sflag:s21] =	ssyncadd.s32 $0xFFFFC000  }
0xda: {  	[hbm4b:s18+s2] =	stream.linear.scatter [tilespmem:s24], [sflag:$0x3], $0x4000, $0x200038;
	[tilespmem:$0x1E800] =	vst v63  }
0xdb: {  	_ =	swait.ge [sflag:s21], $0x4000  }
0xdc: {  	[sflag:s21] =	ssyncset.done $0x0  }
0xdd: {  	[sflag:s21] =	ssyncadd.s32 $0xFFFFC000  }
0xde: {  	[tilespmem:s20], [sflag:$0x3] =	stream.linear.gather [spmem:s9], $0x4000, $0x200038;
	[tilespmem:$0x1E800] =	vst v63  }
0xdf: {  	_ =	swait.ge [sflag:s21], $0x4000  }
0xe0: {  	s30 =	sadd.s32 $0x1, s30;
	[sflag:s21] =	ssyncset.done $0x0  }
0xe1: {  	p0 =	sne.s32 s30, s14;
	[sflag:s21] =	ssyncadd.s32 $0xFFFFC000  }
0xe2: {  	[hbm4b:s19+s2] =	stream.linear.scatter [tilespmem:s20], [sflag:$0x3], $0x4000, $0x200038;
	[tilespmem:$0x1E800] =	vst v63  }
.Ltmp3:
0xe3: {  	_ = 	snop;
	(pc) =	sbr.rel @p0 .LBB2_1-.Ltmp3, $4  }
0xe4: {  	_ =	swait.ge [sflag:s21], $0x4000  }
0xe5: {  	[sflag:s21] =	ssyncset.done $0x0  }
0xe6: {  	[sflag:s21] =	ssyncadd.s32 $0xFFFFC000  }
0xe7: {  	_ =	strace $0x90000059  }
0xe8: {  	_ =	sfence.sel $0x180000  }
0xe9: {  	[bflag:$0x0] =	sbarrier.arrive $0xFFFF  }
0xea: {  	_ =	strace $0x90000053  }
0xeb: {  	s0 =	stileid.u32;
	[bflag:$0x2] =	sbarrier.arrive $0xFFFF  }
0xec: {  	p0 =	sne.s32 s0, $0x0;
	s0 =	rddreg [dreg:$0x3]  }
0xed: {  	s0 =	sadd.s32 @!p0 $0x100000, s0  }
0xee: {  	[sflag:s0] =	ssyncadd.tile.s32 @!p0 $0x1;
	_ =	shalt  }
.Lfunc_end2:
_tile_overlayer_lowered:
.L_overlay_start_2:
0xef: {  	(tag) =	ssettag $0x2  }
0xf0: {  	s0 =	rddreg [dreg:$0x0];
	s2 =	stileid.u32  }
0xf1: {  	s1 =	rddreg [dreg:$0x1];
	p0 =	sne.s32 s2, $0x0  }
0xf2: {  	s3 =	rddreg [dreg:$0x2];
	[bflag:$0x3] =	sbarrier.arrive $0xFFFF;
	s2 =	simm.s32 @!p0 $0x1C03  }
0xf3: {  	[timem:s3], [sflag:s2] =	dma.local @!p0 [hbm:s0], s1  }
0xf4: {  	s0 =	simm.s32 @!p0 $0x3  }
0xf5: {  	_ =	swait.ge @!p0 [sflag:s0], s1  }
0xf6: {  	s1 =	ssub.s32 @!p0 $0x0, s1;
	[sflag:s0] =	ssyncset.done @!p0 $0x0  }
0xf7: {  	[sflag:s0] =	ssyncadd.s32 @!p0 s1  }
0xf8: {  	[bflag:$0x3] =	sbarrier.arrive $0xFFFF  }
0xf9: {  	_ =	shalt  }

// kernel: kernel.8.cloned.1.call-start
scs
__scs_entry_jumppad:
0x0: {  	(pc) =	sbr.rel $0x88, $3  }
0x1: {  	(tag) =	ssettag $0x0;
	lr =	simm.s32 $0x1  }
0x2: {  	[smem:$0x3F9B] =	sst lr;
	_ =	strace $0xD0000000  }
0x3: {  	_ = 	snop  }
0x4: {  	_ = 	snop  }
0x5: {  	_ = 	snop  }
0x6: {  	_ = 	snop  }
0x7: {  	_ = 	snop  }
__scs_overlays_trampoline_lowered:
0x8: {  	[smem:$0x3FAA] =	sst s0  }
0x9: {  	[smem:$0x3FAB] =	sst s1  }
0xa: {  	[smem:$0x3FAC] =	sst s2  }
0xb: {  	[smem:$0x3FAD] =	sst s3  }
0xc: {  	[smem:$0x3FAE] =	sst s4  }
0xd: {  	[smem:$0x3FAF] =	sst s5  }
0xe: {  	[smem:$0x3FB0] =	sst s6  }
0xf: {  	[smem:$0x3FB1] =	sst s7  }
0x10: {  	[smem:$0x3FB2] =	sst s8  }
0x11: {  	[smem:$0x3FB3] =	sst s9;
	s0 =	simm.s32 @!p0 $0x0  }
0x12: {  	s1 =	sld [smem:$0x3F99];
	s0 =	simm.s32 @p0 $0x1  }
0x13: {  	[smem:$0x3FB4] =	sst s0;
	s0 =	simm.s32 @!p1 $0x0  }
0x14: {  	s2 =	sld [smem:$0x3F98];
	s0 =	simm.s32 @p1 $0x1  }
0x15: {  	[smem:$0x3FB5] =	sst s0;
	s0 =	simm.s32 @!p2 $0x0  }
0x16: {  	s3 =	sld [smem:$0x3FDB];
	s0 =	simm.s32 @p2 $0x1  }
0x17: {  	s4 =	simm.s32 $0x1BF5;
	[smem:$0x3FB7] =	sst s0  }
0x18: {  	s0 =	sld [smem:$0x3F9A];
	_ =	swait.ge [sflag:s4], $0x0  }
0x19: {  	s7 =	sld [smem:$0x3F9B]  }
0x1a: {  	s8 =	sadd.s32 $0xFFFFE003, lr  }
0x1b: {  	s9 =	sadd.s32 $0xFFFFFEF7, lr;
	s5 =	simm.s32 $0xFFFFFFFF;
	p2 =	slt.u32 s8, $0xFFFFF086  }
0x1c: {  	p1 =	slt.u32 s9, $0xF7A;
	s5 =	simm.s32 @!p2 $0x0  }
0x1d: {  	s5 =	simm.s32 @p1 $0x1;
	p0 =	seq.s32 s7, s2  }
0x1e: {  	s7 =	smul.u32 @!p0 $0xF7A, s2;
	p2 =	seq.s32 @!p0 s5, $0x0  }
0x1f: {  	s9 =	smul.u32 $0xF7A, s1;
	s8 =	simm.s32 @!p0 $0x1BF5;
	p2 =	por !p2, p0  }
0x20: {  	[sflag:s8] =	ssyncset.s32 @!p0 $0xFFFFF086;
	s6 =	sadd.s32 @!p0 s3, s7;
	s7 =	simm.s32 @!p0 $0x108  }
0x21: {  	s3 =	sadd.s32 s3, s9;
	s6 =	sadd.s32 @!p0 $0x88, s6;
	s7 =	simm.s32 @p2 $0x1082  }
0x22: {  	[simem:s7], [sflag:s8] =	dma.local @!p0 [hbm:s6], $0xF7A  }
0x23: {  	s9 =	sor.u32 $0xD0000000, s2;
	s6 =	simm.s32 $0x108;
	_ =	swait.ge @!p0 [sflag:s8], $0x0  }
0x24: {  	s3 =	sadd.s32 $0x88, s3;
	s6 =	simm.s32 @!p1 $0x1082;
	[sflag:s4] =	ssyncset.s32 $0xFFFFF086  }
0x25: {  	[simem:s6], [sflag:s4] =	dma.local [hbm:s3], $0xF7A  }
0x26: {  	[smem:$0x3F9B] =	sst s1;
	(tag) =	ssettag s2;
	_ =	strace s9  }
0x27: {  	s1 =	sld [smem:$0x3FAB]  }
0x28: {  	s2 =	sld [smem:$0x3FAC]  }
0x29: {  	s4 =	sld [smem:$0x3FAE]  }
0x2a: {  	p0 =	seq.s32 s5, $0x0;
	s5 =	sld [smem:$0x3FAF]  }
0x2b: {  	s6 =	sld [smem:$0x3FB0]  }
0x2c: {  	s7 =	sld [smem:$0x3FB1]  }
0x2d: {  	s3 =	simm.s32 $0x108;
	s8 =	sld [smem:$0x3FB2]  }
0x2e: {  	s3 =	simm.s32 @!p0 $0x1082;
	s9 =	sld [smem:$0x3FB3]  }
0x2f: {  	lr =	sadd.s32 s0, s3;
	s0 =	sld [smem:$0x3FAA]  }
0x30: {  	s3 =	sld [smem:$0x3FAD]  }
0x31: {  	[smem:$0x3FB6] =	sst s10  }
0x32: {  	s10 =	sld [smem:$0x3FB4];
	_ =	sdelay $0x3  }
0x33: {  	p0 =	seq.s32 s10, $0x1;
	s10 =	sld [smem:$0x3FB6];
	_ =	sdelay $0x3  }
0x34: {  	[smem:$0x3FB6] =	sst s10  }
0x35: {  	s10 =	sld [smem:$0x3FB5];
	_ =	sdelay $0x3  }
0x36: {  	p1 =	seq.s32 s10, $0x1;
	s10 =	sld [smem:$0x3FB6];
	_ =	sdelay $0x3  }
0x37: {  	[smem:$0x3FB6] =	sst s10  }
0x38: {  	s10 =	sld [smem:$0x3FB7]  }
0x39: {  	_ = 	snop;
	(pc) =	sbr.ind lr, $3  }
0x3a: {  	_ = 	snop  }
0x3b: {  	_ = 	snop  }
0x3c: {  	p2 =	seq.s32 s10, $0x1;
	s10 =	sld [smem:$0x3FB6]  }
0x3d: {  	_ =	shalt  }
0x3e: {  	_ =	shalt  }
0x3f: {  	_ =	shalt  }
0x40: {  	_ =	shalt  }
0x41: {  	_ =	shalt  }
0x42: {  	_ =	shalt  }
0x43: {  	_ =	shalt  }
0x44: {  	_ =	shalt  }
0x45: {  	_ =	shalt  }
0x46: {  	_ =	shalt  }
0x47: {  	_ =	shalt  }
0x48: {  	_ =	shalt  }
0x49: {  	_ =	shalt  }
0x4a: {  	_ =	shalt  }
0x4b: {  	_ =	shalt  }
0x4c: {  	_ =	shalt  }
0x4d: {  	_ =	shalt  }
0x4e: {  	_ =	shalt  }
0x4f: {  	_ =	shalt  }
0x50: {  	_ =	shalt  }
0x51: {  	_ =	shalt  }
0x52: {  	_ =	shalt  }
0x53: {  	_ =	shalt  }
0x54: {  	_ =	shalt  }
0x55: {  	_ =	shalt  }
0x56: {  	_ =	shalt  }
0x57: {  	_ =	shalt  }
0x58: {  	_ =	shalt  }
0x59: {  	_ =	shalt  }
0x5a: {  	_ =	shalt  }
0x5b: {  	_ =	shalt  }
0x5c: {  	_ =	shalt  }
0x5d: {  	_ =	shalt  }
0x5e: {  	_ =	shalt  }
0x5f: {  	_ =	shalt  }
0x60: {  	_ =	shalt  }
0x61: {  	_ =	shalt  }
0x62: {  	_ =	shalt  }
0x63: {  	_ =	shalt  }
0x64: {  	_ =	shalt  }
0x65: {  	_ =	shalt  }
0x66: {  	_ =	shalt  }
0x67: {  	_ =	shalt  }
0x68: {  	_ =	shalt  }
0x69: {  	_ =	shalt  }
0x6a: {  	_ =	shalt  }
0x6b: {  	_ =	shalt  }
0x6c: {  	_ =	shalt  }
0x6d: {  	_ =	shalt  }
0x6e: {  	_ =	shalt  }
0x6f: {  	_ =	shalt  }
0x70: {  	_ =	shalt  }
0x71: {  	_ =	shalt  }
0x72: {  	_ =	shalt  }
0x73: {  	_ =	shalt  }
0x74: {  	_ =	shalt  }
0x75: {  	_ =	shalt  }
0x76: {  	_ =	shalt  }
0x77: {  	_ =	shalt  }
0x78: {  	_ =	shalt  }
0x79: {  	_ =	shalt  }
0x7a: {  	_ =	shalt  }
0x7b: {  	_ =	shalt  }
0x7c: {  	_ =	shalt  }
0x7d: {  	_ =	shalt  }
0x7e: {  	_ =	shalt  }
0x7f: {  	_ =	shalt  }
0x80: {  	_ =	shalt  }
0x81: {  	_ =	shalt  }
0x82: {  	_ =	shalt  }
0x83: {  	_ =	shalt  }
0x84: {  	_ =	shalt  }
0x85: {  	_ =	shalt  }
0x86: {  	_ =	shalt  }
0x87: {  	_ =	shalt  }
.Lfunc_end0:
.L_simem_size_0:
called_computation_lowered:
.L_overlay_start_0:
0x88: {  	s2 =	sld [smem:$0x3FD9]  }
0x89: {  	s3 =	sld [smem:$0x3FFE];
	_ =	sdelay $0x1  }
0x8a: {  	s1 =	srdreg.scid  }
0x8b: {  	s0 =	sand.u32 $0x1, s1  }
0x8c: {  	s16 =	sshll.u32 s0, $0xA;
	s2 =	sadd.s32 s3, s2  }
0x8d: {  	s2 =	sadd.s32 s2, s16  }
0x8e: {  	[smem:$0x3FC2] =	sst s2  }
0x8f: {  	_ = 	snop  }
0x90: {  	(tm) =	ssettm $0x1  }
0x91: {  	s17 =	sld [smem:$0x3FFB];
	_ =	sdelay $0x3  }
0x92: {  	_ =	strace s17  }
0x93: {  	s2 =	sld [smem:$0x3FFC];
	_ =	sdelay $0x3  }
0x94: {  	_ =	strace s2  }
0x95: {  	s2 =	sld [smem:$0x3FFD];
	_ =	sdelay $0x3  }
0x96: {  	_ =	strace s2  }
0x97: {  	_ =	strace $0x8FFFFFFF  }
0x98: {  	s18 =	sld [smem:$0x3FDB];
	_ =	sdelay $0x1  }
0x99: {  	s19 =	simm.s32 $_scs_section_size  }
0x9a: {  	s4 =	simm.s32 $_size__tile_overlayer_lowered;
	s5 =	simm.s32 $_tile_overlayer_lowered  }
0x9b: {  	s22 =	simm.s32 $0x1BFF;
	s21 =	sshll.u32 s5, $0x1;
	s2 =	sadd.s32 s19, s18  }
0x9c: {  	s6 =	simm.s32 $0x0;
	s20 =	sshll.u32 s4, $0x1;
	s4 =	sadd.s32 s21, s2  }
0x9d: {  	[timem:s6], [sflag:s22] =	dma.local [hbm:s4], s20  }
0x9e: {  	_ =	swait.ge [sflag:s22], s20  }
0x9f: {  	s3 =	ssub.s32 $0x0, s20;
	[sflag:s22] =	ssyncset.done $0x0  }
0xa0: {  	[sflag:s22] =	ssyncadd.s32 s3;
	_ =	sdelay $0x1  }
0xa1: {  	s23 =	simm.s32 $0x1B8B  }
0xa2: {  	_ =	swait.ge [sflag:s23], $0x1  }
0xa3: {  	[sflag:s23] =	ssyncset.done $0x0  }
0xa4: {  	s25 =	simm.s32 $0x1B8E;
	s24 =	sld [smem:$0x3FFE];
	[sflag:s23] =	ssyncadd.s32 $0xFFFFFFFF  }
0xa5: {  	s26 =	simm.s32 $execute0_lowered;
	[smem:$0x3FD2] =	sst s25  }
0xa6: {  	s4 =	sshll.u32 s26, $0x1;
	_ =	strace $0x80000046;
	[dreg:$0x1] =	wrdreg $0xFFFFFFFF  }
0xa7: {  	s28 =	simm.s32 $_size_execute0_lowered;
	s2 =	sadd.s32 s2, s4;
	[dreg:$0x0] =	wrdreg $0x0  }
0xa8: {  	s4 =	sshll.u32 s28, $0x1;
	[dreg:$0x2] =	wrdreg s2  }
0xa9: {  	[dreg:$0x3] =	wrdreg s4  }
0xaa: {  	[dreg:$0x4] =	wrdreg $0xC0  }
0xab: {  	_ =	task [dreg:s6], $0x5FFFF  }
0xac: {  	[dreg:$0x1] =	wrdreg $0xFFFFFFFF  }
0xad: {  	[dreg:$0x0] =	wrdreg $0x60  }
0xae: {  	[dreg:$0x2] =	wrdreg s24  }
0xaf: {  	[dreg:$0x3] =	wrdreg $0xA8000  }
0xb0: {  	[dreg:$0x4] =	wrdreg $0x9  }
0xb1: {  	_ =	task.clear_ibuf [dreg:s6], $0x5FFFF;
	_ =	strace $0x90000046  }
0xb2: {  	s29 =	simm.s32 $0x9;
	_ =	strace $0x80000048  }
0xb3: {  	_ =	swait.ge [sflag:s29], $0x1  }
0xb4: {  	[sflag:s29] =	ssyncadd.s32 $0xFFFFFFFF  }
0xb5: {  	_ =	strace $0x90000048  }
0xb6: {  	_ =	sfence  }
0xb7: {  	s30 =	sld [smem:$0x0];
	_ =	sdelay $0x2  }
0xb8: {  	s31 =	sshll.u32 s1, $0xD;
	s1 =	sshrl.u32 s1, $0x2  }
0xb9: {  	s3 =	sand.u32 $0x4000, s31;
	s1 =	sadd.s32 s1, s30  }
0xba: {  	s0 =	sor.u32 s3, s0;
	s1 =	sshll.u32 s1, $0x11  }
0xbb: {  	s0 =	sor.u32 s1, s0  }
0xbc: {  	s0 =	sadd.s32 $0x8F2B, s0  }
0xbd: {  	[sflag:s0] =	ssyncadd.remote.s32 $0x1  }
0xbe: {  	_ =	sfence.sel $0xFFFF  }
0xbf: {  	[dreg:$0x0] =	wrdreg $0xFFFFFFFF;
	(pc) =	sbr.abs _section_cstart, $3  }
0xc0: {  	[dreg:$0x1] =	wrdreg $0xFFFFFFFF  }
0xc1: {  	_ =	task.clear_ibuf [dreg:s6], $0x2FFFF;
	_ =	strace $0x9FFFFFFF  }
0xc2: {  	(tm) =	ssettm $0x7FFFFFFF  }
0xc3: {  	_ =	shalt  }
tec
execute0_lowered:
.L_overlay_start_1:
0x0: {  	(tag) =	ssettag $0x1  }
0x1: {  	s0 =	srdreg.scid;
	s5 =	rddreg [dreg:$0x0]  }
0x2: {  	s2 =	rddreg [dreg:$0x1];
	s3 =	simm.s32 $0x0;
	s4 =	sand.u32 $0x1, s0  }
0x3: {  	s13 =	simm.s32 $0x1;
	s0 =	stileid.u32;
	s7 =	smul.u32 $0x140000, s4  }
0x4: {  	s14 =	simm.s32 $0x80;
	s15 =	simm.s32 $0x2800;
	s8 =	smul.u32 $0x14000, s0  }
0x5: {  	[smem:$0x7FF] =	sst s3;
	s1 =	sshll.u32 s4, $0x4;
	s9 =	smul.u32 $0x50000, s0  }
0x6: {  	s29 =	ssub.s32 $0x2, s4;
	s16 =	sshll.u32 s0, $0x6;
	s1 =	sor.u32 s0, s1  }
0x7: {  	s31 =	sshrl.u32 s29, $0x1;
	s16 =	sor.u32 $0x1C01, s16;
	s6 =	smul.u32 $0x500, s1  }
0x8: {  	s1 =	rddreg [dreg:$0x2];
	_ =	strace $0x80000047;
	s30 =	sshrl.u32 s9, $0x2  }
0x9: {  	s28 =	sadd.s32 s8, s7;
	s12 =	ssub.s32 s29, s31;
	s4 =	sadd.s32 s30, s2  }
0xa: {  	s10 =	sadd.s32 s6, s5;
	s6 =	sshrl.u32 s28, $0x3;
	s7 =	sadd.s32 $0xC000, s4  }
0xb: {  	s8 =	sadd.s32 $0x10000, s4;
	s17 =	sshrl.u32 s4, $0x3;
	s11 =	sadd.s32 s6, s5  }
0xc: {  	s5 =	sadd.s32 $0x4000, s4;
	s6 =	sadd.s32 $0x8000, s4;
	s9 =	sadd.s32 $0x3600, s10  }
0xd: {  	v0 =	vimm.f32 $1.000000000e+00;
	v1 =	vimm.f32 $0.0e+00;
	s10 =	sadd.s32 $0xD600, s11;
	s11 =	smax.u32 s12, $0x1;
	s12 =	simm.s32 $0x6800  }
.LBB2_1:
0xe: {  	s18 =	simm.s32 $0x0;
	s19 =	simm.s32 $0x200  }
.LBB2_2:
0xf: {  	p0 =	sne.s32 s19, $0xFE00;
	[tilespmem:s18+$0x6870] =	vst v1  }
0x10: {  	[tilespmem:s18+$0x2800] =	vst v0  }
0x11: {  	[tilespmem:s18+$0x6800] =	vst v1  }
0x12: {  	[tilespmem:s18+$0x2810] =	vst v0  }
0x13: {  	[tilespmem:s18+$0x6810] =	vst v1  }
0x14: {  	[tilespmem:s18+$0x2820] =	vst v0  }
0x15: {  	[tilespmem:s18+$0x6820] =	vst v1  }
0x16: {  	[tilespmem:s18+$0x2830] =	vst v0  }
0x17: {  	[tilespmem:s18+$0x6830] =	vst v1  }
0x18: {  	[tilespmem:s18+$0x2840] =	vst v0  }
0x19: {  	[tilespmem:s18+$0x6840] =	vst v1  }
.Ltmp0:
0x1a: {  	[tilespmem:s18+$0x2850] =	vst v0;
	(pc) =	sbr.rel @p0 .LBB2_2-.Ltmp0, $4  }
0x1b: {  	[tilespmem:s18+$0x6850] =	vst v1  }
0x1c: {  	[tilespmem:s18+$0x2860] =	vst v0  }
0x1d: {  	[tilespmem:s18+$0x6860] =	vst v1  }
0x1e: {  	[tilespmem:s18+$0x2870] =	vst v0;
	s18 =	sshra.s32 s19, $0x2;
	s19 =	sadd.s32 $0x200, s19  }
0x1f: {  	[tilespmem:s18+$0x6870] =	vst v1  }
0x20: {  	[tilespmem:s18+$0x2800] =	vst v0  }
0x21: {  	[tilespmem:s18+$0x6800] =	vst v1  }
0x22: {  	[tilespmem:s18+$0x2810] =	vst v0  }
0x23: {  	[tilespmem:s18+$0x6810] =	vst v1  }
0x24: {  	[tilespmem:s18+$0x2820] =	vst v0  }
0x25: {  	[tilespmem:s18+$0x6820] =	vst v1  }
0x26: {  	[tilespmem:s18+$0x2830] =	vst v0  }
0x27: {  	[tilespmem:s18+$0x6830] =	vst v1  }
0x28: {  	[tilespmem:s18+$0x2840] =	vst v0  }
0x29: {  	[tilespmem:s18+$0x6840] =	vst v1  }
0x2a: {  	[tilespmem:s18+$0x2850] =	vst v0  }
0x2b: {  	[tilespmem:s18+$0x6850] =	vst v1  }
0x2c: {  	[tilespmem:s18+$0x2860] =	vst v0  }
0x2d: {  	[tilespmem:s18+$0x6860] =	vst v1  }
0x2e: {  	[tilespmem:s18+$0x2870] =	vst v0  }
0x2f: {  	[spmem:s4] =	stream.linear.scatter [tilespmem:s12], [sflag:$0x1], $0x4000, $0x38;
	[tilespmem:$0x1E800] =	vst v63  }
0x30: {  	_ =	swait.ge [sflag:s13], $0x4000  }
0x31: {  	[sflag:s13] =	ssyncset.done $0x0  }
0x32: {  	[sflag:s13] =	ssyncadd.s32 $0xFFFFC000  }
0x33: {  	[spmem:s5] =	stream.linear.scatter [tilespmem:s12], [sflag:$0x1], $0x4000, $0x38;
	[tilespmem:$0x1E800] =	vst v63  }
0x34: {  	_ =	swait.ge [sflag:s13], $0x4000  }
0x35: {  	[sflag:s13] =	ssyncset.done $0x0  }
0x36: {  	[sflag:s13] =	ssyncadd.s32 $0xFFFFC000  }
0x37: {  	[spmem:s6] =	stream.linear.scatter [tilespmem:s12], [sflag:$0x1], $0x4000, $0x38;
	[tilespmem:$0x1E800] =	vst v63  }
0x38: {  	_ =	swait.ge [sflag:s13], $0x4000  }
0x39: {  	[sflag:s13] =	ssyncset.done $0x0  }
0x3a: {  	[sflag:s13] =	ssyncadd.s32 $0xFFFFC000  }
0x3b: {  	[spmem:s7] =	stream.linear.scatter [tilespmem:s12], [sflag:$0x1], $0x4000, $0x38;
	[tilespmem:$0x1E800] =	vst v63  }
0x3c: {  	_ =	swait.ge [sflag:s13], $0x4000  }
0x3d: {  	[sflag:s13] =	ssyncset.done $0x0  }
0x3e: {  	[sflag:s13] =	ssyncadd.s32 $0xFFFFC000  }
0x3f: {  	[spmem:s8] =	stream.linear.scatter [tilespmem:s12], [sflag:$0x1], $0x4000, $0x38;
	[tilespmem:$0x1E800] =	vst v63  }
0x40: {  	_ =	swait.ge [sflag:s13], $0x4000  }
0x41: {  	[sflag:s13] =	ssyncset.done $0x0  }
0x42: {  	s30 =	simm.s32 $0x0;
	[sflag:s13] =	ssyncadd.s32 $0xFFFFC000  }
0x43: {  	[tilespmem:s30], [sflag:$0x1] =	stream.linear.gather [hbm4b:s9+s30], $0x2800, $0x38;
	[tilespmem:$0x1E800] =	vst v63  }
0x44: {  	_ =	swait.ge [sflag:s13], $0x2800  }
0x45: {  	[sflag:s13] =	ssyncset.done $0x0  }
0x46: {  	[sflag:s13] =	ssyncadd.s32 $0xFFFFD800  }
0x47: {  	s31 =	simm.s32 $0x0;
	[bflag:$0x0] =	sbarrier.arrive $0xFFFF  }
0x48: {  	[spmem:s2] =	stream.indirect.scatter.add.f32 [tilespmem:s15], [sflag:$0x1], $0x80, s31, s14, $0xb8;
	[tilespmem:$0x1E800] =	vst v63  }
0x49: {  	_ =	swait.ge [sflag:s13], $0x4000  }
0x4a: {  	s18 =	simm.s32 $0x200;
	[sflag:s13] =	ssyncset.done $0x0  }
.LBB2_4:
0x4b: {  	s19 =	sshra.s32 s18, $0x2;
	[sflag:s13] =	ssyncadd.s32 $0xFFFFC000;
	p0 =	sne.s32 s18, $0x9E00  }
0x4c: {  	[spmem:s2] =	stream.indirect.scatter.add.f32 [tilespmem:s15], [sflag:$0x1], $0x80, s19, s14, $0xb8;
	[tilespmem:$0x1E800] =	vst v63  }
.Ltmp1:
0x4d: {  	_ = 	snop;
	(pc) =	sbr.rel @p0 .LBB2_4-.Ltmp1, $4  }
0x4e: {  	_ = 	snop  }
0x4f: {  	s18 =	sadd.s32 $0x200, s18  }
0x50: {  	_ =	swait.ge [sflag:s13], $0x4000  }
0x51: {  	[sflag:s13] =	ssyncset.done $0x0  }
0x52: {  	s3 =	sadd.s32 $0x1, s3  }
0x53: {  	[sflag:s13] =	ssyncadd.s32 $0xFFFFC000;
	p0 =	sne.s32 s3, s11  }
.Ltmp2:
0x54: {  	[bflag:$0x0] =	sbarrier.arrive $0xFFFF;
	(pc) =	sbr.rel @p0 .LBB2_1-.Ltmp2, $4  }
0x55: {  	[hbm:s10], [sflag:s16] =	dma.local [spmem:s17], $0x2800  }
0x56: {  	_ =	swait.ge [sflag:s13], $0x2800  }
0x57: {  	[sflag:s13] =	ssyncset.done $0x0  }
0x58: {  	[sflag:s13] =	ssyncadd.s32 $0xFFFFD800  }
0x59: {  	_ =	sfence.sel $0x180000  }
0x5a: {  	[bflag:$0x0] =	sbarrier.arrive $0xFFFF  }
0x5b: {  	p0 =	sne.s32 s0, $0x0;
	_ =	strace $0x90000047  }
0x5c: {  	s0 =	sadd.s32 @!p0 $0x100000, s1;
	[bflag:$0x2] =	sbarrier.arrive $0xFFFF  }
0x5d: {  	[sflag:s0] =	ssyncadd.tile.s32 @!p0 $0x1;
	_ =	shalt  }
.Lfunc_end2:
_tile_overlayer_lowered:
.L_overlay_start_2:
0x5e: {  	(tag) =	ssettag $0x2  }
0x5f: {  	s0 =	rddreg [dreg:$0x0];
	s2 =	stileid.u32  }
0x60: {  	s1 =	rddreg [dreg:$0x1];
	p0 =	sne.s32 s2, $0x0  }
0x61: {  	s3 =	rddreg [dreg:$0x2];
	[bflag:$0x3] =	sbarrier.arrive $0xFFFF;
	s2 =	simm.s32 @!p0 $0x1C01  }
0x62: {  	[timem:s3], [sflag:s2] =	dma.local @!p0 [hbm:s0], s1  }
0x63: {  	s0 =	simm.s32 @!p0 $0x1  }
0x64: {  	_ =	swait.ge @!p0 [sflag:s0], s1  }
0x65: {  	s1 =	ssub.s32 @!p0 $0x0, s1;
	[sflag:s0] =	ssyncset.done @!p0 $0x0  }
0x66: {  	[sflag:s0] =	ssyncadd.s32 @!p0 s1  }
0x67: {  	[bflag:$0x3] =	sbarrier.arrive $0xFFFF  }
0x68: {  	_ =	shalt  }

</sc_bundles>
